<compile_context>
chip_gen: v7x
topology: tpu7x:2x2x1
jax: 0.10.2.dev20260603
libtpu: 0.0.44.dev20260713+nightly
codegen_flags: <defaults>
</compile_context>

<pallas_src>
import functools

import jax
import jax.numpy as jnp
from jax import lax
from jax.experimental import pallas as pl
from jax.experimental.pallas import tpu as pltpu
from jax.experimental.pallas import tpu_sc as plsc

NC = 2
NS = 16
NW = NC * NS
L = 16
CH = 80
DOUT = 144


def _sc_gather(x, src, dst):
    N, D = x.shape
    E = src.shape[0]
    epw = E // NW
    nch = epw // CH

    mesh = plsc.VectorSubcoreMesh(core_axis_name="c", subcore_axis_name="s")

    @functools.partial(
        pl.kernel,
        mesh=mesh,
        out_type=(
            jax.ShapeDtypeStruct((E, D), jnp.float32),
            jax.ShapeDtypeStruct((E, D), jnp.float32),
        ),
        scratch_types=[
            pltpu.VMEM((2, CH), jnp.int32),
            pltpu.VMEM((2, CH), jnp.int32),
            pltpu.VMEM((2, CH, D), jnp.float32),
            pltpu.VMEM((2, CH, D), jnp.float32),
        ] + [pltpu.SemaphoreType.DMA] * 8,
    )
    def k(x_hbm, src_hbm, dst_hbm,
          se_hbm, xd_hbm,
          sbuf, dbuf, xb, qb,
          si0, si1, gx0, gx1, gq0, gq1, wx0, wx1):
        wid = lax.axis_index("s") * NC + lax.axis_index("c")
        base = wid * epw
        semi = [si0, si1]
        semgx = [gx0, gx1]
        semgq = [gq0, gq1]
        semw = [wx0, wx1]

        def idx_issue(c, b):
            e0 = base + c * CH
            pltpu.async_copy(src_hbm.at[pl.ds(e0, CH)], sbuf.at[b], semi[b])
            pltpu.async_copy(dst_hbm.at[pl.ds(e0, CH)], dbuf.at[b], semi[b])

        def idx_wait(b):
            pltpu.make_async_copy(src_hbm.at[pl.ds(0, CH)], sbuf.at[b],
                                  semi[b]).wait()
            pltpu.make_async_copy(dst_hbm.at[pl.ds(0, CH)], dbuf.at[b],
                                  semi[b]).wait()

        def gather_issue(b):
            pltpu.async_copy(x_hbm.at[sbuf.at[b]], xb.at[b], semgx[b])
            pltpu.async_copy(x_hbm.at[dbuf.at[b]], qb.at[b], semgq[b])

        def gather_wait(b):
            pltpu.make_async_copy(x_hbm.at[sbuf.at[b]], xb.at[b],
                                  semgx[b]).wait()
            pltpu.make_async_copy(x_hbm.at[dbuf.at[b]], qb.at[b],
                                  semgq[b]).wait()

        def write_issue(c, b):
            e0 = base + c * CH
            pltpu.async_copy(xb.at[b], se_hbm.at[pl.ds(e0, CH)], semw[b])
            pltpu.async_copy(qb.at[b], xd_hbm.at[pl.ds(e0, CH)], semw[b])

        def write_wait(b):
            pltpu.make_async_copy(xb.at[b], se_hbm.at[pl.ds(0, CH)],
                                  semw[b]).wait()
            pltpu.make_async_copy(qb.at[b], xd_hbm.at[pl.ds(0, CH)],
                                  semw[b]).wait()

        idx_issue(0, 0)
        idx_issue(1, 1)
        idx_wait(0)
        gather_issue(0)

        def step(i, _):
            for b in (0, 1):
                c = 2 * i + b
                nb = 1 - b

                @pl.when(c < nch)
                def _():
                    gather_wait(b)
                    write_issue(c, b)

                    @pl.when(c + 2 < nch)
                    def _():
                        idx_issue(c + 2, b)

                    @pl.when(c + 1 < nch)
                    def _():
                        idx_wait(nb)

                        @pl.when(c >= 1)
                        def _():
                            write_wait(nb)

                        gather_issue(nb)
            return 0

        lax.fori_loop(0, (nch + 1) // 2, step, 0)
        write_wait(0)
        write_wait(1)

    return k(x, src, dst)


def _tc_edge(se, xd, dstb, TS, ete, ety, inv11, rel_table, W1aT, W1bT, w1c,
             b1, w2, b2, WqT, bq, WkT, bk, WvT, bv, S, ST):
    E, D = se.shape
    NA = TS.shape[0]
    R = rel_table.shape[0]
    H = S.shape[1]
    EB = 640
    scale = 1.0 / (float(D // H) ** 0.5)

    def body(se_r, xd_r, dst_r, ts_r, ete_r, ety_r, inv_r, rel_r, w1a_r,
             w1b_r, w1c_r, b1_r, w2_r, b2_r, wq_r, bq_r, wk_r, bk_r, wv_r,
             bv_r, s_r, st_r, out_r, ex_r):
        db = dst_r[...]
        hi = db // 128
        lo = db - hi * 128
        oh_hi = (hi == lax.broadcasted_iota(jnp.int32, (EB, NA), 1)
                 ).astype(jnp.float32)
        rows = jnp.dot(oh_hi, ts_r[...], preferred_element_type=jnp.float32)
        oh_lo = (lo == lax.broadcasted_iota(jnp.int32, (EB, 128), 1)
                 ).astype(jnp.float32)
        tsd = jnp.sum(rows * oh_lo, axis=1, keepdims=True)
        z = (tsd - ete_r[...]) * inv_r[...]
        tmb = 1.0 / (1.0 + jnp.exp(-z))
        iot = lax.broadcasted_iota(jnp.int32, (EB, R), 1)
        onehot = (ety_r[...] == iot).astype(jnp.float32)
        rel0 = jnp.dot(onehot, rel_r[...], preferred_element_type=jnp.float32)
        rel_emb = rel0 * tmb
        seb = se_r[...]
        h = jnp.dot(seb, w1a_r[...], preferred_element_type=jnp.float32)
        h = h + jnp.dot(rel_emb, w1b_r[...], preferred_element_type=jnp.float32)
        h = h + tmb * w1c_r[...] + b1_r[...]
        h = jnp.maximum(h, 0.0)
        d = jnp.dot(h, w2_r[...], preferred_element_type=jnp.float32) + b2_r[...]
        d = 1.0 / (1.0 + jnp.exp(-d))
        mess = seb * rel_emb * d
        q = jnp.dot(xd_r[...], wq_r[...], preferred_element_type=jnp.float32) + bq_r[...]
        kk = jnp.dot(mess, wk_r[...], preferred_element_type=jnp.float32) + bk_r[...]
        v = jnp.dot(mess, wv_r[...], preferred_element_type=jnp.float32) + bv_r[...]
        sc = jnp.dot(q * kk, s_r[...], preferred_element_type=jnp.float32) * scale
        ex = jnp.exp(sc)
        exb = jnp.dot(ex, st_r[...], preferred_element_type=jnp.float32)
        out_r[...] = v * exb
        ex_r[...] = exb

    full = lambda shape: pl.BlockSpec(shape, lambda i: (0,) * len(shape))
    grid = (E // EB,)
    return pl.pallas_call(
        body,
        grid=grid,
        in_specs=[
            pl.BlockSpec((EB, D), lambda i: (i, 0)),
            pl.BlockSpec((EB, D), lambda i: (i, 0)),
            pl.BlockSpec((EB, 1), lambda i: (i, 0)),
            full((NA, 128)),
            pl.BlockSpec((EB, 1), lambda i: (i, 0)),
            pl.BlockSpec((EB, 1), lambda i: (i, 0)),
            full((1, 1)),
            full((R, D)),
            full((D, D)), full((D, D)), full((1, D)), full((1, D)),
            full((D, 1)), full((1, 1)),
            full((D, D)), full((1, D)),
            full((D, D)), full((1, D)),
            full((D, D)), full((1, D)),
            full((D, H)), full((H, D)),
        ],
        out_specs=[pl.BlockSpec((EB, D), lambda i: (i, 0)),
                   pl.BlockSpec((EB, D), lambda i: (i, 0))],
        out_shape=(jax.ShapeDtypeStruct((E, D), jnp.float32),
                   jax.ShapeDtypeStruct((E, D), jnp.float32)),
    )(se, xd, dstb, TS, ete, ety, inv11, rel_table, W1aT, W1bT, w1c, b1,
      w2, b2, WqT, bq, WkT, bk, WvT, bv, S, ST)


def _sc_scatter(vp, exb, dst, N):
    E = dst.shape[0]
    D = vp.shape[1]
    ept = E // NS
    nch = ept // CH
    NP = ((N + NS * CH - 1) // (NS * CH)) * (NS * CH)
    rows = NP // NS
    nz = rows // CH

    mesh = plsc.VectorSubcoreMesh(core_axis_name="c", subcore_axis_name="s")

    @functools.partial(
        pl.kernel,
        mesh=mesh,
        out_type=(jax.ShapeDtypeStruct((NP, D), jnp.float32),
                  jax.ShapeDtypeStruct((NP, D), jnp.float32)),
        scratch_types=[
            pltpu.VMEM_SHARED((NP, D), jnp.float32),
            pltpu.VMEM((2, CH), jnp.int32),
            pltpu.VMEM((2, CH, D), jnp.float32),
        ] + [pltpu.SemaphoreType.DMA] * 4,
    )
    def k(vp_hbm, ex_hbm, dst_hbm, zero_hbm, out_hbm, oute_hbm,
          acc, idxb, mbuf, sl0, sl1, ss0, ss1):
        cid = lax.axis_index("c")
        sid = lax.axis_index("s")
        seml = [sl0, sl1]
        sems = [ss0, ss1]

        pltpu.sync_copy(zero_hbm, mbuf.at[0])

        def zchunk(z, _):
            pltpu.sync_copy(mbuf.at[0],
                            acc.at[pl.ds(sid * rows + z * CH, CH)])
            return 0

        lax.fori_loop(0, nz, zchunk, 0)
        plsc.subcore_barrier()

        base = sid * ept

        def make_loop(pay_hbm):
            def load_issue(c, b):
                e0 = base + c * CH
                pltpu.async_copy(dst_hbm.at[pl.ds(e0, CH)], idxb.at[b],
                                 seml[b])
                pltpu.async_copy(pay_hbm.at[pl.ds(e0, CH)], mbuf.at[b],
                                 seml[b])

            def load_wait(b):
                pltpu.make_async_copy(dst_hbm.at[pl.ds(0, CH)], idxb.at[b],
                                      seml[b]).wait()
                pltpu.make_async_copy(pay_hbm.at[pl.ds(0, CH)], mbuf.at[b],
                                      seml[b]).wait()

            def sc_issue(b):
                pltpu.async_copy(mbuf.at[b], acc.at[idxb.at[b]], sems[b],
                                 add=True)

            def sc_wait(b):
                pltpu.make_async_copy(mbuf.at[b], acc.at[idxb.at[b]],
                                      sems[b]).wait()

            load_issue(0, 0)

            def step(i, _):
                for b in (0, 1):
                    c = 2 * i + b
                    nb = 1 - b

                    @pl.when(c < nch)
                    def _():
                        load_wait(b)
                        sc_issue(b)

                        @pl.when(c >= 1)
                        def _():
                            sc_wait(nb)

                        @pl.when(c + 1 < nch)
                        def _():
                            load_issue(c + 1, nb)
                return 0

            lax.fori_loop(0, (nch + 1) // 2, step, 0)
            sc_wait((nch + 1) % 2)

        @pl.when(cid == 0)
        def _():
            make_loop(vp_hbm)

        @pl.when(cid == 1)
        def _():
            make_loop(ex_hbm)

        plsc.subcore_barrier()

        @pl.when(cid == 0)
        def _():
            def wchunk(z, _):
                r0 = sid * rows + z * CH
                pltpu.sync_copy(acc.at[pl.ds(r0, CH)], mbuf.at[0])
                pltpu.sync_copy(mbuf.at[0], out_hbm.at[pl.ds(r0, CH)])
                return 0

            lax.fori_loop(0, nz, wchunk, 0)

        @pl.when(cid == 1)
        def _():
            def wchunk(z, _):
                r0 = sid * rows + z * CH
                pltpu.sync_copy(acc.at[pl.ds(r0, CH)], mbuf.at[0])
                pltpu.sync_copy(mbuf.at[0], oute_hbm.at[pl.ds(r0, CH)])
                return 0

            lax.fori_loop(0, nz, wchunk, 0)

    zero = jnp.zeros((CH, D), jnp.float32)
    o1, o2 = k(vp, exb, dst, zero)
    return o1[:N], o2[:N]


def _tc_final(num, den, N, D):
    NB = 1000

    def body(p_r, pe_r, out_r):
        out_r[...] = p_r[...] / (pe_r[...] + 1e-16)

    return pl.pallas_call(
        body,
        grid=(N // NB,),
        in_specs=[
            pl.BlockSpec((NB, D), lambda i: (i, 0)),
            pl.BlockSpec((NB, D), lambda i: (i, 0)),
        ],
        out_specs=pl.BlockSpec((NB, D), lambda i: (i, 0)),
        out_shape=jax.ShapeDtypeStruct((N, D), jnp.float32),
    )(num, den)


def kernel(edge_index, edge_type, edge_time, x, timestamps, rel_table,
           Wq, bq, Wk, bk, Wv, bv, time_coeff, W1, b1, W2, b2):
    N, D = x.shape
    E = edge_index.shape[1]
    H = 8
    HD = D // H
    T = 16

    src = edge_index[0].astype(jnp.int32)
    dst = edge_index[1].astype(jnp.int32)
    ety = edge_type.astype(jnp.int32)

    inv = (1.0 / (jnp.abs(time_coeff) + 1e-9)).astype(jnp.float32)
    inv11 = inv.reshape(1, 1)

    NA = (N + 127) // 128
    TS = jnp.zeros((NA * 128,), jnp.float32).at[:N].set(timestamps)
    TS = TS.reshape(NA, 128)

    se, xd = _sc_gather(x, src, dst)

    W1T = W1.T
    W1aT = W1T[:D]
    W1bT = W1T[D:2 * D]
    w1c = W1T[2 * D:2 * D + 1]
    S = (jnp.arange(D)[:, None] // HD == jnp.arange(H)[None, :]).astype(jnp.float32)
    ST = S.T

    vp, ex = _tc_edge(se, xd, dst.reshape(E, 1), TS,
                      edge_time.reshape(E, 1), ety.reshape(E, 1),
                      inv11, rel_table,
                      W1aT, W1bT, w1c, b1.reshape(1, D), W2.T, b2.reshape(1, 1),
                      Wq.T, bq.reshape(1, D), Wk.T, bk.reshape(1, D),
                      Wv.T, bv.reshape(1, D), S, ST)

    num, den = _sc_scatter(vp, ex, dst, N)

    return _tc_final(num, den, N, D)

# --- scband reference (transcript-rebuilt; emitter-appended) ---
"""Pipeline reference for scband-drgcnlayer-72258529788047 (READ-ONLY COPY).

The authoritative reference and input builder live on the scoring server;
editing this copy changes nothing except your own understanding.
"""

import jax, jax.numpy as jnp
import numpy as np

N = 10000
E = 320000
D = 128
H = 8
HD = D // H
R = 64


def setup_inputs(seed: int = 0) -> dict:
    key = jax.random.key(seed)
    ks = jax.random.split(key, 20)
    x = jax.random.normal(ks[0], (N, D), jnp.float32)
    timestamps = jax.random.uniform(ks[1], (N,), jnp.float32)
    edge_index = jax.random.randint(ks[2], (2, E), 0, N)
    edge_type = jax.random.randint(ks[3], (E,), 0, R)
    edge_time = jax.random.uniform(ks[4], (E,), jnp.float32)
    rel_table = jax.random.normal(ks[5], (R, D), jnp.float32) * 0.05
    Wq = jax.random.normal(ks[6], (D, D), jnp.float32) * 0.05
    bq = jnp.zeros((D,), jnp.float32)
    Wk = jax.random.normal(ks[7], (D, D), jnp.float32) * 0.05
    bk = jnp.zeros((D,), jnp.float32)
    Wv = jax.random.normal(ks[8], (D, D), jnp.float32) * 0.05
    bv = jnp.zeros((D,), jnp.float32)
    time_coeff = jnp.array(1.0, jnp.float32)
    W1 = jax.random.normal(ks[9], (D, 2 * D + 1), jnp.float32) * 0.05
    b1 = jnp.zeros((D,), jnp.float32)
    W2 = jax.random.normal(ks[10], (1, D), jnp.float32) * 0.05
    b2 = jnp.zeros((1,), jnp.float32)
    return {"edge_index": edge_index, "edge_type": edge_type, "edge_time": edge_time,
            "x": x, "timestamps": timestamps, "rel_table": rel_table,
            "Wq": Wq, "bq": bq, "Wk": Wk, "bk": bk, "Wv": Wv, "bv": bv,
            "time_coeff": time_coeff, "W1": W1, "b1": b1, "W2": W2, "b2": b2}


def reference(edge_index, edge_type, edge_time, x, timestamps, rel_table,
              Wq, bq, Wk, bk, Wv, bv, time_coeff, W1, b1, W2, b2):
    src = edge_index[0]
    dst = edge_index[1]
    delta_t = timestamps[dst] - edge_time
    delta_t = delta_t / (jnp.abs(time_coeff) + 1e-09)
    time_mask = jax.nn.sigmoid(delta_t)[:, None]
    rel_emb = rel_table[edge_type] * time_mask
    src_emb = x[src]
    weight_input = jnp.concatenate([src_emb, rel_emb, time_mask], axis=-1)
    h = jax.nn.relu(weight_input @ W1.T + b1)
    dynamic_weights = jax.nn.sigmoid(h @ W2.T + b2)
    message = src_emb * rel_emb * dynamic_weights
    q = (x[dst] @ Wq.T + bq).reshape(-1, H, HD)
    k = (message @ Wk.T + bk).reshape(-1, H, HD)
    v = (message @ Wv.T + bv).reshape(-1, H, HD)
    attn_scores = (q * k).sum(axis=-1) / (HD ** 0.5)
    seg_max = jax.ops.segment_max(attn_scores, dst, num_segments=N)
    seg_max = jnp.where(jnp.isfinite(seg_max), seg_max, 0.0)
    ex = jnp.exp(attn_scores - seg_max[dst])
    denom = jax.ops.segment_sum(ex, dst, num_segments=N)
    attn_weights = ex / (denom[dst] + 1e-16)
    weighted_v = v * attn_weights[..., None]
    out = jax.ops.segment_sum(weighted_v, dst, num_segments=N)
    return out.reshape(N, H * HD)

if __name__ == "__main__":
    import jax
    _d = setup_inputs()
    print(jax.jit(kernel)(*tuple(_d.values())))

</pallas_src>

<mosaic_0001>
#map = affine_map<(d0, d1) -> (0, 0)>
#map1 = affine_map<(d0, d1) -> (0)>
module attributes {stable_mosaic.version = 14 : i64} {
  func.func @k(%arg0: i32, %arg1: i32, %arg2: memref<10000x128xf32, #tpu.memory_space<hbm>>, %arg3: memref<320000xi32, #tpu.memory_space<hbm>>, %arg4: memref<320000xi32, #tpu.memory_space<hbm>>, %arg5: memref<320000x128xf32, #tpu.memory_space<hbm>>, %arg6: memref<320000x128xf32, #tpu.memory_space<hbm>>, %arg7: memref<2x80xi32, #tpu.memory_space<vmem>>, %arg8: memref<2x80xi32, #tpu.memory_space<vmem>>, %arg9: memref<2x80x128xf32, #tpu.memory_space<vmem>>, %arg10: memref<2x80x128xf32, #tpu.memory_space<vmem>>, %arg11: memref<!tpu.dma_semaphore, #tpu.memory_space<semaphore_mem>>, %arg12: memref<!tpu.dma_semaphore, #tpu.memory_space<semaphore_mem>>, %arg13: memref<!tpu.dma_semaphore, #tpu.memory_space<semaphore_mem>>, %arg14: memref<!tpu.dma_semaphore, #tpu.memory_space<semaphore_mem>>, %arg15: memref<!tpu.dma_semaphore, #tpu.memory_space<semaphore_mem>>, %arg16: memref<!tpu.dma_semaphore, #tpu.memory_space<semaphore_mem>>, %arg17: memref<!tpu.dma_semaphore, #tpu.memory_space<semaphore_mem>>, %arg18: memref<!tpu.dma_semaphore, #tpu.memory_space<semaphore_mem>>) attributes {dimension_semantics = [#tpu.dimension_semantics<core_parallel>, #tpu.dimension_semantics<subcore_parallel>], iteration_bounds = array<i64: 2, 16>, scalar_prefetch = 0 : i64, scratch_operands = 12 : i64, tpu.core_type = #tpu.core_type<sc_vector_subcore>, window_params = [{transform_indices = #map}, {transform_indices = #map1}, {transform_indices = #map1}, {transform_indices = #map}, {transform_indices = #map}]} {
    %mul3A = arith.constant 2 : i32
    %mul3A_0 = arith.muli %arg1, %mul3A : i32
    %add3A = arith.addi %mul3A_0, %arg0 : i32
    %mul3A_1 = arith.constant 10000 : i32
    %mul3A_2 = arith.muli %add3A, %mul3A_1 : i32
    %add3A_3 = arith.constant 0 : i32
    %add3A_4 = arith.addi %mul3A_2, %add3A_3 : i32
    %dma_start3A = arith.constant 0 : i32
    %dma_start3A_5 = arith.constant 0 : i32
    %dma_start3A_6 = tpu.memref_slice %arg7[%dma_start3A, %dma_start3A_5] : memref<2x80xi32, #tpu.memory_space<vmem>> -> memref<1x80xi32, #tpu.memory_space<vmem>>
    %dma_start3A_7 = tpu.memref_squeeze %dma_start3A_6 : memref<1x80xi32, #tpu.memory_space<vmem>> -> memref<80xi32, #tpu.memory_space<vmem>>
    %dma_start3A_8 = tpu.memref_slice %arg3[%add3A_4] : memref<320000xi32, #tpu.memory_space<hbm>> -> memref<80xi32, #tpu.memory_space<hbm>>
    %dma_start3A_9 = arith.constant 0 : i32
    %dma_start3A_10 = tpu.memref_slice %arg7[%dma_start3A, %dma_start3A_9] : memref<2x80xi32, #tpu.memory_space<vmem>> -> memref<1x80xi32, #tpu.memory_space<vmem>>
    %dma_start3A_11 = tpu.memref_squeeze %dma_start3A_10 : memref<1x80xi32, #tpu.memory_space<vmem>> -> memref<80xi32, #tpu.memory_space<vmem>>
    %dma_start3A_12 = tpu.memref_slice %arg3[%add3A_4] : memref<320000xi32, #tpu.memory_space<hbm>> -> memref<80xi32, #tpu.memory_space<hbm>>
    tpu.enqueue_dma source(%dma_start3A_12 : memref<80xi32, #tpu.memory_space<hbm>>) target(%dma_start3A_11 : memref<80xi32, #tpu.memory_space<vmem>>) target_semaphore(%arg11 : memref<!tpu.dma_semaphore, #tpu.memory_space<semaphore_mem>>)
    %dma_start3A_13 = arith.constant 0 : i32
    %dma_start3A_14 = arith.constant 0 : i32
    %dma_start3A_15 = tpu.memref_slice %arg8[%dma_start3A_13, %dma_start3A_14] : memref<2x80xi32, #tpu.memory_space<vmem>> -> memref<1x80xi32, #tpu.memory_space<vmem>>
    %dma_start3A_16 = tpu.memref_squeeze %dma_start3A_15 : memref<1x80xi32, #tpu.memory_space<vmem>> -> memref<80xi32, #tpu.memory_space<vmem>>
    %dma_start3A_17 = tpu.memref_slice %arg4[%add3A_4] : memref<320000xi32, #tpu.memory_space<hbm>> -> memref<80xi32, #tpu.memory_space<hbm>>
    %dma_start3A_18 = arith.constant 0 : i32
    %dma_start3A_19 = tpu.memref_slice %arg8[%dma_start3A_13, %dma_start3A_18] : memref<2x80xi32, #tpu.memory_space<vmem>> -> memref<1x80xi32, #tpu.memory_space<vmem>>
    %dma_start3A_20 = tpu.memref_squeeze %dma_start3A_19 : memref<1x80xi32, #tpu.memory_space<vmem>> -> memref<80xi32, #tpu.memory_space<vmem>>
    %dma_start3A_21 = tpu.memref_slice %arg4[%add3A_4] : memref<320000xi32, #tpu.memory_space<hbm>> -> memref<80xi32, #tpu.memory_space<hbm>>
    tpu.enqueue_dma source(%dma_start3A_21 : memref<80xi32, #tpu.memory_space<hbm>>) target(%dma_start3A_20 : memref<80xi32, #tpu.memory_space<vmem>>) target_semaphore(%arg11 : memref<!tpu.dma_semaphore, #tpu.memory_space<semaphore_mem>>)
    %add3A_22 = arith.constant 80 : i32
    %add3A_23 = arith.addi %mul3A_2, %add3A_22 : i32
    %dma_start3A_24 = arith.constant 1 : i32
    %dma_start3A_25 = arith.constant 0 : i32
    %dma_start3A_26 = tpu.memref_slice %arg7[%dma_start3A_24, %dma_start3A_25] : memref<2x80xi32, #tpu.memory_space<vmem>> -> memref<1x80xi32, #tpu.memory_space<vmem>>
    %dma_start3A_27 = tpu.memref_squeeze %dma_start3A_26 : memref<1x80xi32, #tpu.memory_space<vmem>> -> memref<80xi32, #tpu.memory_space<vmem>>
    %dma_start3A_28 = tpu.memref_slice %arg3[%add3A_23] : memref<320000xi32, #tpu.memory_space<hbm>> -> memref<80xi32, #tpu.memory_space<hbm>>
    %dma_start3A_29 = arith.constant 0 : i32
    %dma_start3A_30 = tpu.memref_slice %arg7[%dma_start3A_24, %dma_start3A_29] : memref<2x80xi32, #tpu.memory_space<vmem>> -> memref<1x80xi32, #tpu.memory_space<vmem>>
    %dma_start3A_31 = tpu.memref_squeeze %dma_start3A_30 : memref<1x80xi32, #tpu.memory_space<vmem>> -> memref<80xi32, #tpu.memory_space<vmem>>
    %dma_start3A_32 = tpu.memref_slice %arg3[%add3A_23] : memref<320000xi32, #tpu.memory_space<hbm>> -> memref<80xi32, #tpu.memory_space<hbm>>
    tpu.enqueue_dma source(%dma_start3A_32 : memref<80xi32, #tpu.memory_space<hbm>>) target(%dma_start3A_31 : memref<80xi32, #tpu.memory_space<vmem>>) target_semaphore(%arg12 : memref<!tpu.dma_semaphore, #tpu.memory_space<semaphore_mem>>)
    %dma_start3A_33 = arith.constant 1 : i32
    %dma_start3A_34 = arith.constant 0 : i32
    %dma_start3A_35 = tpu.memref_slice %arg8[%dma_start3A_33, %dma_start3A_34] : memref<2x80xi32, #tpu.memory_space<vmem>> -> memref<1x80xi32, #tpu.memory_space<vmem>>
    %dma_start3A_36 = tpu.memref_squeeze %dma_start3A_35 : memref<1x80xi32, #tpu.memory_space<vmem>> -> memref<80xi32, #tpu.memory_space<vmem>>
    %dma_start3A_37 = tpu.memref_slice %arg4[%add3A_23] : memref<320000xi32, #tpu.memory_space<hbm>> -> memref<80xi32, #tpu.memory_space<hbm>>
    %dma_start3A_38 = arith.constant 0 : i32
    %dma_start3A_39 = tpu.memref_slice %arg8[%dma_start3A_33, %dma_start3A_38] : memref<2x80xi32, #tpu.memory_space<vmem>> -> memref<1x80xi32, #tpu.memory_space<vmem>>
    %dma_start3A_40 = tpu.memref_squeeze %dma_start3A_39 : memref<1x80xi32, #tpu.memory_space<vmem>> -> memref<80xi32, #tpu.memory_space<vmem>>
    %dma_start3A_41 = tpu.memref_slice %arg4[%add3A_23] : memref<320000xi32, #tpu.memory_space<hbm>> -> memref<80xi32, #tpu.memory_space<hbm>>
    tpu.enqueue_dma source(%dma_start3A_41 : memref<80xi32, #tpu.memory_space<hbm>>) target(%dma_start3A_40 : memref<80xi32, #tpu.memory_space<vmem>>) target_semaphore(%arg12 : memref<!tpu.dma_semaphore, #tpu.memory_space<semaphore_mem>>)
    %dma_wait3A = arith.constant 0 : i32
    %dma_wait3A_42 = arith.constant 0 : i32
    %dma_wait3A_43 = tpu.memref_slice %arg7[%dma_wait3A, %dma_wait3A_42] : memref<2x80xi32, #tpu.memory_space<vmem>> -> memref<1x80xi32, #tpu.memory_space<vmem>>
    %dma_wait3A_44 = tpu.memref_squeeze %dma_wait3A_43 : memref<1x80xi32, #tpu.memory_space<vmem>> -> memref<80xi32, #tpu.memory_space<vmem>>
    %dma_wait3A_45 = arith.constant 0 : i32
    %dma_wait3A_46 = tpu.memref_slice %arg3[%dma_wait3A_45] : memref<320000xi32, #tpu.memory_space<hbm>> -> memref<80xi32, #tpu.memory_space<hbm>>
    %dma_wait3A_47 = arith.constant 0 : i32
    %dma_wait3A_48 = tpu.memref_slice %arg7[%dma_wait3A, %dma_wait3A_47] : memref<2x80xi32, #tpu.memory_space<vmem>> -> memref<1x80xi32, #tpu.memory_space<vmem>>
    %dma_wait3A_49 = tpu.memref_squeeze %dma_wait3A_48 : memref<1x80xi32, #tpu.memory_space<vmem>> -> memref<80xi32, #tpu.memory_space<vmem>>
    %dma_wait3A_50 = arith.constant 0 : i32
    %dma_wait3A_51 = tpu.memref_slice %arg3[%dma_wait3A_50] : memref<320000xi32, #tpu.memory_space<hbm>> -> memref<80xi32, #tpu.memory_space<hbm>>
    tpu.wait_dma2 semaphore(%arg11 : memref<!tpu.dma_semaphore, #tpu.memory_space<semaphore_mem>>) src(%dma_wait3A_51 : memref<80xi32, #tpu.memory_space<hbm>>) dst(%dma_wait3A_49 : memref<80xi32, #tpu.memory_space<vmem>>)
    %dma_wait3A_52 = arith.constant 0 : i32
    %dma_wait3A_53 = arith.constant 0 : i32
    %dma_wait3A_54 = tpu.memref_slice %arg8[%dma_wait3A_52, %dma_wait3A_53] : memref<2x80xi32, #tpu.memory_space<vmem>> -> memref<1x80xi32, #tpu.memory_space<vmem>>
    %dma_wait3A_55 = tpu.memref_squeeze %dma_wait3A_54 : memref<1x80xi32, #tpu.memory_space<vmem>> -> memref<80xi32, #tpu.memory_space<vmem>>
    %dma_wait3A_56 = arith.constant 0 : i32
    %dma_wait3A_57 = tpu.memref_slice %arg4[%dma_wait3A_56] : memref<320000xi32, #tpu.memory_space<hbm>> -> memref<80xi32, #tpu.memory_space<hbm>>
    %dma_wait3A_58 = arith.constant 0 : i32
    %dma_wait3A_59 = tpu.memref_slice %arg8[%dma_wait3A_52, %dma_wait3A_58] : memref<2x80xi32, #tpu.memory_space<vmem>> -> memref<1x80xi32, #tpu.memory_space<vmem>>
    %dma_wait3A_60 = tpu.memref_squeeze %dma_wait3A_59 : memref<1x80xi32, #tpu.memory_space<vmem>> -> memref<80xi32, #tpu.memory_space<vmem>>
    %dma_wait3A_61 = arith.constant 0 : i32
    %dma_wait3A_62 = tpu.memref_slice %arg4[%dma_wait3A_61] : memref<320000xi32, #tpu.memory_space<hbm>> -> memref<80xi32, #tpu.memory_space<hbm>>
    tpu.wait_dma2 semaphore(%arg11 : memref<!tpu.dma_semaphore, #tpu.memory_space<semaphore_mem>>) src(%dma_wait3A_62 : memref<80xi32, #tpu.memory_space<hbm>>) dst(%dma_wait3A_60 : memref<80xi32, #tpu.memory_space<vmem>>)
    %dma_start3A_63 = arith.constant 0 : i32
    %dma_start3A_64 = arith.constant 0 : i32
    %dma_start3A_65 = arith.constant 0 : i32
    %dma_start3A_66 = arith.constant 0 : i32
    %dma_start3A_67 = tpu.memref_slice %arg9[%dma_start3A_64, %dma_start3A_65, %dma_start3A_66] : memref<2x80x128xf32, #tpu.memory_space<vmem>> -> memref<1x80x128xf32, #tpu.memory_space<vmem>>
    %dma_start3A_68 = tpu.memref_squeeze %dma_start3A_67 : memref<1x80x128xf32, #tpu.memory_space<vmem>> -> memref<80x128xf32, #tpu.memory_space<vmem>>
    %dma_start3A_69 = arith.constant 0 : i32
    %dma_start3A_70 = tpu.memref_slice %arg7[%dma_start3A_63, %dma_start3A_69] : memref<2x80xi32, #tpu.memory_space<vmem>> -> memref<1x80xi32, #tpu.memory_space<vmem>>
    %dma_start3A_71 = tpu.memref_squeeze %dma_start3A_70 : memref<1x80xi32, #tpu.memory_space<vmem>> -> memref<80xi32, #tpu.memory_space<vmem>>
    %dma_start3A_72 = arith.constant 0 : i32
    %dma_start3A_73 = arith.constant 0 : i32
    %dma_start3A_74 = tpu.memref_slice %arg2[%dma_start3A_72, %dma_start3A_73] : memref<10000x128xf32, #tpu.memory_space<hbm>> -> memref<10000x128xf32, #tpu.memory_space<hbm>>
    tpu.enqueue_indirect_dma source(%dma_start3A_74 : memref<10000x128xf32, #tpu.memory_space<hbm>>) target(%dma_start3A_68 : memref<80x128xf32, #tpu.memory_space<vmem>>) offsets(%dma_start3A_71 : memref<80xi32, #tpu.memory_space<vmem>>) semaphore(%arg13 : memref<!tpu.dma_semaphore, #tpu.memory_space<semaphore_mem>>)
    %dma_start3A_75 = arith.constant 0 : i32
    %dma_start3A_76 = arith.constant 0 : i32
    %dma_start3A_77 = arith.constant 0 : i32
    %dma_start3A_78 = arith.constant 0 : i32
    %dma_start3A_79 = tpu.memref_slice %arg10[%dma_start3A_76, %dma_start3A_77, %dma_start3A_78] : memref<2x80x128xf32, #tpu.memory_space<vmem>> -> memref<1x80x128xf32, #tpu.memory_space<vmem>>
    %dma_start3A_80 = tpu.memref_squeeze %dma_start3A_79 : memref<1x80x128xf32, #tpu.memory_space<vmem>> -> memref<80x128xf32, #tpu.memory_space<vmem>>
    %dma_start3A_81 = arith.constant 0 : i32
    %dma_start3A_82 = tpu.memref_slice %arg8[%dma_start3A_75, %dma_start3A_81] : memref<2x80xi32, #tpu.memory_space<vmem>> -> memref<1x80xi32, #tpu.memory_space<vmem>>
    %dma_start3A_83 = tpu.memref_squeeze %dma_start3A_82 : memref<1x80xi32, #tpu.memory_space<vmem>> -> memref<80xi32, #tpu.memory_space<vmem>>
    %dma_start3A_84 = arith.constant 0 : i32
    %dma_start3A_85 = arith.constant 0 : i32
    %dma_start3A_86 = tpu.memref_slice %arg2[%dma_start3A_84, %dma_start3A_85] : memref<10000x128xf32, #tpu.memory_space<hbm>> -> memref<10000x128xf32, #tpu.memory_space<hbm>>
    tpu.enqueue_indirect_dma source(%dma_start3A_86 : memref<10000x128xf32, #tpu.memory_space<hbm>>) target(%dma_start3A_80 : memref<80x128xf32, #tpu.memory_space<vmem>>) offsets(%dma_start3A_83 : memref<80xi32, #tpu.memory_space<vmem>>) semaphore(%arg15 : memref<!tpu.dma_semaphore, #tpu.memory_space<semaphore_mem>>)
    %scan3A = arith.constant 0 : i32
    %scan3A_87 = arith.constant 0 : i32
    %scan3A_88 = arith.constant 63 : i32
    %scan3A_89 = arith.addi %scan3A_87, %scan3A_88 : i32
    %scan3A_90 = arith.constant 1 : i32
    %scan3A_91 = scf.for %scan3A_153 = %scan3A_87 to %scan3A_89 step %scan3A_90 iter_args(%scan3A_154 = %scan3A) -> (i32)  : i32 {
      %mul3A_155 = arith.constant 2 : i32
      %mul3A_156 = arith.muli %mul3A_155, %scan3A_153 : i32
      %add3A_157 = arith.constant 0 : i32
      %add3A_158 = arith.addi %mul3A_156, %add3A_157 : i32
      %lt3A = arith.constant 125 : i32
      %lt3A_159 = arith.cmpi slt, %add3A_158, %lt3A : i32
      %convert_element_type3A = arith.extui %lt3A_159 : i1 to i32
      %cond3A = arith.constant 0 : i32
      %cond3A_160 = arith.cmpi ne, %convert_element_type3A, %cond3A : i32
      scf.if %cond3A_160 {
        %dma_wait3A_171 = arith.constant 0 : i32
        %dma_wait3A_172 = arith.constant 0 : i32
        %dma_wait3A_173 = arith.constant 0 : i32
        %dma_wait3A_174 = arith.constant 0 : i32
        %dma_wait3A_175 = tpu.memref_slice %arg9[%dma_wait3A_172, %dma_wait3A_173, %dma_wait3A_174] : memref<2x80x128xf32, #tpu.memory_space<vmem>> -> memref<1x80x128xf32, #tpu.memory_space<vmem>>
        %dma_wait3A_176 = tpu.memref_squeeze %dma_wait3A_175 : memref<1x80x128xf32, #tpu.memory_space<vmem>> -> memref<80x128xf32, #tpu.memory_space<vmem>>
        %dma_wait3A_177 = arith.constant 0 : i32
        %dma_wait3A_178 = tpu.memref_slice %arg7[%dma_wait3A_171, %dma_wait3A_177] : memref<2x80xi32, #tpu.memory_space<vmem>> -> memref<1x80xi32, #tpu.memory_space<vmem>>
        %dma_wait3A_179 = tpu.memref_squeeze %dma_wait3A_178 : memref<1x80xi32, #tpu.memory_space<vmem>> -> memref<80xi32, #tpu.memory_space<vmem>>
        %dma_wait3A_180 = arith.constant 0 : i32
        %dma_wait3A_181 = arith.constant 0 : i32
        %dma_wait3A_182 = tpu.memref_slice %arg2[%dma_wait3A_180, %dma_wait3A_181] : memref<10000x128xf32, #tpu.memory_space<hbm>> -> memref<10000x128xf32, #tpu.memory_space<hbm>>
        tpu.wait_indirect_dma semaphore(%arg13 : memref<!tpu.dma_semaphore, #tpu.memory_space<semaphore_mem>>) src(%dma_wait3A_182 : memref<10000x128xf32, #tpu.memory_space<hbm>>) dst(%dma_wait3A_176 : memref<80x128xf32, #tpu.memory_space<vmem>>)
        %dma_wait3A_183 = arith.constant 0 : i32
        %dma_wait3A_184 = arith.constant 0 : i32
        %dma_wait3A_185 = arith.constant 0 : i32
        %dma_wait3A_186 = arith.constant 0 : i32
        %dma_wait3A_187 = tpu.memref_slice %arg10[%dma_wait3A_184, %dma_wait3A_185, %dma_wait3A_186] : memref<2x80x128xf32, #tpu.memory_space<vmem>> -> memref<1x80x128xf32, #tpu.memory_space<vmem>>
        %dma_wait3A_188 = tpu.memref_squeeze %dma_wait3A_187 : memref<1x80x128xf32, #tpu.memory_space<vmem>> -> memref<80x128xf32, #tpu.memory_space<vmem>>
        %dma_wait3A_189 = arith.constant 0 : i32
        %dma_wait3A_190 = tpu.memref_slice %arg8[%dma_wait3A_183, %dma_wait3A_189] : memref<2x80xi32, #tpu.memory_space<vmem>> -> memref<1x80xi32, #tpu.memory_space<vmem>>
        %dma_wait3A_191 = tpu.memref_squeeze %dma_wait3A_190 : memref<1x80xi32, #tpu.memory_space<vmem>> -> memref<80xi32, #tpu.memory_space<vmem>>
        %dma_wait3A_192 = arith.constant 0 : i32
        %dma_wait3A_193 = arith.constant 0 : i32
        %dma_wait3A_194 = tpu.memref_slice %arg2[%dma_wait3A_192, %dma_wait3A_193] : memref<10000x128xf32, #tpu.memory_space<hbm>> -> memref<10000x128xf32, #tpu.memory_space<hbm>>
        tpu.wait_indirect_dma semaphore(%arg15 : memref<!tpu.dma_semaphore, #tpu.memory_space<semaphore_mem>>) src(%dma_wait3A_194 : memref<10000x128xf32, #tpu.memory_space<hbm>>) dst(%dma_wait3A_188 : memref<80x128xf32, #tpu.memory_space<vmem>>)
        %mul3A_195 = arith.constant 80 : i32
        %mul3A_196 = arith.muli %add3A_158, %mul3A_195 : i32
        %add3A_197 = arith.addi %mul3A_2, %mul3A_196 : i32
        %dma_start3A_198 = arith.constant 0 : i32
        %dma_start3A_199 = arith.constant 0 : i32
        %dma_start3A_200 = arith.constant 0 : i32
        %dma_start3A_201 = tpu.memref_slice %arg9[%dma_start3A_198, %dma_start3A_199, %dma_start3A_200] : memref<2x80x128xf32, #tpu.memory_space<vmem>> -> memref<1x80x128xf32, #tpu.memory_space<vmem>>
        %dma_start3A_202 = tpu.memref_squeeze %dma_start3A_201 : memref<1x80x128xf32, #tpu.memory_space<vmem>> -> memref<80x128xf32, #tpu.memory_space<vmem>>
        %dma_start3A_203 = arith.constant 0 : i32
        %dma_start3A_204 = tpu.memref_slice %arg5[%add3A_197, %dma_start3A_203] : memref<320000x128xf32, #tpu.memory_space<hbm>> -> memref<80x128xf32, #tpu.memory_space<hbm>>
        %dma_start3A_205 = arith.constant 0 : i32
        %dma_start3A_206 = tpu.memref_slice %arg5[%add3A_197, %dma_start3A_205] : memref<320000x128xf32, #tpu.memory_space<hbm>> -> memref<80x128xf32, #tpu.memory_space<hbm>>
        %dma_start3A_207 = arith.constant 0 : i32
        %dma_start3A_208 = arith.constant 0 : i32
        %dma_start3A_209 = tpu.memref_slice %arg9[%dma_start3A_198, %dma_start3A_207, %dma_start3A_208] : memref<2x80x128xf32, #tpu.memory_space<vmem>> -> memref<1x80x128xf32, #tpu.memory_space<vmem>>
        %dma_start3A_210 = tpu.memref_squeeze %dma_start3A_209 : memref<1x80x128xf32, #tpu.memory_space<vmem>> -> memref<80x128xf32, #tpu.memory_space<vmem>>
        tpu.enqueue_dma source(%dma_start3A_210 : memref<80x128xf32, #tpu.memory_space<vmem>>) target(%dma_start3A_206 : memref<80x128xf32, #tpu.memory_space<hbm>>) target_semaphore(%arg17 : memref<!tpu.dma_semaphore, #tpu.memory_space<semaphore_mem>>)
        %dma_start3A_211 = arith.constant 0 : i32
        %dma_start3A_212 = arith.constant 0 : i32
        %dma_start3A_213 = arith.constant 0 : i32
        %dma_start3A_214 = tpu.memref_slice %arg10[%dma_start3A_211, %dma_start3A_212, %dma_start3A_213] : memref<2x80x128xf32, #tpu.memory_space<vmem>> -> memref<1x80x128xf32, #tpu.memory_space<vmem>>
        %dma_start3A_215 = tpu.memref_squeeze %dma_start3A_214 : memref<1x80x128xf32, #tpu.memory_space<vmem>> -> memref<80x128xf32, #tpu.memory_space<vmem>>
        %dma_start3A_216 = arith.constant 0 : i32
        %dma_start3A_217 = tpu.memref_slice %arg6[%add3A_197, %dma_start3A_216] : memref<320000x128xf32, #tpu.memory_space<hbm>> -> memref<80x128xf32, #tpu.memory_space<hbm>>
        %dma_start3A_218 = arith.constant 0 : i32
        %dma_start3A_219 = tpu.memref_slice %arg6[%add3A_197, %dma_start3A_218] : memref<320000x128xf32, #tpu.memory_space<hbm>> -> memref<80x128xf32, #tpu.memory_space<hbm>>
        %dma_start3A_220 = arith.constant 0 : i32
        %dma_start3A_221 = arith.constant 0 : i32
        %dma_start3A_222 = tpu.memref_slice %arg10[%dma_start3A_211, %dma_start3A_220, %dma_start3A_221] : memref<2x80x128xf32, #tpu.memory_space<vmem>> -> memref<1x80x128xf32, #tpu.memory_space<vmem>>
        %dma_start3A_223 = tpu.memref_squeeze %dma_start3A_222 : memref<1x80x128xf32, #tpu.memory_space<vmem>> -> memref<80x128xf32, #tpu.memory_space<vmem>>
        tpu.enqueue_dma source(%dma_start3A_223 : memref<80x128xf32, #tpu.memory_space<vmem>>) target(%dma_start3A_219 : memref<80x128xf32, #tpu.memory_space<hbm>>) target_semaphore(%arg17 : memref<!tpu.dma_semaphore, #tpu.memory_space<semaphore_mem>>)
        %add3A_224 = arith.constant 2 : i32
        %add3A_225 = arith.addi %add3A_158, %add3A_224 : i32
        %lt3A_226 = arith.constant 125 : i32
        %lt3A_227 = arith.cmpi slt, %add3A_225, %lt3A_226 : i32
        %convert_element_type3A_228 = arith.extui %lt3A_227 : i1 to i32
        %cond3A_229 = arith.constant 0 : i32
        %cond3A_230 = arith.cmpi ne, %convert_element_type3A_228, %cond3A_229 : i32
        scf.if %cond3A_230 {
          %add3A_238 = arith.constant 2 : i32
          %add3A_239 = arith.addi %add3A_158, %add3A_238 : i32
          %mul3A_240 = arith.constant 80 : i32
          %mul3A_241 = arith.muli %add3A_239, %mul3A_240 : i32
          %add3A_242 = arith.addi %mul3A_2, %mul3A_241 : i32
          %dma_start3A_243 = arith.constant 0 : i32
          %dma_start3A_244 = arith.constant 0 : i32
          %dma_start3A_245 = tpu.memref_slice %arg7[%dma_start3A_243, %dma_start3A_244] : memref<2x80xi32, #tpu.memory_space<vmem>> -> memref<1x80xi32, #tpu.memory_space<vmem>>
          %dma_start3A_246 = tpu.memref_squeeze %dma_start3A_245 : memref<1x80xi32, #tpu.memory_space<vmem>> -> memref<80xi32, #tpu.memory_space<vmem>>
          %dma_start3A_247 = tpu.memref_slice %arg3[%add3A_242] : memref<320000xi32, #tpu.memory_space<hbm>> -> memref<80xi32, #tpu.memory_space<hbm>>
          %dma_start3A_248 = arith.constant 0 : i32
          %dma_start3A_249 = tpu.memref_slice %arg7[%dma_start3A_243, %dma_start3A_248] : memref<2x80xi32, #tpu.memory_space<vmem>> -> memref<1x80xi32, #tpu.memory_space<vmem>>
          %dma_start3A_250 = tpu.memref_squeeze %dma_start3A_249 : memref<1x80xi32, #tpu.memory_space<vmem>> -> memref<80xi32, #tpu.memory_space<vmem>>
          %dma_start3A_251 = tpu.memref_slice %arg3[%add3A_242] : memref<320000xi32, #tpu.memory_space<hbm>> -> memref<80xi32, #tpu.memory_space<hbm>>
          tpu.enqueue_dma source(%dma_start3A_251 : memref<80xi32, #tpu.memory_space<hbm>>) target(%dma_start3A_250 : memref<80xi32, #tpu.memory_space<vmem>>) target_semaphore(%arg11 : memref<!tpu.dma_semaphore, #tpu.memory_space<semaphore_mem>>)
          %dma_start3A_252 = arith.constant 0 : i32
          %dma_start3A_253 = arith.constant 0 : i32
          %dma_start3A_254 = tpu.memref_slice %arg8[%dma_start3A_252, %dma_start3A_253] : memref<2x80xi32, #tpu.memory_space<vmem>> -> memref<1x80xi32, #tpu.memory_space<vmem>>
          %dma_start3A_255 = tpu.memref_squeeze %dma_start3A_254 : memref<1x80xi32, #tpu.memory_space<vmem>> -> memref<80xi32, #tpu.memory_space<vmem>>
          %dma_start3A_256 = tpu.memref_slice %arg4[%add3A_242] : memref<320000xi32, #tpu.memory_space<hbm>> -> memref<80xi32, #tpu.memory_space<hbm>>
          %dma_start3A_257 = arith.constant 0 : i32
          %dma_start3A_258 = tpu.memref_slice %arg8[%dma_start3A_252, %dma_start3A_257] : memref<2x80xi32, #tpu.memory_space<vmem>> -> memref<1x80xi32, #tpu.memory_space<vmem>>
          %dma_start3A_259 = tpu.memref_squeeze %dma_start3A_258 : memref<1x80xi32, #tpu.memory_space<vmem>> -> memref<80xi32, #tpu.memory_space<vmem>>
          %dma_start3A_260 = tpu.memref_slice %arg4[%add3A_242] : memref<320000xi32, #tpu.memory_space<hbm>> -> memref<80xi32, #tpu.memory_space<hbm>>
          tpu.enqueue_dma source(%dma_start3A_260 : memref<80xi32, #tpu.memory_space<hbm>>) target(%dma_start3A_259 : memref<80xi32, #tpu.memory_space<vmem>>) target_semaphore(%arg11 : memref<!tpu.dma_semaphore, #tpu.memory_space<semaphore_mem>>)
        } else {
        }
        %add3A_231 = arith.constant 1 : i32
        %add3A_232 = arith.addi %add3A_158, %add3A_231 : i32
        %lt3A_233 = arith.constant 125 : i32
        %lt3A_234 = arith.cmpi slt, %add3A_232, %lt3A_233 : i32
        %convert_element_type3A_235 = arith.extui %lt3A_234 : i1 to i32
        %cond3A_236 = arith.constant 0 : i32
        %cond3A_237 = arith.cmpi ne, %convert_element_type3A_235, %cond3A_236 : i32
        scf.if %cond3A_237 {
          %dma_wait3A_238 = arith.constant 1 : i32
          %dma_wait3A_239 = arith.constant 0 : i32
          %dma_wait3A_240 = tpu.memref_slice %arg7[%dma_wait3A_238, %dma_wait3A_239] : memref<2x80xi32, #tpu.memory_space<vmem>> -> memref<1x80xi32, #tpu.memory_space<vmem>>
          %dma_wait3A_241 = tpu.memref_squeeze %dma_wait3A_240 : memref<1x80xi32, #tpu.memory_space<vmem>> -> memref<80xi32, #tpu.memory_space<vmem>>
          %dma_wait3A_242 = arith.constant 0 : i32
          %dma_wait3A_243 = tpu.memref_slice %arg3[%dma_wait3A_242] : memref<320000xi32, #tpu.memory_space<hbm>> -> memref<80xi32, #tpu.memory_space<hbm>>
          %dma_wait3A_244 = arith.constant 0 : i32
          %dma_wait3A_245 = tpu.memref_slice %arg7[%dma_wait3A_238, %dma_wait3A_244] : memref<2x80xi32, #tpu.memory_space<vmem>> -> memref<1x80xi32, #tpu.memory_space<vmem>>
          %dma_wait3A_246 = tpu.memref_squeeze %dma_wait3A_245 : memref<1x80xi32, #tpu.memory_space<vmem>> -> memref<80xi32, #tpu.memory_space<vmem>>
          %dma_wait3A_247 = arith.constant 0 : i32
          %dma_wait3A_248 = tpu.memref_slice %arg3[%dma_wait3A_247] : memref<320000xi32, #tpu.memory_space<hbm>> -> memref<80xi32, #tpu.memory_space<hbm>>
          tpu.wait_dma2 semaphore(%arg12 : memref<!tpu.dma_semaphore, #tpu.memory_space<semaphore_mem>>) src(%dma_wait3A_248 : memref<80xi32, #tpu.memory_space<hbm>>) dst(%dma_wait3A_246 : memref<80xi32, #tpu.memory_space<vmem>>)
          %dma_wait3A_249 = arith.constant 1 : i32
          %dma_wait3A_250 = arith.constant 0 : i32
          %dma_wait3A_251 = tpu.memref_slice %arg8[%dma_wait3A_249, %dma_wait3A_250] : memref<2x80xi32, #tpu.memory_space<vmem>> -> memref<1x80xi32, #tpu.memory_space<vmem>>
          %dma_wait3A_252 = tpu.memref_squeeze %dma_wait3A_251 : memref<1x80xi32, #tpu.memory_space<vmem>> -> memref<80xi32, #tpu.memory_space<vmem>>
          %dma_wait3A_253 = arith.constant 0 : i32
          %dma_wait3A_254 = tpu.memref_slice %arg4[%dma_wait3A_253] : memref<320000xi32, #tpu.memory_space<hbm>> -> memref<80xi32, #tpu.memory_space<hbm>>
          %dma_wait3A_255 = arith.constant 0 : i32
          %dma_wait3A_256 = tpu.memref_slice %arg8[%dma_wait3A_249, %dma_wait3A_255] : memref<2x80xi32, #tpu.memory_space<vmem>> -> memref<1x80xi32, #tpu.memory_space<vmem>>
          %dma_wait3A_257 = tpu.memref_squeeze %dma_wait3A_256 : memref<1x80xi32, #tpu.memory_space<vmem>> -> memref<80xi32, #tpu.memory_space<vmem>>
          %dma_wait3A_258 = arith.constant 0 : i32
          %dma_wait3A_259 = tpu.memref_slice %arg4[%dma_wait3A_258] : memref<320000xi32, #tpu.memory_space<hbm>> -> memref<80xi32, #tpu.memory_space<hbm>>
          tpu.wait_dma2 semaphore(%arg12 : memref<!tpu.dma_semaphore, #tpu.memory_space<semaphore_mem>>) src(%dma_wait3A_259 : memref<80xi32, #tpu.memory_space<hbm>>) dst(%dma_wait3A_257 : memref<80xi32, #tpu.memory_space<vmem>>)
          %ge3A = arith.constant 1 : i32
          %ge3A_260 = arith.cmpi sge, %add3A_158, %ge3A : i32
          %convert_element_type3A_261 = arith.extui %ge3A_260 : i1 to i32
          %cond3A_262 = arith.constant 0 : i32
          %cond3A_263 = arith.cmpi ne, %convert_element_type3A_261, %cond3A_262 : i32
          scf.if %cond3A_263 {
            %dma_wait3A_288 = arith.constant 1 : i32
            %dma_wait3A_289 = arith.constant 0 : i32
            %dma_wait3A_290 = arith.constant 0 : i32
            %dma_wait3A_291 = tpu.memref_slice %arg9[%dma_wait3A_288, %dma_wait3A_289, %dma_wait3A_290] : memref<2x80x128xf32, #tpu.memory_space<vmem>> -> memref<1x80x128xf32, #tpu.memory_space<vmem>>
            %dma_wait3A_292 = tpu.memref_squeeze %dma_wait3A_291 : memref<1x80x128xf32, #tpu.memory_space<vmem>> -> memref<80x128xf32, #tpu.memory_space<vmem>>
            %dma_wait3A_293 = arith.constant 0 : i32
            %dma_wait3A_294 = arith.constant 0 : i32
            %dma_wait3A_295 = tpu.memref_slice %arg5[%dma_wait3A_293, %dma_wait3A_294] : memref<320000x128xf32, #tpu.memory_space<hbm>> -> memref<80x128xf32, #tpu.memory_space<hbm>>
            %dma_wait3A_296 = arith.constant 0 : i32
            %dma_wait3A_297 = arith.constant 0 : i32
            %dma_wait3A_298 = tpu.memref_slice %arg5[%dma_wait3A_296, %dma_wait3A_297] : memref<320000x128xf32, #tpu.memory_space<hbm>> -> memref<80x128xf32, #tpu.memory_space<hbm>>
            %dma_wait3A_299 = arith.constant 0 : i32
            %dma_wait3A_300 = arith.constant 0 : i32
            %dma_wait3A_301 = tpu.memref_slice %arg9[%dma_wait3A_288, %dma_wait3A_299, %dma_wait3A_300] : memref<2x80x128xf32, #tpu.memory_space<vmem>> -> memref<1x80x128xf32, #tpu.memory_space<vmem>>
            %dma_wait3A_302 = tpu.memref_squeeze %dma_wait3A_301 : memref<1x80x128xf32, #tpu.memory_space<vmem>> -> memref<80x128xf32, #tpu.memory_space<vmem>>
            tpu.wait_dma2 semaphore(%arg18 : memref<!tpu.dma_semaphore, #tpu.memory_space<semaphore_mem>>) src(%dma_wait3A_302 : memref<80x128xf32, #tpu.memory_space<vmem>>) dst(%dma_wait3A_298 : memref<80x128xf32, #tpu.memory_space<hbm>>)
            %dma_wait3A_303 = arith.constant 1 : i32
            %dma_wait3A_304 = arith.constant 0 : i32
            %dma_wait3A_305 = arith.constant 0 : i32
            %dma_wait3A_306 = tpu.memref_slice %arg10[%dma_wait3A_303, %dma_wait3A_304, %dma_wait3A_305] : memref<2x80x128xf32, #tpu.memory_space<vmem>> -> memref<1x80x128xf32, #tpu.memory_space<vmem>>
            %dma_wait3A_307 = tpu.memref_squeeze %dma_wait3A_306 : memref<1x80x128xf32, #tpu.memory_space<vmem>> -> memref<80x128xf32, #tpu.memory_space<vmem>>
            %dma_wait3A_308 = arith.constant 0 : i32
            %dma_wait3A_309 = arith.constant 0 : i32
            %dma_wait3A_310 = tpu.memref_slice %arg6[%dma_wait3A_308, %dma_wait3A_309] : memref<320000x128xf32, #tpu.memory_space<hbm>> -> memref<80x128xf32, #tpu.memory_space<hbm>>
            %dma_wait3A_311 = arith.constant 0 : i32
            %dma_wait3A_312 = arith.constant 0 : i32
            %dma_wait3A_313 = tpu.memref_slice %arg6[%dma_wait3A_311, %dma_wait3A_312] : memref<320000x128xf32, #tpu.memory_space<hbm>> -> memref<80x128xf32, #tpu.memory_space<hbm>>
            %dma_wait3A_314 = arith.constant 0 : i32
            %dma_wait3A_315 = arith.constant 0 : i32
            %dma_wait3A_316 = tpu.memref_slice %arg10[%dma_wait3A_303, %dma_wait3A_314, %dma_wait3A_315] : memref<2x80x128xf32, #tpu.memory_space<vmem>> -> memref<1x80x128xf32, #tpu.memory_space<vmem>>
            %dma_wait3A_317 = tpu.memref_squeeze %dma_wait3A_316 : memref<1x80x128xf32, #tpu.memory_space<vmem>> -> memref<80x128xf32, #tpu.memory_space<vmem>>
            tpu.wait_dma2 semaphore(%arg18 : memref<!tpu.dma_semaphore, #tpu.memory_space<semaphore_mem>>) src(%dma_wait3A_317 : memref<80x128xf32, #tpu.memory_space<vmem>>) dst(%dma_wait3A_313 : memref<80x128xf32, #tpu.memory_space<hbm>>)
          } else {
          }
          %dma_start3A_264 = arith.constant 1 : i32
          %dma_start3A_265 = arith.constant 1 : i32
          %dma_start3A_266 = arith.constant 0 : i32
          %dma_start3A_267 = arith.constant 0 : i32
          %dma_start3A_268 = tpu.memref_slice %arg9[%dma_start3A_265, %dma_start3A_266, %dma_start3A_267] : memref<2x80x128xf32, #tpu.memory_space<vmem>> -> memref<1x80x128xf32, #tpu.memory_space<vmem>>
          %dma_start3A_269 = tpu.memref_squeeze %dma_start3A_268 : memref<1x80x128xf32, #tpu.memory_space<vmem>> -> memref<80x128xf32, #tpu.memory_space<vmem>>
          %dma_start3A_270 = arith.constant 0 : i32
          %dma_start3A_271 = tpu.memref_slice %arg7[%dma_start3A_264, %dma_start3A_270] : memref<2x80xi32, #tpu.memory_space<vmem>> -> memref<1x80xi32, #tpu.memory_space<vmem>>
          %dma_start3A_272 = tpu.memref_squeeze %dma_start3A_271 : memref<1x80xi32, #tpu.memory_space<vmem>> -> memref<80xi32, #tpu.memory_space<vmem>>
          %dma_start3A_273 = arith.constant 0 : i32
          %dma_start3A_274 = arith.constant 0 : i32
          %dma_start3A_275 = tpu.memref_slice %arg2[%dma_start3A_273, %dma_start3A_274] : memref<10000x128xf32, #tpu.memory_space<hbm>> -> memref<10000x128xf32, #tpu.memory_space<hbm>>
          tpu.enqueue_indirect_dma source(%dma_start3A_275 : memref<10000x128xf32, #tpu.memory_space<hbm>>) target(%dma_start3A_269 : memref<80x128xf32, #tpu.memory_space<vmem>>) offsets(%dma_start3A_272 : memref<80xi32, #tpu.memory_space<vmem>>) semaphore(%arg14 : memref<!tpu.dma_semaphore, #tpu.memory_space<semaphore_mem>>)
          %dma_start3A_276 = arith.constant 1 : i32
          %dma_start3A_277 = arith.constant 1 : i32
          %dma_start3A_278 = arith.constant 0 : i32
          %dma_start3A_279 = arith.constant 0 : i32
          %dma_start3A_280 = tpu.memref_slice %arg10[%dma_start3A_277, %dma_start3A_278, %dma_start3A_279] : memref<2x80x128xf32, #tpu.memory_space<vmem>> -> memref<1x80x128xf32, #tpu.memory_space<vmem>>
          %dma_start3A_281 = tpu.memref_squeeze %dma_start3A_280 : memref<1x80x128xf32, #tpu.memory_space<vmem>> -> memref<80x128xf32, #tpu.memory_space<vmem>>
          %dma_start3A_282 = arith.constant 0 : i32
          %dma_start3A_283 = tpu.memref_slice %arg8[%dma_start3A_276, %dma_start3A_282] : memref<2x80xi32, #tpu.memory_space<vmem>> -> memref<1x80xi32, #tpu.memory_space<vmem>>
          %dma_start3A_284 = tpu.memref_squeeze %dma_start3A_283 : memref<1x80xi32, #tpu.memory_space<vmem>> -> memref<80xi32, #tpu.memory_space<vmem>>
          %dma_start3A_285 = arith.constant 0 : i32
          %dma_start3A_286 = arith.constant 0 : i32
          %dma_start3A_287 = tpu.memref_slice %arg2[%dma_start3A_285, %dma_start3A_286] : memref<10000x128xf32, #tpu.memory_space<hbm>> -> memref<10000x128xf32, #tpu.memory_space<hbm>>
          tpu.enqueue_indirect_dma source(%dma_start3A_287 : memref<10000x128xf32, #tpu.memory_space<hbm>>) target(%dma_start3A_281 : memref<80x128xf32, #tpu.memory_space<vmem>>) offsets(%dma_start3A_284 : memref<80xi32, #tpu.memory_space<vmem>>) semaphore(%arg16 : memref<!tpu.dma_semaphore, #tpu.memory_space<semaphore_mem>>)
        } else {
        }
      } else {
      }
      %mul3A_161 = arith.constant 2 : i32
      %mul3A_162 = arith.muli %mul3A_161, %scan3A_153 : i32
      %add3A_163 = arith.constant 1 : i32
      %add3A_164 = arith.addi %mul3A_162, %add3A_163 : i32
      %lt3A_165 = arith.constant 125 : i32
      %lt3A_166 = arith.cmpi slt, %add3A_164, %lt3A_165 : i32
      %convert_element_type3A_167 = arith.extui %lt3A_166 : i1 to i32
      %cond3A_168 = arith.constant 0 : i32
      %cond3A_169 = arith.cmpi ne, %convert_element_type3A_167, %cond3A_168 : i32
      scf.if %cond3A_169 {
        %dma_wait3A_171 = arith.constant 1 : i32
        %dma_wait3A_172 = arith.constant 1 : i32
        %dma_wait3A_173 = arith.constant 0 : i32
        %dma_wait3A_174 = arith.constant 0 : i32
        %dma_wait3A_175 = tpu.memref_slice %arg9[%dma_wait3A_172, %dma_wait3A_173, %dma_wait3A_174] : memref<2x80x128xf32, #tpu.memory_space<vmem>> -> memref<1x80x128xf32, #tpu.memory_space<vmem>>
        %dma_wait3A_176 = tpu.memref_squeeze %dma_wait3A_175 : memref<1x80x128xf32, #tpu.memory_space<vmem>> -> memref<80x128xf32, #tpu.memory_space<vmem>>
        %dma_wait3A_177 = arith.constant 0 : i32
        %dma_wait3A_178 = tpu.memref_slice %arg7[%dma_wait3A_171, %dma_wait3A_177] : memref<2x80xi32, #tpu.memory_space<vmem>> -> memref<1x80xi32, #tpu.memory_space<vmem>>
        %dma_wait3A_179 = tpu.memref_squeeze %dma_wait3A_178 : memref<1x80xi32, #tpu.memory_space<vmem>> -> memref<80xi32, #tpu.memory_space<vmem>>
        %dma_wait3A_180 = arith.constant 0 : i32
        %dma_wait3A_181 = arith.constant 0 : i32
        %dma_wait3A_182 = tpu.memref_slice %arg2[%dma_wait3A_180, %dma_wait3A_181] : memref<10000x128xf32, #tpu.memory_space<hbm>> -> memref<10000x128xf32, #tpu.memory_space<hbm>>
        tpu.wait_indirect_dma semaphore(%arg14 : memref<!tpu.dma_semaphore, #tpu.memory_space<semaphore_mem>>) src(%dma_wait3A_182 : memref<10000x128xf32, #tpu.memory_space<hbm>>) dst(%dma_wait3A_176 : memref<80x128xf32, #tpu.memory_space<vmem>>)
        %dma_wait3A_183 = arith.constant 1 : i32
        %dma_wait3A_184 = arith.constant 1 : i32
        %dma_wait3A_185 = arith.constant 0 : i32
        %dma_wait3A_186 = arith.constant 0 : i32
        %dma_wait3A_187 = tpu.memref_slice %arg10[%dma_wait3A_184, %dma_wait3A_185, %dma_wait3A_186] : memref<2x80x128xf32, #tpu.memory_space<vmem>> -> memref<1x80x128xf32, #tpu.memory_space<vmem>>
        %dma_wait3A_188 = tpu.memref_squeeze %dma_wait3A_187 : memref<1x80x128xf32, #tpu.memory_space<vmem>> -> memref<80x128xf32, #tpu.memory_space<vmem>>
        %dma_wait3A_189 = arith.constant 0 : i32
        %dma_wait3A_190 = tpu.memref_slice %arg8[%dma_wait3A_183, %dma_wait3A_189] : memref<2x80xi32, #tpu.memory_space<vmem>> -> memref<1x80xi32, #tpu.memory_space<vmem>>
        %dma_wait3A_191 = tpu.memref_squeeze %dma_wait3A_190 : memref<1x80xi32, #tpu.memory_space<vmem>> -> memref<80xi32, #tpu.memory_space<vmem>>
        %dma_wait3A_192 = arith.constant 0 : i32
        %dma_wait3A_193 = arith.constant 0 : i32
        %dma_wait3A_194 = tpu.memref_slice %arg2[%dma_wait3A_192, %dma_wait3A_193] : memref<10000x128xf32, #tpu.memory_space<hbm>> -> memref<10000x128xf32, #tpu.memory_space<hbm>>
        tpu.wait_indirect_dma semaphore(%arg16 : memref<!tpu.dma_semaphore, #tpu.memory_space<semaphore_mem>>) src(%dma_wait3A_194 : memref<10000x128xf32, #tpu.memory_space<hbm>>) dst(%dma_wait3A_188 : memref<80x128xf32, #tpu.memory_space<vmem>>)
        %mul3A_195 = arith.constant 80 : i32
        %mul3A_196 = arith.muli %add3A_164, %mul3A_195 : i32
        %add3A_197 = arith.addi %mul3A_2, %mul3A_196 : i32
        %dma_start3A_198 = arith.constant 1 : i32
        %dma_start3A_199 = arith.constant 0 : i32
        %dma_start3A_200 = arith.constant 0 : i32
        %dma_start3A_201 = tpu.memref_slice %arg9[%dma_start3A_198, %dma_start3A_199, %dma_start3A_200] : memref<2x80x128xf32, #tpu.memory_space<vmem>> -> memref<1x80x128xf32, #tpu.memory_space<vmem>>
        %dma_start3A_202 = tpu.memref_squeeze %dma_start3A_201 : memref<1x80x128xf32, #tpu.memory_space<vmem>> -> memref<80x128xf32, #tpu.memory_space<vmem>>
        %dma_start3A_203 = arith.constant 0 : i32
        %dma_start3A_204 = tpu.memref_slice %arg5[%add3A_197, %dma_start3A_203] : memref<320000x128xf32, #tpu.memory_space<hbm>> -> memref<80x128xf32, #tpu.memory_space<hbm>>
        %dma_start3A_205 = arith.constant 0 : i32
        %dma_start3A_206 = tpu.memref_slice %arg5[%add3A_197, %dma_start3A_205] : memref<320000x128xf32, #tpu.memory_space<hbm>> -> memref<80x128xf32, #tpu.memory_space<hbm>>
        %dma_start3A_207 = arith.constant 0 : i32
        %dma_start3A_208 = arith.constant 0 : i32
        %dma_start3A_209 = tpu.memref_slice %arg9[%dma_start3A_198, %dma_start3A_207, %dma_start3A_208] : memref<2x80x128xf32, #tpu.memory_space<vmem>> -> memref<1x80x128xf32, #tpu.memory_space<vmem>>
        %dma_start3A_210 = tpu.memref_squeeze %dma_start3A_209 : memref<1x80x128xf32, #tpu.memory_space<vmem>> -> memref<80x128xf32, #tpu.memory_space<vmem>>
        tpu.enqueue_dma source(%dma_start3A_210 : memref<80x128xf32, #tpu.memory_space<vmem>>) target(%dma_start3A_206 : memref<80x128xf32, #tpu.memory_space<hbm>>) target_semaphore(%arg18 : memref<!tpu.dma_semaphore, #tpu.memory_space<semaphore_mem>>)
        %dma_start3A_211 = arith.constant 1 : i32
        %dma_start3A_212 = arith.constant 0 : i32
        %dma_start3A_213 = arith.constant 0 : i32
        %dma_start3A_214 = tpu.memref_slice %arg10[%dma_start3A_211, %dma_start3A_212, %dma_start3A_213] : memref<2x80x128xf32, #tpu.memory_space<vmem>> -> memref<1x80x128xf32, #tpu.memory_space<vmem>>
        %dma_start3A_215 = tpu.memref_squeeze %dma_start3A_214 : memref<1x80x128xf32, #tpu.memory_space<vmem>> -> memref<80x128xf32, #tpu.memory_space<vmem>>
        %dma_start3A_216 = arith.constant 0 : i32
        %dma_start3A_217 = tpu.memref_slice %arg6[%add3A_197, %dma_start3A_216] : memref<320000x128xf32, #tpu.memory_space<hbm>> -> memref<80x128xf32, #tpu.memory_space<hbm>>
        %dma_start3A_218 = arith.constant 0 : i32
        %dma_start3A_219 = tpu.memref_slice %arg6[%add3A_197, %dma_start3A_218] : memref<320000x128xf32, #tpu.memory_space<hbm>> -> memref<80x128xf32, #tpu.memory_space<hbm>>
        %dma_start3A_220 = arith.constant 0 : i32
        %dma_start3A_221 = arith.constant 0 : i32
        %dma_start3A_222 = tpu.memref_slice %arg10[%dma_start3A_211, %dma_start3A_220, %dma_start3A_221] : memref<2x80x128xf32, #tpu.memory_space<vmem>> -> memref<1x80x128xf32, #tpu.memory_space<vmem>>
        %dma_start3A_223 = tpu.memref_squeeze %dma_start3A_222 : memref<1x80x128xf32, #tpu.memory_space<vmem>> -> memref<80x128xf32, #tpu.memory_space<vmem>>
        tpu.enqueue_dma source(%dma_start3A_223 : memref<80x128xf32, #tpu.memory_space<vmem>>) target(%dma_start3A_219 : memref<80x128xf32, #tpu.memory_space<hbm>>) target_semaphore(%arg18 : memref<!tpu.dma_semaphore, #tpu.memory_space<semaphore_mem>>)
        %add3A_224 = arith.constant 2 : i32
        %add3A_225 = arith.addi %add3A_164, %add3A_224 : i32
        %lt3A_226 = arith.constant 125 : i32
        %lt3A_227 = arith.cmpi slt, %add3A_225, %lt3A_226 : i32
        %convert_element_type3A_228 = arith.extui %lt3A_227 : i1 to i32
        %cond3A_229 = arith.constant 0 : i32
        %cond3A_230 = arith.cmpi ne, %convert_element_type3A_228, %cond3A_229 : i32
        scf.if %cond3A_230 {
          %add3A_238 = arith.constant 2 : i32
          %add3A_239 = arith.addi %add3A_164, %add3A_238 : i32
          %mul3A_240 = arith.constant 80 : i32
          %mul3A_241 = arith.muli %add3A_239, %mul3A_240 : i32
          %add3A_242 = arith.addi %mul3A_2, %mul3A_241 : i32
          %dma_start3A_243 = arith.constant 1 : i32
          %dma_start3A_244 = arith.constant 0 : i32
          %dma_start3A_245 = tpu.memref_slice %arg7[%dma_start3A_243, %dma_start3A_244] : memref<2x80xi32, #tpu.memory_space<vmem>> -> memref<1x80xi32, #tpu.memory_space<vmem>>
          %dma_start3A_246 = tpu.memref_squeeze %dma_start3A_245 : memref<1x80xi32, #tpu.memory_space<vmem>> -> memref<80xi32, #tpu.memory_space<vmem>>
          %dma_start3A_247 = tpu.memref_slice %arg3[%add3A_242] : memref<320000xi32, #tpu.memory_space<hbm>> -> memref<80xi32, #tpu.memory_space<hbm>>
          %dma_start3A_248 = arith.constant 0 : i32
          %dma_start3A_249 = tpu.memref_slice %arg7[%dma_start3A_243, %dma_start3A_248] : memref<2x80xi32, #tpu.memory_space<vmem>> -> memref<1x80xi32, #tpu.memory_space<vmem>>
          %dma_start3A_250 = tpu.memref_squeeze %dma_start3A_249 : memref<1x80xi32, #tpu.memory_space<vmem>> -> memref<80xi32, #tpu.memory_space<vmem>>
          %dma_start3A_251 = tpu.memref_slice %arg3[%add3A_242] : memref<320000xi32, #tpu.memory_space<hbm>> -> memref<80xi32, #tpu.memory_space<hbm>>
          tpu.enqueue_dma source(%dma_start3A_251 : memref<80xi32, #tpu.memory_space<hbm>>) target(%dma_start3A_250 : memref<80xi32, #tpu.memory_space<vmem>>) target_semaphore(%arg12 : memref<!tpu.dma_semaphore, #tpu.memory_space<semaphore_mem>>)
          %dma_start3A_252 = arith.constant 1 : i32
          %dma_start3A_253 = arith.constant 0 : i32
          %dma_start3A_254 = tpu.memref_slice %arg8[%dma_start3A_252, %dma_start3A_253] : memref<2x80xi32, #tpu.memory_space<vmem>> -> memref<1x80xi32, #tpu.memory_space<vmem>>
          %dma_start3A_255 = tpu.memref_squeeze %dma_start3A_254 : memref<1x80xi32, #tpu.memory_space<vmem>> -> memref<80xi32, #tpu.memory_space<vmem>>
          %dma_start3A_256 = tpu.memref_slice %arg4[%add3A_242] : memref<320000xi32, #tpu.memory_space<hbm>> -> memref<80xi32, #tpu.memory_space<hbm>>
          %dma_start3A_257 = arith.constant 0 : i32
          %dma_start3A_258 = tpu.memref_slice %arg8[%dma_start3A_252, %dma_start3A_257] : memref<2x80xi32, #tpu.memory_space<vmem>> -> memref<1x80xi32, #tpu.memory_space<vmem>>
          %dma_start3A_259 = tpu.memref_squeeze %dma_start3A_258 : memref<1x80xi32, #tpu.memory_space<vmem>> -> memref<80xi32, #tpu.memory_space<vmem>>
          %dma_start3A_260 = tpu.memref_slice %arg4[%add3A_242] : memref<320000xi32, #tpu.memory_space<hbm>> -> memref<80xi32, #tpu.memory_space<hbm>>
          tpu.enqueue_dma source(%dma_start3A_260 : memref<80xi32, #tpu.memory_space<hbm>>) target(%dma_start3A_259 : memref<80xi32, #tpu.memory_space<vmem>>) target_semaphore(%arg12 : memref<!tpu.dma_semaphore, #tpu.memory_space<semaphore_mem>>)
        } else {
        }
        %add3A_231 = arith.constant 1 : i32
        %add3A_232 = arith.addi %add3A_164, %add3A_231 : i32
        %lt3A_233 = arith.constant 125 : i32
        %lt3A_234 = arith.cmpi slt, %add3A_232, %lt3A_233 : i32
        %convert_element_type3A_235 = arith.extui %lt3A_234 : i1 to i32
        %cond3A_236 = arith.constant 0 : i32
        %cond3A_237 = arith.cmpi ne, %convert_element_type3A_235, %cond3A_236 : i32
        scf.if %cond3A_237 {
          %dma_wait3A_238 = arith.constant 0 : i32
          %dma_wait3A_239 = arith.constant 0 : i32
          %dma_wait3A_240 = tpu.memref_slice %arg7[%dma_wait3A_238, %dma_wait3A_239] : memref<2x80xi32, #tpu.memory_space<vmem>> -> memref<1x80xi32, #tpu.memory_space<vmem>>
          %dma_wait3A_241 = tpu.memref_squeeze %dma_wait3A_240 : memref<1x80xi32, #tpu.memory_space<vmem>> -> memref<80xi32, #tpu.memory_space<vmem>>
          %dma_wait3A_242 = arith.constant 0 : i32
          %dma_wait3A_243 = tpu.memref_slice %arg3[%dma_wait3A_242] : memref<320000xi32, #tpu.memory_space<hbm>> -> memref<80xi32, #tpu.memory_space<hbm>>
          %dma_wait3A_244 = arith.constant 0 : i32
          %dma_wait3A_245 = tpu.memref_slice %arg7[%dma_wait3A_238, %dma_wait3A_244] : memref<2x80xi32, #tpu.memory_space<vmem>> -> memref<1x80xi32, #tpu.memory_space<vmem>>
          %dma_wait3A_246 = tpu.memref_squeeze %dma_wait3A_245 : memref<1x80xi32, #tpu.memory_space<vmem>> -> memref<80xi32, #tpu.memory_space<vmem>>
          %dma_wait3A_247 = arith.constant 0 : i32
          %dma_wait3A_248 = tpu.memref_slice %arg3[%dma_wait3A_247] : memref<320000xi32, #tpu.memory_space<hbm>> -> memref<80xi32, #tpu.memory_space<hbm>>
          tpu.wait_dma2 semaphore(%arg11 : memref<!tpu.dma_semaphore, #tpu.memory_space<semaphore_mem>>) src(%dma_wait3A_248 : memref<80xi32, #tpu.memory_space<hbm>>) dst(%dma_wait3A_246 : memref<80xi32, #tpu.memory_space<vmem>>)
          %dma_wait3A_249 = arith.constant 0 : i32
          %dma_wait3A_250 = arith.constant 0 : i32
          %dma_wait3A_251 = tpu.memref_slice %arg8[%dma_wait3A_249, %dma_wait3A_250] : memref<2x80xi32, #tpu.memory_space<vmem>> -> memref<1x80xi32, #tpu.memory_space<vmem>>
          %dma_wait3A_252 = tpu.memref_squeeze %dma_wait3A_251 : memref<1x80xi32, #tpu.memory_space<vmem>> -> memref<80xi32, #tpu.memory_space<vmem>>
          %dma_wait3A_253 = arith.constant 0 : i32
          %dma_wait3A_254 = tpu.memref_slice %arg4[%dma_wait3A_253] : memref<320000xi32, #tpu.memory_space<hbm>> -> memref<80xi32, #tpu.memory_space<hbm>>
          %dma_wait3A_255 = arith.constant 0 : i32
          %dma_wait3A_256 = tpu.memref_slice %arg8[%dma_wait3A_249, %dma_wait3A_255] : memref<2x80xi32, #tpu.memory_space<vmem>> -> memref<1x80xi32, #tpu.memory_space<vmem>>
          %dma_wait3A_257 = tpu.memref_squeeze %dma_wait3A_256 : memref<1x80xi32, #tpu.memory_space<vmem>> -> memref<80xi32, #tpu.memory_space<vmem>>
          %dma_wait3A_258 = arith.constant 0 : i32
          %dma_wait3A_259 = tpu.memref_slice %arg4[%dma_wait3A_258] : memref<320000xi32, #tpu.memory_space<hbm>> -> memref<80xi32, #tpu.memory_space<hbm>>
          tpu.wait_dma2 semaphore(%arg11 : memref<!tpu.dma_semaphore, #tpu.memory_space<semaphore_mem>>) src(%dma_wait3A_259 : memref<80xi32, #tpu.memory_space<hbm>>) dst(%dma_wait3A_257 : memref<80xi32, #tpu.memory_space<vmem>>)
          %ge3A = arith.constant 1 : i32
          %ge3A_260 = arith.cmpi sge, %add3A_164, %ge3A : i32
          %convert_element_type3A_261 = arith.extui %ge3A_260 : i1 to i32
          %cond3A_262 = arith.constant 0 : i32
          %cond3A_263 = arith.cmpi ne, %convert_element_type3A_261, %cond3A_262 : i32
          scf.if %cond3A_263 {
            %dma_wait3A_288 = arith.constant 0 : i32
            %dma_wait3A_289 = arith.constant 0 : i32
            %dma_wait3A_290 = arith.constant 0 : i32
            %dma_wait3A_291 = tpu.memref_slice %arg9[%dma_wait3A_288, %dma_wait3A_289, %dma_wait3A_290] : memref<2x80x128xf32, #tpu.memory_space<vmem>> -> memref<1x80x128xf32, #tpu.memory_space<vmem>>
            %dma_wait3A_292 = tpu.memref_squeeze %dma_wait3A_291 : memref<1x80x128xf32, #tpu.memory_space<vmem>> -> memref<80x128xf32, #tpu.memory_space<vmem>>
            %dma_wait3A_293 = arith.constant 0 : i32
            %dma_wait3A_294 = arith.constant 0 : i32
            %dma_wait3A_295 = tpu.memref_slice %arg5[%dma_wait3A_293, %dma_wait3A_294] : memref<320000x128xf32, #tpu.memory_space<hbm>> -> memref<80x128xf32, #tpu.memory_space<hbm>>
            %dma_wait3A_296 = arith.constant 0 : i32
            %dma_wait3A_297 = arith.constant 0 : i32
            %dma_wait3A_298 = tpu.memref_slice %arg5[%dma_wait3A_296, %dma_wait3A_297] : memref<320000x128xf32, #tpu.memory_space<hbm>> -> memref<80x128xf32, #tpu.memory_space<hbm>>
            %dma_wait3A_299 = arith.constant 0 : i32
            %dma_wait3A_300 = arith.constant 0 : i32
            %dma_wait3A_301 = tpu.memref_slice %arg9[%dma_wait3A_288, %dma_wait3A_299, %dma_wait3A_300] : memref<2x80x128xf32, #tpu.memory_space<vmem>> -> memref<1x80x128xf32, #tpu.memory_space<vmem>>
            %dma_wait3A_302 = tpu.memref_squeeze %dma_wait3A_301 : memref<1x80x128xf32, #tpu.memory_space<vmem>> -> memref<80x128xf32, #tpu.memory_space<vmem>>
            tpu.wait_dma2 semaphore(%arg17 : memref<!tpu.dma_semaphore, #tpu.memory_space<semaphore_mem>>) src(%dma_wait3A_302 : memref<80x128xf32, #tpu.memory_space<vmem>>) dst(%dma_wait3A_298 : memref<80x128xf32, #tpu.memory_space<hbm>>)
            %dma_wait3A_303 = arith.constant 0 : i32
            %dma_wait3A_304 = arith.constant 0 : i32
            %dma_wait3A_305 = arith.constant 0 : i32
            %dma_wait3A_306 = tpu.memref_slice %arg10[%dma_wait3A_303, %dma_wait3A_304, %dma_wait3A_305] : memref<2x80x128xf32, #tpu.memory_space<vmem>> -> memref<1x80x128xf32, #tpu.memory_space<vmem>>
            %dma_wait3A_307 = tpu.memref_squeeze %dma_wait3A_306 : memref<1x80x128xf32, #tpu.memory_space<vmem>> -> memref<80x128xf32, #tpu.memory_space<vmem>>
            %dma_wait3A_308 = arith.constant 0 : i32
            %dma_wait3A_309 = arith.constant 0 : i32
            %dma_wait3A_310 = tpu.memref_slice %arg6[%dma_wait3A_308, %dma_wait3A_309] : memref<320000x128xf32, #tpu.memory_space<hbm>> -> memref<80x128xf32, #tpu.memory_space<hbm>>
            %dma_wait3A_311 = arith.constant 0 : i32
            %dma_wait3A_312 = arith.constant 0 : i32
            %dma_wait3A_313 = tpu.memref_slice %arg6[%dma_wait3A_311, %dma_wait3A_312] : memref<320000x128xf32, #tpu.memory_space<hbm>> -> memref<80x128xf32, #tpu.memory_space<hbm>>
            %dma_wait3A_314 = arith.constant 0 : i32
            %dma_wait3A_315 = arith.constant 0 : i32
            %dma_wait3A_316 = tpu.memref_slice %arg10[%dma_wait3A_303, %dma_wait3A_314, %dma_wait3A_315] : memref<2x80x128xf32, #tpu.memory_space<vmem>> -> memref<1x80x128xf32, #tpu.memory_space<vmem>>
            %dma_wait3A_317 = tpu.memref_squeeze %dma_wait3A_316 : memref<1x80x128xf32, #tpu.memory_space<vmem>> -> memref<80x128xf32, #tpu.memory_space<vmem>>
            tpu.wait_dma2 semaphore(%arg17 : memref<!tpu.dma_semaphore, #tpu.memory_space<semaphore_mem>>) src(%dma_wait3A_317 : memref<80x128xf32, #tpu.memory_space<vmem>>) dst(%dma_wait3A_313 : memref<80x128xf32, #tpu.memory_space<hbm>>)
          } else {
          }
          %dma_start3A_264 = arith.constant 0 : i32
          %dma_start3A_265 = arith.constant 0 : i32
          %dma_start3A_266 = arith.constant 0 : i32
          %dma_start3A_267 = arith.constant 0 : i32
          %dma_start3A_268 = tpu.memref_slice %arg9[%dma_start3A_265, %dma_start3A_266, %dma_start3A_267] : memref<2x80x128xf32, #tpu.memory_space<vmem>> -> memref<1x80x128xf32, #tpu.memory_space<vmem>>
          %dma_start3A_269 = tpu.memref_squeeze %dma_start3A_268 : memref<1x80x128xf32, #tpu.memory_space<vmem>> -> memref<80x128xf32, #tpu.memory_space<vmem>>
          %dma_start3A_270 = arith.constant 0 : i32
          %dma_start3A_271 = tpu.memref_slice %arg7[%dma_start3A_264, %dma_start3A_270] : memref<2x80xi32, #tpu.memory_space<vmem>> -> memref<1x80xi32, #tpu.memory_space<vmem>>
          %dma_start3A_272 = tpu.memref_squeeze %dma_start3A_271 : memref<1x80xi32, #tpu.memory_space<vmem>> -> memref<80xi32, #tpu.memory_space<vmem>>
          %dma_start3A_273 = arith.constant 0 : i32
          %dma_start3A_274 = arith.constant 0 : i32
          %dma_start3A_275 = tpu.memref_slice %arg2[%dma_start3A_273, %dma_start3A_274] : memref<10000x128xf32, #tpu.memory_space<hbm>> -> memref<10000x128xf32, #tpu.memory_space<hbm>>
          tpu.enqueue_indirect_dma source(%dma_start3A_275 : memref<10000x128xf32, #tpu.memory_space<hbm>>) target(%dma_start3A_269 : memref<80x128xf32, #tpu.memory_space<vmem>>) offsets(%dma_start3A_272 : memref<80xi32, #tpu.memory_space<vmem>>) semaphore(%arg13 : memref<!tpu.dma_semaphore, #tpu.memory_space<semaphore_mem>>)
          %dma_start3A_276 = arith.constant 0 : i32
          %dma_start3A_277 = arith.constant 0 : i32
          %dma_start3A_278 = arith.constant 0 : i32
          %dma_start3A_279 = arith.constant 0 : i32
          %dma_start3A_280 = tpu.memref_slice %arg10[%dma_start3A_277, %dma_start3A_278, %dma_start3A_279] : memref<2x80x128xf32, #tpu.memory_space<vmem>> -> memref<1x80x128xf32, #tpu.memory_space<vmem>>
          %dma_start3A_281 = tpu.memref_squeeze %dma_start3A_280 : memref<1x80x128xf32, #tpu.memory_space<vmem>> -> memref<80x128xf32, #tpu.memory_space<vmem>>
          %dma_start3A_282 = arith.constant 0 : i32
          %dma_start3A_283 = tpu.memref_slice %arg8[%dma_start3A_276, %dma_start3A_282] : memref<2x80xi32, #tpu.memory_space<vmem>> -> memref<1x80xi32, #tpu.memory_space<vmem>>
          %dma_start3A_284 = tpu.memref_squeeze %dma_start3A_283 : memref<1x80xi32, #tpu.memory_space<vmem>> -> memref<80xi32, #tpu.memory_space<vmem>>
          %dma_start3A_285 = arith.constant 0 : i32
          %dma_start3A_286 = arith.constant 0 : i32
          %dma_start3A_287 = tpu.memref_slice %arg2[%dma_start3A_285, %dma_start3A_286] : memref<10000x128xf32, #tpu.memory_space<hbm>> -> memref<10000x128xf32, #tpu.memory_space<hbm>>
          tpu.enqueue_indirect_dma source(%dma_start3A_287 : memref<10000x128xf32, #tpu.memory_space<hbm>>) target(%dma_start3A_281 : memref<80x128xf32, #tpu.memory_space<vmem>>) offsets(%dma_start3A_284 : memref<80xi32, #tpu.memory_space<vmem>>) semaphore(%arg15 : memref<!tpu.dma_semaphore, #tpu.memory_space<semaphore_mem>>)
        } else {
        }
      } else {
      }
      %scan3A_170 = arith.constant 0 : i32
      scf.yield %scan3A_170 : i32
    }
    %scan3A_92 = arith.constant 63 : i32
    %dma_wait3A_93 = arith.constant 0 : i32
    %dma_wait3A_94 = arith.constant 0 : i32
    %dma_wait3A_95 = arith.constant 0 : i32
    %dma_wait3A_96 = tpu.memref_slice %arg9[%dma_wait3A_93, %dma_wait3A_94, %dma_wait3A_95] : memref<2x80x128xf32, #tpu.memory_space<vmem>> -> memref<1x80x128xf32, #tpu.memory_space<vmem>>
    %dma_wait3A_97 = tpu.memref_squeeze %dma_wait3A_96 : memref<1x80x128xf32, #tpu.memory_space<vmem>> -> memref<80x128xf32, #tpu.memory_space<vmem>>
    %dma_wait3A_98 = arith.constant 0 : i32
    %dma_wait3A_99 = arith.constant 0 : i32
    %dma_wait3A_100 = tpu.memref_slice %arg5[%dma_wait3A_98, %dma_wait3A_99] : memref<320000x128xf32, #tpu.memory_space<hbm>> -> memref<80x128xf32, #tpu.memory_space<hbm>>
    %dma_wait3A_101 = arith.constant 0 : i32
    %dma_wait3A_102 = arith.constant 0 : i32
    %dma_wait3A_103 = tpu.memref_slice %arg5[%dma_wait3A_101, %dma_wait3A_102] : memref<320000x128xf32, #tpu.memory_space<hbm>> -> memref<80x128xf32, #tpu.memory_space<hbm>>
    %dma_wait3A_104 = arith.constant 0 : i32
    %dma_wait3A_105 = arith.constant 0 : i32
    %dma_wait3A_106 = tpu.memref_slice %arg9[%dma_wait3A_93, %dma_wait3A_104, %dma_wait3A_105] : memref<2x80x128xf32, #tpu.memory_space<vmem>> -> memref<1x80x128xf32, #tpu.memory_space<vmem>>
    %dma_wait3A_107 = tpu.memref_squeeze %dma_wait3A_106 : memref<1x80x128xf32, #tpu.memory_space<vmem>> -> memref<80x128xf32, #tpu.memory_space<vmem>>
    tpu.wait_dma2 semaphore(%arg17 : memref<!tpu.dma_semaphore, #tpu.memory_space<semaphore_mem>>) src(%dma_wait3A_107 : memref<80x128xf32, #tpu.memory_space<vmem>>) dst(%dma_wait3A_103 : memref<80x128xf32, #tpu.memory_space<hbm>>)
    %dma_wait3A_108 = arith.constant 0 : i32
    %dma_wait3A_109 = arith.constant 0 : i32
    %dma_wait3A_110 = arith.constant 0 : i32
    %dma_wait3A_111 = tpu.memref_slice %arg10[%dma_wait3A_108, %dma_wait3A_109, %dma_wait3A_110] : memref<2x80x128xf32, #tpu.memory_space<vmem>> -> memref<1x80x128xf32, #tpu.memory_space<vmem>>
    %dma_wait3A_112 = tpu.memref_squeeze %dma_wait3A_111 : memref<1x80x128xf32, #tpu.memory_space<vmem>> -> memref<80x128xf32, #tpu.memory_space<vmem>>
    %dma_wait3A_113 = arith.constant 0 : i32
    %dma_wait3A_114 = arith.constant 0 : i32
    %dma_wait3A_115 = tpu.memref_slice %arg6[%dma_wait3A_113, %dma_wait3A_114] : memref<320000x128xf32, #tpu.memory_space<hbm>> -> memref<80x128xf32, #tpu.memory_space<hbm>>
    %dma_wait3A_116 = arith.constant 0 : i32
    %dma_wait3A_117 = arith.constant 0 : i32
    %dma_wait3A_118 = tpu.memref_slice %arg6[%dma_wait3A_116, %dma_wait3A_117] : memref<320000x128xf32, #tpu.memory_space<hbm>> -> memref<80x128xf32, #tpu.memory_space<hbm>>
    %dma_wait3A_119 = arith.constant 0 : i32
    %dma_wait3A_120 = arith.constant 0 : i32
    %dma_wait3A_121 = tpu.memref_slice %arg10[%dma_wait3A_108, %dma_wait3A_119, %dma_wait3A_120] : memref<2x80x128xf32, #tpu.memory_space<vmem>> -> memref<1x80x128xf32, #tpu.memory_space<vmem>>
    %dma_wait3A_122 = tpu.memref_squeeze %dma_wait3A_121 : memref<1x80x128xf32, #tpu.memory_space<vmem>> -> memref<80x128xf32, #tpu.memory_space<vmem>>
    tpu.wait_dma2 semaphore(%arg17 : memref<!tpu.dma_semaphore, #tpu.memory_space<semaphore_mem>>) src(%dma_wait3A_122 : memref<80x128xf32, #tpu.memory_space<vmem>>) dst(%dma_wait3A_118 : memref<80x128xf32, #tpu.memory_space<hbm>>)
    %dma_wait3A_123 = arith.constant 1 : i32
    %dma_wait3A_124 = arith.constant 0 : i32
    %dma_wait3A_125 = arith.constant 0 : i32
    %dma_wait3A_126 = tpu.memref_slice %arg9[%dma_wait3A_123, %dma_wait3A_124, %dma_wait3A_125] : memref<2x80x128xf32, #tpu.memory_space<vmem>> -> memref<1x80x128xf32, #tpu.memory_space<vmem>>
    %dma_wait3A_127 = tpu.memref_squeeze %dma_wait3A_126 : memref<1x80x128xf32, #tpu.memory_space<vmem>> -> memref<80x128xf32, #tpu.memory_space<vmem>>
    %dma_wait3A_128 = arith.constant 0 : i32
    %dma_wait3A_129 = arith.constant 0 : i32
    %dma_wait3A_130 = tpu.memref_slice %arg5[%dma_wait3A_128, %dma_wait3A_129] : memref<320000x128xf32, #tpu.memory_space<hbm>> -> memref<80x128xf32, #tpu.memory_space<hbm>>
    %dma_wait3A_131 = arith.constant 0 : i32
    %dma_wait3A_132 = arith.constant 0 : i32
    %dma_wait3A_133 = tpu.memref_slice %arg5[%dma_wait3A_131, %dma_wait3A_132] : memref<320000x128xf32, #tpu.memory_space<hbm>> -> memref<80x128xf32, #tpu.memory_space<hbm>>
    %dma_wait3A_134 = arith.constant 0 : i32
    %dma_wait3A_135 = arith.constant 0 : i32
    %dma_wait3A_136 = tpu.memref_slice %arg9[%dma_wait3A_123, %dma_wait3A_134, %dma_wait3A_135] : memref<2x80x128xf32, #tpu.memory_space<vmem>> -> memref<1x80x128xf32, #tpu.memory_space<vmem>>
    %dma_wait3A_137 = tpu.memref_squeeze %dma_wait3A_136 : memref<1x80x128xf32, #tpu.memory_space<vmem>> -> memref<80x128xf32, #tpu.memory_space<vmem>>
    tpu.wait_dma2 semaphore(%arg18 : memref<!tpu.dma_semaphore, #tpu.memory_space<semaphore_mem>>) src(%dma_wait3A_137 : memref<80x128xf32, #tpu.memory_space<vmem>>) dst(%dma_wait3A_133 : memref<80x128xf32, #tpu.memory_space<hbm>>)
    %dma_wait3A_138 = arith.constant 1 : i32
    %dma_wait3A_139 = arith.constant 0 : i32
    %dma_wait3A_140 = arith.constant 0 : i32
    %dma_wait3A_141 = tpu.memref_slice %arg10[%dma_wait3A_138, %dma_wait3A_139, %dma_wait3A_140] : memref<2x80x128xf32, #tpu.memory_space<vmem>> -> memref<1x80x128xf32, #tpu.memory_space<vmem>>
    %dma_wait3A_142 = tpu.memref_squeeze %dma_wait3A_141 : memref<1x80x128xf32, #tpu.memory_space<vmem>> -> memref<80x128xf32, #tpu.memory_space<vmem>>
    %dma_wait3A_143 = arith.constant 0 : i32
    %dma_wait3A_144 = arith.constant 0 : i32
    %dma_wait3A_145 = tpu.memref_slice %arg6[%dma_wait3A_143, %dma_wait3A_144] : memref<320000x128xf32, #tpu.memory_space<hbm>> -> memref<80x128xf32, #tpu.memory_space<hbm>>
    %dma_wait3A_146 = arith.constant 0 : i32
    %dma_wait3A_147 = arith.constant 0 : i32
    %dma_wait3A_148 = tpu.memref_slice %arg6[%dma_wait3A_146, %dma_wait3A_147] : memref<320000x128xf32, #tpu.memory_space<hbm>> -> memref<80x128xf32, #tpu.memory_space<hbm>>
    %dma_wait3A_149 = arith.constant 0 : i32
    %dma_wait3A_150 = arith.constant 0 : i32
    %dma_wait3A_151 = tpu.memref_slice %arg10[%dma_wait3A_138, %dma_wait3A_149, %dma_wait3A_150] : memref<2x80x128xf32, #tpu.memory_space<vmem>> -> memref<1x80x128xf32, #tpu.memory_space<vmem>>
    %dma_wait3A_152 = tpu.memref_squeeze %dma_wait3A_151 : memref<1x80x128xf32, #tpu.memory_space<vmem>> -> memref<80x128xf32, #tpu.memory_space<vmem>>
    tpu.wait_dma2 semaphore(%arg18 : memref<!tpu.dma_semaphore, #tpu.memory_space<semaphore_mem>>) src(%dma_wait3A_152 : memref<80x128xf32, #tpu.memory_space<vmem>>) dst(%dma_wait3A_148 : memref<80x128xf32, #tpu.memory_space<hbm>>)
    return
  }
}

#map = affine_map<(d0, d1) -> (0, 0)>
#map1 = affine_map<(d0, d1) -> (0)>
module attributes {stable_mosaic.version = 14 : i64} {
  func.func @k(%arg0: i32, %arg1: i32, %arg2: memref<320000x128xf32, #tpu.memory_space<hbm>>, %arg3: memref<320000x128xf32, #tpu.memory_space<hbm>>, %arg4: memref<320000xi32, #tpu.memory_space<hbm>>, %arg5: memref<80x128xf32, #tpu.memory_space<hbm>>, %arg6: memref<10240x128xf32, #tpu.memory_space<hbm>>, %arg7: memref<10240x128xf32, #tpu.memory_space<hbm>>, %arg8: memref<10240x128xf32, #tpu.memory_space<vmem_shared>>, %arg9: memref<2x80xi32, #tpu.memory_space<vmem>>, %arg10: memref<2x80x128xf32, #tpu.memory_space<vmem>>, %arg11: memref<!tpu.dma_semaphore, #tpu.memory_space<semaphore_mem>>, %arg12: memref<!tpu.dma_semaphore, #tpu.memory_space<semaphore_mem>>, %arg13: memref<!tpu.dma_semaphore, #tpu.memory_space<semaphore_mem>>, %arg14: memref<!tpu.dma_semaphore, #tpu.memory_space<semaphore_mem>>) attributes {dimension_semantics = [#tpu.dimension_semantics<core_parallel>, #tpu.dimension_semantics<subcore_parallel>], iteration_bounds = array<i64: 2, 16>, scalar_prefetch = 0 : i64, scratch_operands = 7 : i64, tpu.core_type = #tpu.core_type<sc_vector_subcore>, window_params = [{transform_indices = #map}, {transform_indices = #map}, {transform_indices = #map1}, {transform_indices = #map}, {transform_indices = #map}, {transform_indices = #map}]} {
    %run_scoped3A = arith.constant 0 : i32
    "tpu.region"() ({
      %run_scoped3A_25 = tpu.sem_alloc : memref<!tpu.dma_semaphore, #tpu.memory_space<semaphore_mem>>
      %dma_start3A = arith.constant 0 : i32
      %dma_start3A_26 = arith.constant 0 : i32
      %dma_start3A_27 = tpu.memref_slice %arg10[%run_scoped3A, %dma_start3A, %dma_start3A_26] : memref<2x80x128xf32, #tpu.memory_space<vmem>> -> memref<1x80x128xf32, #tpu.memory_space<vmem>>
      %dma_start3A_28 = tpu.memref_squeeze %dma_start3A_27 : memref<1x80x128xf32, #tpu.memory_space<vmem>> -> memref<80x128xf32, #tpu.memory_space<vmem>>
      %dma_start3A_29 = arith.constant 0 : i32
      %dma_start3A_30 = arith.constant 0 : i32
      %dma_start3A_31 = tpu.memref_slice %arg10[%run_scoped3A, %dma_start3A_29, %dma_start3A_30] : memref<2x80x128xf32, #tpu.memory_space<vmem>> -> memref<1x80x128xf32, #tpu.memory_space<vmem>>
      %dma_start3A_32 = tpu.memref_squeeze %dma_start3A_31 : memref<1x80x128xf32, #tpu.memory_space<vmem>> -> memref<80x128xf32, #tpu.memory_space<vmem>>
      tpu.enqueue_dma source(%arg5 : memref<80x128xf32, #tpu.memory_space<hbm>>) target(%dma_start3A_32 : memref<80x128xf32, #tpu.memory_space<vmem>>) target_semaphore(%run_scoped3A_25 : memref<!tpu.dma_semaphore, #tpu.memory_space<semaphore_mem>>)
      %dma_wait3A = arith.constant 0 : i32
      %dma_wait3A_33 = arith.constant 0 : i32
      %dma_wait3A_34 = tpu.memref_slice %arg10[%run_scoped3A, %dma_wait3A, %dma_wait3A_33] : memref<2x80x128xf32, #tpu.memory_space<vmem>> -> memref<1x80x128xf32, #tpu.memory_space<vmem>>
      %dma_wait3A_35 = tpu.memref_squeeze %dma_wait3A_34 : memref<1x80x128xf32, #tpu.memory_space<vmem>> -> memref<80x128xf32, #tpu.memory_space<vmem>>
      %dma_wait3A_36 = arith.constant 0 : i32
      %dma_wait3A_37 = arith.constant 0 : i32
      %dma_wait3A_38 = tpu.memref_slice %arg10[%run_scoped3A, %dma_wait3A_36, %dma_wait3A_37] : memref<2x80x128xf32, #tpu.memory_space<vmem>> -> memref<1x80x128xf32, #tpu.memory_space<vmem>>
      %dma_wait3A_39 = tpu.memref_squeeze %dma_wait3A_38 : memref<1x80x128xf32, #tpu.memory_space<vmem>> -> memref<80x128xf32, #tpu.memory_space<vmem>>
      tpu.wait_dma2 semaphore(%run_scoped3A_25 : memref<!tpu.dma_semaphore, #tpu.memory_space<semaphore_mem>>) src(%arg5 : memref<80x128xf32, #tpu.memory_space<hbm>>) dst(%dma_wait3A_39 : memref<80x128xf32, #tpu.memory_space<vmem>>)
      tpu.yield
    }) : () -> ()
    %scan3A = arith.constant 0 : i32
    %scan3A_0 = arith.constant 0 : i32
    %scan3A_1 = arith.constant 8 : i32
    %scan3A_2 = arith.addi %scan3A_0, %scan3A_1 : i32
    %scan3A_3 = arith.constant 1 : i32
    %scan3A_4 = scf.for %scan3A_25 = %scan3A_0 to %scan3A_2 step %scan3A_3 iter_args(%scan3A_26 = %scan3A) -> (i32)  : i32 {
      %mul3A_27 = arith.constant 640 : i32
      %mul3A_28 = arith.muli %arg1, %mul3A_27 : i32
      %mul3A_29 = arith.constant 80 : i32
      %mul3A_30 = arith.muli %scan3A_25, %mul3A_29 : i32
      %add3A = arith.addi %mul3A_28, %mul3A_30 : i32
      %run_scoped3A_31 = arith.constant 0 : i32
      "tpu.region"() ({
        %run_scoped3A_33 = tpu.sem_alloc : memref<!tpu.dma_semaphore, #tpu.memory_space<semaphore_mem>>
        %dma_start3A = arith.constant 0 : i32
        %dma_start3A_34 = arith.constant 0 : i32
        %dma_start3A_35 = tpu.memref_slice %arg10[%run_scoped3A_31, %dma_start3A, %dma_start3A_34] : memref<2x80x128xf32, #tpu.memory_space<vmem>> -> memref<1x80x128xf32, #tpu.memory_space<vmem>>
        %dma_start3A_36 = tpu.memref_squeeze %dma_start3A_35 : memref<1x80x128xf32, #tpu.memory_space<vmem>> -> memref<80x128xf32, #tpu.memory_space<vmem>>
        %dma_start3A_37 = arith.constant 0 : i32
        %dma_start3A_38 = tpu.memref_slice %arg8[%add3A, %dma_start3A_37] : memref<10240x128xf32, #tpu.memory_space<vmem_shared>> -> memref<80x128xf32, #tpu.memory_space<vmem_shared>>
        %dma_start3A_39 = arith.constant 0 : i32
        %dma_start3A_40 = tpu.memref_slice %arg8[%add3A, %dma_start3A_39] : memref<10240x128xf32, #tpu.memory_space<vmem_shared>> -> memref<80x128xf32, #tpu.memory_space<vmem_shared>>
        %dma_start3A_41 = arith.constant 0 : i32
        %dma_start3A_42 = arith.constant 0 : i32
        %dma_start3A_43 = tpu.memref_slice %arg10[%run_scoped3A_31, %dma_start3A_41, %dma_start3A_42] : memref<2x80x128xf32, #tpu.memory_space<vmem>> -> memref<1x80x128xf32, #tpu.memory_space<vmem>>
        %dma_start3A_44 = tpu.memref_squeeze %dma_start3A_43 : memref<1x80x128xf32, #tpu.memory_space<vmem>> -> memref<80x128xf32, #tpu.memory_space<vmem>>
        tpu.enqueue_dma source(%dma_start3A_44 : memref<80x128xf32, #tpu.memory_space<vmem>>) target(%dma_start3A_40 : memref<80x128xf32, #tpu.memory_space<vmem_shared>>) target_semaphore(%run_scoped3A_33 : memref<!tpu.dma_semaphore, #tpu.memory_space<semaphore_mem>>)
        %dma_wait3A = arith.constant 0 : i32
        %dma_wait3A_45 = arith.constant 0 : i32
        %dma_wait3A_46 = tpu.memref_slice %arg10[%run_scoped3A_31, %dma_wait3A, %dma_wait3A_45] : memref<2x80x128xf32, #tpu.memory_space<vmem>> -> memref<1x80x128xf32, #tpu.memory_space<vmem>>
        %dma_wait3A_47 = tpu.memref_squeeze %dma_wait3A_46 : memref<1x80x128xf32, #tpu.memory_space<vmem>> -> memref<80x128xf32, #tpu.memory_space<vmem>>
        %dma_wait3A_48 = arith.constant 0 : i32
        %dma_wait3A_49 = tpu.memref_slice %arg8[%add3A, %dma_wait3A_48] : memref<10240x128xf32, #tpu.memory_space<vmem_shared>> -> memref<80x128xf32, #tpu.memory_space<vmem_shared>>
        %dma_wait3A_50 = arith.constant 0 : i32
        %dma_wait3A_51 = tpu.memref_slice %arg8[%add3A, %dma_wait3A_50] : memref<10240x128xf32, #tpu.memory_space<vmem_shared>> -> memref<80x128xf32, #tpu.memory_space<vmem_shared>>
        %dma_wait3A_52 = arith.constant 0 : i32
        %dma_wait3A_53 = arith.constant 0 : i32
        %dma_wait3A_54 = tpu.memref_slice %arg10[%run_scoped3A_31, %dma_wait3A_52, %dma_wait3A_53] : memref<2x80x128xf32, #tpu.memory_space<vmem>> -> memref<1x80x128xf32, #tpu.memory_space<vmem>>
        %dma_wait3A_55 = tpu.memref_squeeze %dma_wait3A_54 : memref<1x80x128xf32, #tpu.memory_space<vmem>> -> memref<80x128xf32, #tpu.memory_space<vmem>>
        tpu.wait_dma2 semaphore(%run_scoped3A_33 : memref<!tpu.dma_semaphore, #tpu.memory_space<semaphore_mem>>) src(%dma_wait3A_55 : memref<80x128xf32, #tpu.memory_space<vmem>>) dst(%dma_wait3A_51 : memref<80x128xf32, #tpu.memory_space<vmem_shared>>)
        tpu.yield
      }) : () -> ()
      %scan3A_32 = arith.constant 0 : i32
      scf.yield %scan3A_32 : i32
    }
    %scan3A_5 = arith.constant 8 : i32
    %barrier3A = arith.constant 0 : index
    tpu.barrier barrier_id(%barrier3A)
    %mul3A = arith.constant 20000 : i32
    %mul3A_6 = arith.muli %arg1, %mul3A : i32
    %eq3A = arith.constant 0 : i32
    %eq3A_7 = arith.cmpi eq, %arg0, %eq3A : i32
    %convert_element_type3A = arith.extui %eq3A_7 : i1 to i32
    %cond3A = arith.constant 0 : i32
    %cond3A_8 = arith.cmpi ne, %convert_element_type3A, %cond3A : i32
    scf.if %cond3A_8 {
      %add3A = arith.constant 0 : i32
      %add3A_25 = arith.addi %mul3A_6, %add3A : i32
      %dma_start3A = arith.constant 0 : i32
      %dma_start3A_26 = arith.constant 0 : i32
      %dma_start3A_27 = tpu.memref_slice %arg9[%dma_start3A, %dma_start3A_26] : memref<2x80xi32, #tpu.memory_space<vmem>> -> memref<1x80xi32, #tpu.memory_space<vmem>>
      %dma_start3A_28 = tpu.memref_squeeze %dma_start3A_27 : memref<1x80xi32, #tpu.memory_space<vmem>> -> memref<80xi32, #tpu.memory_space<vmem>>
      %dma_start3A_29 = tpu.memref_slice %arg4[%add3A_25] : memref<320000xi32, #tpu.memory_space<hbm>> -> memref<80xi32, #tpu.memory_space<hbm>>
      %dma_start3A_30 = arith.constant 0 : i32
      %dma_start3A_31 = tpu.memref_slice %arg9[%dma_start3A, %dma_start3A_30] : memref<2x80xi32, #tpu.memory_space<vmem>> -> memref<1x80xi32, #tpu.memory_space<vmem>>
      %dma_start3A_32 = tpu.memref_squeeze %dma_start3A_31 : memref<1x80xi32, #tpu.memory_space<vmem>> -> memref<80xi32, #tpu.memory_space<vmem>>
      %dma_start3A_33 = tpu.memref_slice %arg4[%add3A_25] : memref<320000xi32, #tpu.memory_space<hbm>> -> memref<80xi32, #tpu.memory_space<hbm>>
      tpu.enqueue_dma source(%dma_start3A_33 : memref<80xi32, #tpu.memory_space<hbm>>) target(%dma_start3A_32 : memref<80xi32, #tpu.memory_space<vmem>>) target_semaphore(%arg11 : memref<!tpu.dma_semaphore, #tpu.memory_space<semaphore_mem>>)
      %dma_start3A_34 = arith.constant 0 : i32
      %dma_start3A_35 = arith.constant 0 : i32
      %dma_start3A_36 = arith.constant 0 : i32
      %dma_start3A_37 = tpu.memref_slice %arg10[%dma_start3A_34, %dma_start3A_35, %dma_start3A_36] : memref<2x80x128xf32, #tpu.memory_space<vmem>> -> memref<1x80x128xf32, #tpu.memory_space<vmem>>
      %dma_start3A_38 = tpu.memref_squeeze %dma_start3A_37 : memref<1x80x128xf32, #tpu.memory_space<vmem>> -> memref<80x128xf32, #tpu.memory_space<vmem>>
      %dma_start3A_39 = arith.constant 0 : i32
      %dma_start3A_40 = tpu.memref_slice %arg2[%add3A_25, %dma_start3A_39] : memref<320000x128xf32, #tpu.memory_space<hbm>> -> memref<80x128xf32, #tpu.memory_space<hbm>>
      %dma_start3A_41 = arith.constant 0 : i32
      %dma_start3A_42 = arith.constant 0 : i32
      %dma_start3A_43 = tpu.memref_slice %arg10[%dma_start3A_34, %dma_start3A_41, %dma_start3A_42] : memref<2x80x128xf32, #tpu.memory_space<vmem>> -> memref<1x80x128xf32, #tpu.memory_space<vmem>>
      %dma_start3A_44 = tpu.memref_squeeze %dma_start3A_43 : memref<1x80x128xf32, #tpu.memory_space<vmem>> -> memref<80x128xf32, #tpu.memory_space<vmem>>
      %dma_start3A_45 = arith.constant 0 : i32
      %dma_start3A_46 = tpu.memref_slice %arg2[%add3A_25, %dma_start3A_45] : memref<320000x128xf32, #tpu.memory_space<hbm>> -> memref<80x128xf32, #tpu.memory_space<hbm>>
      tpu.enqueue_dma source(%dma_start3A_46 : memref<80x128xf32, #tpu.memory_space<hbm>>) target(%dma_start3A_44 : memref<80x128xf32, #tpu.memory_space<vmem>>) target_semaphore(%arg11 : memref<!tpu.dma_semaphore, #tpu.memory_space<semaphore_mem>>)
      %scan3A_47 = arith.constant 0 : i32
      %scan3A_48 = arith.constant 0 : i32
      %scan3A_49 = arith.constant 125 : i32
      %scan3A_50 = arith.addi %scan3A_48, %scan3A_49 : i32
      %scan3A_51 = arith.constant 1 : i32
      %scan3A_52 = scf.for %scan3A_65 = %scan3A_48 to %scan3A_50 step %scan3A_51 iter_args(%scan3A_66 = %scan3A_47) -> (i32)  : i32 {
        %mul3A_67 = arith.constant 2 : i32
        %mul3A_68 = arith.muli %mul3A_67, %scan3A_65 : i32
        %add3A_69 = arith.constant 0 : i32
        %add3A_70 = arith.addi %mul3A_68, %add3A_69 : i32
        %lt3A = arith.constant 250 : i32
        %lt3A_71 = arith.cmpi slt, %add3A_70, %lt3A : i32
        %convert_element_type3A_72 = arith.extui %lt3A_71 : i1 to i32
        %cond3A_73 = arith.constant 0 : i32
        %cond3A_74 = arith.cmpi ne, %convert_element_type3A_72, %cond3A_73 : i32
        scf.if %cond3A_74 {
          %dma_wait3A_85 = arith.constant 0 : i32
          %dma_wait3A_86 = arith.constant 0 : i32
          %dma_wait3A_87 = tpu.memref_slice %arg9[%dma_wait3A_85, %dma_wait3A_86] : memref<2x80xi32, #tpu.memory_space<vmem>> -> memref<1x80xi32, #tpu.memory_space<vmem>>
          %dma_wait3A_88 = tpu.memref_squeeze %dma_wait3A_87 : memref<1x80xi32, #tpu.memory_space<vmem>> -> memref<80xi32, #tpu.memory_space<vmem>>
          %dma_wait3A_89 = arith.constant 0 : i32
          %dma_wait3A_90 = tpu.memref_slice %arg4[%dma_wait3A_89] : memref<320000xi32, #tpu.memory_space<hbm>> -> memref<80xi32, #tpu.memory_space<hbm>>
          %dma_wait3A_91 = arith.constant 0 : i32
          %dma_wait3A_92 = tpu.memref_slice %arg9[%dma_wait3A_85, %dma_wait3A_91] : memref<2x80xi32, #tpu.memory_space<vmem>> -> memref<1x80xi32, #tpu.memory_space<vmem>>
          %dma_wait3A_93 = tpu.memref_squeeze %dma_wait3A_92 : memref<1x80xi32, #tpu.memory_space<vmem>> -> memref<80xi32, #tpu.memory_space<vmem>>
          %dma_wait3A_94 = arith.constant 0 : i32
          %dma_wait3A_95 = tpu.memref_slice %arg4[%dma_wait3A_94] : memref<320000xi32, #tpu.memory_space<hbm>> -> memref<80xi32, #tpu.memory_space<hbm>>
          tpu.wait_dma2 semaphore(%arg11 : memref<!tpu.dma_semaphore, #tpu.memory_space<semaphore_mem>>) src(%dma_wait3A_95 : memref<80xi32, #tpu.memory_space<hbm>>) dst(%dma_wait3A_93 : memref<80xi32, #tpu.memory_space<vmem>>)
          %dma_wait3A_96 = arith.constant 0 : i32
          %dma_wait3A_97 = arith.constant 0 : i32
          %dma_wait3A_98 = arith.constant 0 : i32
          %dma_wait3A_99 = tpu.memref_slice %arg10[%dma_wait3A_96, %dma_wait3A_97, %dma_wait3A_98] : memref<2x80x128xf32, #tpu.memory_space<vmem>> -> memref<1x80x128xf32, #tpu.memory_space<vmem>>
          %dma_wait3A_100 = tpu.memref_squeeze %dma_wait3A_99 : memref<1x80x128xf32, #tpu.memory_space<vmem>> -> memref<80x128xf32, #tpu.memory_space<vmem>>
          %dma_wait3A_101 = arith.constant 0 : i32
          %dma_wait3A_102 = arith.constant 0 : i32
          %dma_wait3A_103 = tpu.memref_slice %arg2[%dma_wait3A_101, %dma_wait3A_102] : memref<320000x128xf32, #tpu.memory_space<hbm>> -> memref<80x128xf32, #tpu.memory_space<hbm>>
          %dma_wait3A_104 = arith.constant 0 : i32
          %dma_wait3A_105 = arith.constant 0 : i32
          %dma_wait3A_106 = tpu.memref_slice %arg10[%dma_wait3A_96, %dma_wait3A_104, %dma_wait3A_105] : memref<2x80x128xf32, #tpu.memory_space<vmem>> -> memref<1x80x128xf32, #tpu.memory_space<vmem>>
          %dma_wait3A_107 = tpu.memref_squeeze %dma_wait3A_106 : memref<1x80x128xf32, #tpu.memory_space<vmem>> -> memref<80x128xf32, #tpu.memory_space<vmem>>
          %dma_wait3A_108 = arith.constant 0 : i32
          %dma_wait3A_109 = arith.constant 0 : i32
          %dma_wait3A_110 = tpu.memref_slice %arg2[%dma_wait3A_108, %dma_wait3A_109] : memref<320000x128xf32, #tpu.memory_space<hbm>> -> memref<80x128xf32, #tpu.memory_space<hbm>>
          tpu.wait_dma2 semaphore(%arg11 : memref<!tpu.dma_semaphore, #tpu.memory_space<semaphore_mem>>) src(%dma_wait3A_110 : memref<80x128xf32, #tpu.memory_space<hbm>>) dst(%dma_wait3A_107 : memref<80x128xf32, #tpu.memory_space<vmem>>)
          %dma_start3A_111 = arith.constant 0 : i32
          %dma_start3A_112 = arith.constant 0 : i32
          %dma_start3A_113 = arith.constant 0 : i32
          %dma_start3A_114 = arith.constant 0 : i32
          %dma_start3A_115 = tpu.memref_slice %arg10[%dma_start3A_111, %dma_start3A_113, %dma_start3A_114] : memref<2x80x128xf32, #tpu.memory_space<vmem>> -> memref<1x80x128xf32, #tpu.memory_space<vmem>>
          %dma_start3A_116 = tpu.memref_squeeze %dma_start3A_115 : memref<1x80x128xf32, #tpu.memory_space<vmem>> -> memref<80x128xf32, #tpu.memory_space<vmem>>
          %dma_start3A_117 = arith.constant 0 : i32
          %dma_start3A_118 = tpu.memref_slice %arg9[%dma_start3A_112, %dma_start3A_117] : memref<2x80xi32, #tpu.memory_space<vmem>> -> memref<1x80xi32, #tpu.memory_space<vmem>>
          %dma_start3A_119 = tpu.memref_squeeze %dma_start3A_118 : memref<1x80xi32, #tpu.memory_space<vmem>> -> memref<80xi32, #tpu.memory_space<vmem>>
          %dma_start3A_120 = arith.constant 0 : i32
          %dma_start3A_121 = arith.constant 0 : i32
          %dma_start3A_122 = tpu.memref_slice %arg8[%dma_start3A_120, %dma_start3A_121] : memref<10240x128xf32, #tpu.memory_space<vmem_shared>> -> memref<10240x128xf32, #tpu.memory_space<vmem_shared>>
          tpu.enqueue_indirect_dma source(%dma_start3A_116 : memref<80x128xf32, #tpu.memory_space<vmem>>) target(%dma_start3A_122 : memref<10240x128xf32, #tpu.memory_space<vmem_shared>>) offsets(%dma_start3A_119 : memref<80xi32, #tpu.memory_space<vmem>>) semaphore(%arg13 : memref<!tpu.dma_semaphore, #tpu.memory_space<semaphore_mem>>) {add = true}
          %ge3A = arith.constant 1 : i32
          %ge3A_123 = arith.cmpi sge, %add3A_70, %ge3A : i32
          %convert_element_type3A_124 = arith.extui %ge3A_123 : i1 to i32
          %cond3A_125 = arith.constant 0 : i32
          %cond3A_126 = arith.cmpi ne, %convert_element_type3A_124, %cond3A_125 : i32
          scf.if %cond3A_126 {
            %dma_wait3A_134 = arith.constant 1 : i32
            %dma_wait3A_135 = arith.constant 1 : i32
            %dma_wait3A_136 = arith.constant 0 : i32
            %dma_wait3A_137 = arith.constant 0 : i32
            %dma_wait3A_138 = tpu.memref_slice %arg10[%dma_wait3A_134, %dma_wait3A_136, %dma_wait3A_137] : memref<2x80x128xf32, #tpu.memory_space<vmem>> -> memref<1x80x128xf32, #tpu.memory_space<vmem>>
            %dma_wait3A_139 = tpu.memref_squeeze %dma_wait3A_138 : memref<1x80x128xf32, #tpu.memory_space<vmem>> -> memref<80x128xf32, #tpu.memory_space<vmem>>
            %dma_wait3A_140 = arith.constant 0 : i32
            %dma_wait3A_141 = tpu.memref_slice %arg9[%dma_wait3A_135, %dma_wait3A_140] : memref<2x80xi32, #tpu.memory_space<vmem>> -> memref<1x80xi32, #tpu.memory_space<vmem>>
            %dma_wait3A_142 = tpu.memref_squeeze %dma_wait3A_141 : memref<1x80xi32, #tpu.memory_space<vmem>> -> memref<80xi32, #tpu.memory_space<vmem>>
            %dma_wait3A_143 = arith.constant 0 : i32
            %dma_wait3A_144 = arith.constant 0 : i32
            %dma_wait3A_145 = tpu.memref_slice %arg8[%dma_wait3A_143, %dma_wait3A_144] : memref<10240x128xf32, #tpu.memory_space<vmem_shared>> -> memref<10240x128xf32, #tpu.memory_space<vmem_shared>>
            tpu.wait_indirect_dma semaphore(%arg14 : memref<!tpu.dma_semaphore, #tpu.memory_space<semaphore_mem>>) src(%dma_wait3A_139 : memref<80x128xf32, #tpu.memory_space<vmem>>) dst(%dma_wait3A_145 : memref<10240x128xf32, #tpu.memory_space<vmem_shared>>)
          } else {
          }
          %add3A_127 = arith.constant 1 : i32
          %add3A_128 = arith.addi %add3A_70, %add3A_127 : i32
          %lt3A_129 = arith.constant 250 : i32
          %lt3A_130 = arith.cmpi slt, %add3A_128, %lt3A_129 : i32
          %convert_element_type3A_131 = arith.extui %lt3A_130 : i1 to i32
          %cond3A_132 = arith.constant 0 : i32
          %cond3A_133 = arith.cmpi ne, %convert_element_type3A_131, %cond3A_132 : i32
          scf.if %cond3A_133 {
            %add3A_134 = arith.constant 1 : i32
            %add3A_135 = arith.addi %add3A_70, %add3A_134 : i32
            %mul3A_136 = arith.constant 80 : i32
            %mul3A_137 = arith.muli %add3A_135, %mul3A_136 : i32
            %add3A_138 = arith.addi %mul3A_6, %mul3A_137 : i32
            %dma_start3A_139 = arith.constant 1 : i32
            %dma_start3A_140 = arith.constant 0 : i32
            %dma_start3A_141 = tpu.memref_slice %arg9[%dma_start3A_139, %dma_start3A_140] : memref<2x80xi32, #tpu.memory_space<vmem>> -> memref<1x80xi32, #tpu.memory_space<vmem>>
            %dma_start3A_142 = tpu.memref_squeeze %dma_start3A_141 : memref<1x80xi32, #tpu.memory_space<vmem>> -> memref<80xi32, #tpu.memory_space<vmem>>
            %dma_start3A_143 = tpu.memref_slice %arg4[%add3A_138] : memref<320000xi32, #tpu.memory_space<hbm>> -> memref<80xi32, #tpu.memory_space<hbm>>
            %dma_start3A_144 = arith.constant 0 : i32
            %dma_start3A_145 = tpu.memref_slice %arg9[%dma_start3A_139, %dma_start3A_144] : memref<2x80xi32, #tpu.memory_space<vmem>> -> memref<1x80xi32, #tpu.memory_space<vmem>>
            %dma_start3A_146 = tpu.memref_squeeze %dma_start3A_145 : memref<1x80xi32, #tpu.memory_space<vmem>> -> memref<80xi32, #tpu.memory_space<vmem>>
            %dma_start3A_147 = tpu.memref_slice %arg4[%add3A_138] : memref<320000xi32, #tpu.memory_space<hbm>> -> memref<80xi32, #tpu.memory_space<hbm>>
            tpu.enqueue_dma source(%dma_start3A_147 : memref<80xi32, #tpu.memory_space<hbm>>) target(%dma_start3A_146 : memref<80xi32, #tpu.memory_space<vmem>>) target_semaphore(%arg12 : memref<!tpu.dma_semaphore, #tpu.memory_space<semaphore_mem>>)
            %dma_start3A_148 = arith.constant 1 : i32
            %dma_start3A_149 = arith.constant 0 : i32
            %dma_start3A_150 = arith.constant 0 : i32
            %dma_start3A_151 = tpu.memref_slice %arg10[%dma_start3A_148, %dma_start3A_149, %dma_start3A_150] : memref<2x80x128xf32, #tpu.memory_space<vmem>> -> memref<1x80x128xf32, #tpu.memory_space<vmem>>
            %dma_start3A_152 = tpu.memref_squeeze %dma_start3A_151 : memref<1x80x128xf32, #tpu.memory_space<vmem>> -> memref<80x128xf32, #tpu.memory_space<vmem>>
            %dma_start3A_153 = arith.constant 0 : i32
            %dma_start3A_154 = tpu.memref_slice %arg2[%add3A_138, %dma_start3A_153] : memref<320000x128xf32, #tpu.memory_space<hbm>> -> memref<80x128xf32, #tpu.memory_space<hbm>>
            %dma_start3A_155 = arith.constant 0 : i32
            %dma_start3A_156 = arith.constant 0 : i32
            %dma_start3A_157 = tpu.memref_slice %arg10[%dma_start3A_148, %dma_start3A_155, %dma_start3A_156] : memref<2x80x128xf32, #tpu.memory_space<vmem>> -> memref<1x80x128xf32, #tpu.memory_space<vmem>>
            %dma_start3A_158 = tpu.memref_squeeze %dma_start3A_157 : memref<1x80x128xf32, #tpu.memory_space<vmem>> -> memref<80x128xf32, #tpu.memory_space<vmem>>
            %dma_start3A_159 = arith.constant 0 : i32
            %dma_start3A_160 = tpu.memref_slice %arg2[%add3A_138, %dma_start3A_159] : memref<320000x128xf32, #tpu.memory_space<hbm>> -> memref<80x128xf32, #tpu.memory_space<hbm>>
            tpu.enqueue_dma source(%dma_start3A_160 : memref<80x128xf32, #tpu.memory_space<hbm>>) target(%dma_start3A_158 : memref<80x128xf32, #tpu.memory_space<vmem>>) target_semaphore(%arg12 : memref<!tpu.dma_semaphore, #tpu.memory_space<semaphore_mem>>)
          } else {
          }
        } else {
        }
        %mul3A_75 = arith.constant 2 : i32
        %mul3A_76 = arith.muli %mul3A_75, %scan3A_65 : i32
        %add3A_77 = arith.constant 1 : i32
        %add3A_78 = arith.addi %mul3A_76, %add3A_77 : i32
        %lt3A_79 = arith.constant 250 : i32
        %lt3A_80 = arith.cmpi slt, %add3A_78, %lt3A_79 : i32
        %convert_element_type3A_81 = arith.extui %lt3A_80 : i1 to i32
        %cond3A_82 = arith.constant 0 : i32
        %cond3A_83 = arith.cmpi ne, %convert_element_type3A_81, %cond3A_82 : i32
        scf.if %cond3A_83 {
          %dma_wait3A_85 = arith.constant 1 : i32
          %dma_wait3A_86 = arith.constant 0 : i32
          %dma_wait3A_87 = tpu.memref_slice %arg9[%dma_wait3A_85, %dma_wait3A_86] : memref<2x80xi32, #tpu.memory_space<vmem>> -> memref<1x80xi32, #tpu.memory_space<vmem>>
          %dma_wait3A_88 = tpu.memref_squeeze %dma_wait3A_87 : memref<1x80xi32, #tpu.memory_space<vmem>> -> memref<80xi32, #tpu.memory_space<vmem>>
          %dma_wait3A_89 = arith.constant 0 : i32
          %dma_wait3A_90 = tpu.memref_slice %arg4[%dma_wait3A_89] : memref<320000xi32, #tpu.memory_space<hbm>> -> memref<80xi32, #tpu.memory_space<hbm>>
          %dma_wait3A_91 = arith.constant 0 : i32
          %dma_wait3A_92 = tpu.memref_slice %arg9[%dma_wait3A_85, %dma_wait3A_91] : memref<2x80xi32, #tpu.memory_space<vmem>> -> memref<1x80xi32, #tpu.memory_space<vmem>>
          %dma_wait3A_93 = tpu.memref_squeeze %dma_wait3A_92 : memref<1x80xi32, #tpu.memory_space<vmem>> -> memref<80xi32, #tpu.memory_space<vmem>>
          %dma_wait3A_94 = arith.constant 0 : i32
          %dma_wait3A_95 = tpu.memref_slice %arg4[%dma_wait3A_94] : memref<320000xi32, #tpu.memory_space<hbm>> -> memref<80xi32, #tpu.memory_space<hbm>>
          tpu.wait_dma2 semaphore(%arg12 : memref<!tpu.dma_semaphore, #tpu.memory_space<semaphore_mem>>) src(%dma_wait3A_95 : memref<80xi32, #tpu.memory_space<hbm>>) dst(%dma_wait3A_93 : memref<80xi32, #tpu.memory_space<vmem>>)
          %dma_wait3A_96 = arith.constant 1 : i32
          %dma_wait3A_97 = arith.constant 0 : i32
          %dma_wait3A_98 = arith.constant 0 : i32
          %dma_wait3A_99 = tpu.memref_slice %arg10[%dma_wait3A_96, %dma_wait3A_97, %dma_wait3A_98] : memref<2x80x128xf32, #tpu.memory_space<vmem>> -> memref<1x80x128xf32, #tpu.memory_space<vmem>>
          %dma_wait3A_100 = tpu.memref_squeeze %dma_wait3A_99 : memref<1x80x128xf32, #tpu.memory_space<vmem>> -> memref<80x128xf32, #tpu.memory_space<vmem>>
          %dma_wait3A_101 = arith.constant 0 : i32
          %dma_wait3A_102 = arith.constant 0 : i32
          %dma_wait3A_103 = tpu.memref_slice %arg2[%dma_wait3A_101, %dma_wait3A_102] : memref<320000x128xf32, #tpu.memory_space<hbm>> -> memref<80x128xf32, #tpu.memory_space<hbm>>
          %dma_wait3A_104 = arith.constant 0 : i32
          %dma_wait3A_105 = arith.constant 0 : i32
          %dma_wait3A_106 = tpu.memref_slice %arg10[%dma_wait3A_96, %dma_wait3A_104, %dma_wait3A_105] : memref<2x80x128xf32, #tpu.memory_space<vmem>> -> memref<1x80x128xf32, #tpu.memory_space<vmem>>
          %dma_wait3A_107 = tpu.memref_squeeze %dma_wait3A_106 : memref<1x80x128xf32, #tpu.memory_space<vmem>> -> memref<80x128xf32, #tpu.memory_space<vmem>>
          %dma_wait3A_108 = arith.constant 0 : i32
          %dma_wait3A_109 = arith.constant 0 : i32
          %dma_wait3A_110 = tpu.memref_slice %arg2[%dma_wait3A_108, %dma_wait3A_109] : memref<320000x128xf32, #tpu.memory_space<hbm>> -> memref<80x128xf32, #tpu.memory_space<hbm>>
          tpu.wait_dma2 semaphore(%arg12 : memref<!tpu.dma_semaphore, #tpu.memory_space<semaphore_mem>>) src(%dma_wait3A_110 : memref<80x128xf32, #tpu.memory_space<hbm>>) dst(%dma_wait3A_107 : memref<80x128xf32, #tpu.memory_space<vmem>>)
          %dma_start3A_111 = arith.constant 1 : i32
          %dma_start3A_112 = arith.constant 1 : i32
          %dma_start3A_113 = arith.constant 0 : i32
          %dma_start3A_114 = arith.constant 0 : i32
          %dma_start3A_115 = tpu.memref_slice %arg10[%dma_start3A_111, %dma_start3A_113, %dma_start3A_114] : memref<2x80x128xf32, #tpu.memory_space<vmem>> -> memref<1x80x128xf32, #tpu.memory_space<vmem>>
          %dma_start3A_116 = tpu.memref_squeeze %dma_start3A_115 : memref<1x80x128xf32, #tpu.memory_space<vmem>> -> memref<80x128xf32, #tpu.memory_space<vmem>>
          %dma_start3A_117 = arith.constant 0 : i32
          %dma_start3A_118 = tpu.memref_slice %arg9[%dma_start3A_112, %dma_start3A_117] : memref<2x80xi32, #tpu.memory_space<vmem>> -> memref<1x80xi32, #tpu.memory_space<vmem>>
          %dma_start3A_119 = tpu.memref_squeeze %dma_start3A_118 : memref<1x80xi32, #tpu.memory_space<vmem>> -> memref<80xi32, #tpu.memory_space<vmem>>
          %dma_start3A_120 = arith.constant 0 : i32
          %dma_start3A_121 = arith.constant 0 : i32
          %dma_start3A_122 = tpu.memref_slice %arg8[%dma_start3A_120, %dma_start3A_121] : memref<10240x128xf32, #tpu.memory_space<vmem_shared>> -> memref<10240x128xf32, #tpu.memory_space<vmem_shared>>
          tpu.enqueue_indirect_dma source(%dma_start3A_116 : memref<80x128xf32, #tpu.memory_space<vmem>>) target(%dma_start3A_122 : memref<10240x128xf32, #tpu.memory_space<vmem_shared>>) offsets(%dma_start3A_119 : memref<80xi32, #tpu.memory_space<vmem>>) semaphore(%arg14 : memref<!tpu.dma_semaphore, #tpu.memory_space<semaphore_mem>>) {add = true}
          %ge3A = arith.constant 1 : i32
          %ge3A_123 = arith.cmpi sge, %add3A_78, %ge3A : i32
          %convert_element_type3A_124 = arith.extui %ge3A_123 : i1 to i32
          %cond3A_125 = arith.constant 0 : i32
          %cond3A_126 = arith.cmpi ne, %convert_element_type3A_124, %cond3A_125 : i32
          scf.if %cond3A_126 {
            %dma_wait3A_134 = arith.constant 0 : i32
            %dma_wait3A_135 = arith.constant 0 : i32
            %dma_wait3A_136 = arith.constant 0 : i32
            %dma_wait3A_137 = arith.constant 0 : i32
            %dma_wait3A_138 = tpu.memref_slice %arg10[%dma_wait3A_134, %dma_wait3A_136, %dma_wait3A_137] : memref<2x80x128xf32, #tpu.memory_space<vmem>> -> memref<1x80x128xf32, #tpu.memory_space<vmem>>
            %dma_wait3A_139 = tpu.memref_squeeze %dma_wait3A_138 : memref<1x80x128xf32, #tpu.memory_space<vmem>> -> memref<80x128xf32, #tpu.memory_space<vmem>>
            %dma_wait3A_140 = arith.constant 0 : i32
            %dma_wait3A_141 = tpu.memref_slice %arg9[%dma_wait3A_135, %dma_wait3A_140] : memref<2x80xi32, #tpu.memory_space<vmem>> -> memref<1x80xi32, #tpu.memory_space<vmem>>
            %dma_wait3A_142 = tpu.memref_squeeze %dma_wait3A_141 : memref<1x80xi32, #tpu.memory_space<vmem>> -> memref<80xi32, #tpu.memory_space<vmem>>
            %dma_wait3A_143 = arith.constant 0 : i32
            %dma_wait3A_144 = arith.constant 0 : i32
            %dma_wait3A_145 = tpu.memref_slice %arg8[%dma_wait3A_143, %dma_wait3A_144] : memref<10240x128xf32, #tpu.memory_space<vmem_shared>> -> memref<10240x128xf32, #tpu.memory_space<vmem_shared>>
            tpu.wait_indirect_dma semaphore(%arg13 : memref<!tpu.dma_semaphore, #tpu.memory_space<semaphore_mem>>) src(%dma_wait3A_139 : memref<80x128xf32, #tpu.memory_space<vmem>>) dst(%dma_wait3A_145 : memref<10240x128xf32, #tpu.memory_space<vmem_shared>>)
          } else {
          }
          %add3A_127 = arith.constant 1 : i32
          %add3A_128 = arith.addi %add3A_78, %add3A_127 : i32
          %lt3A_129 = arith.constant 250 : i32
          %lt3A_130 = arith.cmpi slt, %add3A_128, %lt3A_129 : i32
          %convert_element_type3A_131 = arith.extui %lt3A_130 : i1 to i32
          %cond3A_132 = arith.constant 0 : i32
          %cond3A_133 = arith.cmpi ne, %convert_element_type3A_131, %cond3A_132 : i32
          scf.if %cond3A_133 {
            %add3A_134 = arith.constant 1 : i32
            %add3A_135 = arith.addi %add3A_78, %add3A_134 : i32
            %mul3A_136 = arith.constant 80 : i32
            %mul3A_137 = arith.muli %add3A_135, %mul3A_136 : i32
            %add3A_138 = arith.addi %mul3A_6, %mul3A_137 : i32
            %dma_start3A_139 = arith.constant 0 : i32
            %dma_start3A_140 = arith.constant 0 : i32
            %dma_start3A_141 = tpu.memref_slice %arg9[%dma_start3A_139, %dma_start3A_140] : memref<2x80xi32, #tpu.memory_space<vmem>> -> memref<1x80xi32, #tpu.memory_space<vmem>>
            %dma_start3A_142 = tpu.memref_squeeze %dma_start3A_141 : memref<1x80xi32, #tpu.memory_space<vmem>> -> memref<80xi32, #tpu.memory_space<vmem>>
            %dma_start3A_143 = tpu.memref_slice %arg4[%add3A_138] : memref<320000xi32, #tpu.memory_space<hbm>> -> memref<80xi32, #tpu.memory_space<hbm>>
            %dma_start3A_144 = arith.constant 0 : i32
            %dma_start3A_145 = tpu.memref_slice %arg9[%dma_start3A_139, %dma_start3A_144] : memref<2x80xi32, #tpu.memory_space<vmem>> -> memref<1x80xi32, #tpu.memory_space<vmem>>
            %dma_start3A_146 = tpu.memref_squeeze %dma_start3A_145 : memref<1x80xi32, #tpu.memory_space<vmem>> -> memref<80xi32, #tpu.memory_space<vmem>>
            %dma_start3A_147 = tpu.memref_slice %arg4[%add3A_138] : memref<320000xi32, #tpu.memory_space<hbm>> -> memref<80xi32, #tpu.memory_space<hbm>>
            tpu.enqueue_dma source(%dma_start3A_147 : memref<80xi32, #tpu.memory_space<hbm>>) target(%dma_start3A_146 : memref<80xi32, #tpu.memory_space<vmem>>) target_semaphore(%arg11 : memref<!tpu.dma_semaphore, #tpu.memory_space<semaphore_mem>>)
            %dma_start3A_148 = arith.constant 0 : i32
            %dma_start3A_149 = arith.constant 0 : i32
            %dma_start3A_150 = arith.constant 0 : i32
            %dma_start3A_151 = tpu.memref_slice %arg10[%dma_start3A_148, %dma_start3A_149, %dma_start3A_150] : memref<2x80x128xf32, #tpu.memory_space<vmem>> -> memref<1x80x128xf32, #tpu.memory_space<vmem>>
            %dma_start3A_152 = tpu.memref_squeeze %dma_start3A_151 : memref<1x80x128xf32, #tpu.memory_space<vmem>> -> memref<80x128xf32, #tpu.memory_space<vmem>>
            %dma_start3A_153 = arith.constant 0 : i32
            %dma_start3A_154 = tpu.memref_slice %arg2[%add3A_138, %dma_start3A_153] : memref<320000x128xf32, #tpu.memory_space<hbm>> -> memref<80x128xf32, #tpu.memory_space<hbm>>
            %dma_start3A_155 = arith.constant 0 : i32
            %dma_start3A_156 = arith.constant 0 : i32
            %dma_start3A_157 = tpu.memref_slice %arg10[%dma_start3A_148, %dma_start3A_155, %dma_start3A_156] : memref<2x80x128xf32, #tpu.memory_space<vmem>> -> memref<1x80x128xf32, #tpu.memory_space<vmem>>
            %dma_start3A_158 = tpu.memref_squeeze %dma_start3A_157 : memref<1x80x128xf32, #tpu.memory_space<vmem>> -> memref<80x128xf32, #tpu.memory_space<vmem>>
            %dma_start3A_159 = arith.constant 0 : i32
            %dma_start3A_160 = tpu.memref_slice %arg2[%add3A_138, %dma_start3A_159] : memref<320000x128xf32, #tpu.memory_space<hbm>> -> memref<80x128xf32, #tpu.memory_space<hbm>>
            tpu.enqueue_dma source(%dma_start3A_160 : memref<80x128xf32, #tpu.memory_space<hbm>>) target(%dma_start3A_158 : memref<80x128xf32, #tpu.memory_space<vmem>>) target_semaphore(%arg11 : memref<!tpu.dma_semaphore, #tpu.memory_space<semaphore_mem>>)
          } else {
          }
        } else {
        }
        %scan3A_84 = arith.constant 0 : i32
        scf.yield %scan3A_84 : i32
      }
      %scan3A_53 = arith.constant 125 : i32
      %dma_wait3A = arith.constant 1 : i32
      %dma_wait3A_54 = arith.constant 1 : i32
      %dma_wait3A_55 = arith.constant 0 : i32
      %dma_wait3A_56 = arith.constant 0 : i32
      %dma_wait3A_57 = tpu.memref_slice %arg10[%dma_wait3A, %dma_wait3A_55, %dma_wait3A_56] : memref<2x80x128xf32, #tpu.memory_space<vmem>> -> memref<1x80x128xf32, #tpu.memory_space<vmem>>
      %dma_wait3A_58 = tpu.memref_squeeze %dma_wait3A_57 : memref<1x80x128xf32, #tpu.memory_space<vmem>> -> memref<80x128xf32, #tpu.memory_space<vmem>>
      %dma_wait3A_59 = arith.constant 0 : i32
      %dma_wait3A_60 = tpu.memref_slice %arg9[%dma_wait3A_54, %dma_wait3A_59] : memref<2x80xi32, #tpu.memory_space<vmem>> -> memref<1x80xi32, #tpu.memory_space<vmem>>
      %dma_wait3A_61 = tpu.memref_squeeze %dma_wait3A_60 : memref<1x80xi32, #tpu.memory_space<vmem>> -> memref<80xi32, #tpu.memory_space<vmem>>
      %dma_wait3A_62 = arith.constant 0 : i32
      %dma_wait3A_63 = arith.constant 0 : i32
      %dma_wait3A_64 = tpu.memref_slice %arg8[%dma_wait3A_62, %dma_wait3A_63] : memref<10240x128xf32, #tpu.memory_space<vmem_shared>> -> memref<10240x128xf32, #tpu.memory_space<vmem_shared>>
      tpu.wait_indirect_dma semaphore(%arg14 : memref<!tpu.dma_semaphore, #tpu.memory_space<semaphore_mem>>) src(%dma_wait3A_58 : memref<80x128xf32, #tpu.memory_space<vmem>>) dst(%dma_wait3A_64 : memref<10240x128xf32, #tpu.memory_space<vmem_shared>>)
    } else {
    }
    %eq3A_9 = arith.constant 1 : i32
    %eq3A_10 = arith.cmpi eq, %arg0, %eq3A_9 : i32
    %convert_element_type3A_11 = arith.extui %eq3A_10 : i1 to i32
    %cond3A_12 = arith.constant 0 : i32
    %cond3A_13 = arith.cmpi ne, %convert_element_type3A_11, %cond3A_12 : i32
    scf.if %cond3A_13 {
      %add3A = arith.constant 0 : i32
      %add3A_25 = arith.addi %mul3A_6, %add3A : i32
      %dma_start3A = arith.constant 0 : i32
      %dma_start3A_26 = arith.constant 0 : i32
      %dma_start3A_27 = tpu.memref_slice %arg9[%dma_start3A, %dma_start3A_26] : memref<2x80xi32, #tpu.memory_space<vmem>> -> memref<1x80xi32, #tpu.memory_space<vmem>>
      %dma_start3A_28 = tpu.memref_squeeze %dma_start3A_27 : memref<1x80xi32, #tpu.memory_space<vmem>> -> memref<80xi32, #tpu.memory_space<vmem>>
      %dma_start3A_29 = tpu.memref_slice %arg4[%add3A_25] : memref<320000xi32, #tpu.memory_space<hbm>> -> memref<80xi32, #tpu.memory_space<hbm>>
      %dma_start3A_30 = arith.constant 0 : i32
      %dma_start3A_31 = tpu.memref_slice %arg9[%dma_start3A, %dma_start3A_30] : memref<2x80xi32, #tpu.memory_space<vmem>> -> memref<1x80xi32, #tpu.memory_space<vmem>>
      %dma_start3A_32 = tpu.memref_squeeze %dma_start3A_31 : memref<1x80xi32, #tpu.memory_space<vmem>> -> memref<80xi32, #tpu.memory_space<vmem>>
      %dma_start3A_33 = tpu.memref_slice %arg4[%add3A_25] : memref<320000xi32, #tpu.memory_space<hbm>> -> memref<80xi32, #tpu.memory_space<hbm>>
      tpu.enqueue_dma source(%dma_start3A_33 : memref<80xi32, #tpu.memory_space<hbm>>) target(%dma_start3A_32 : memref<80xi32, #tpu.memory_space<vmem>>) target_semaphore(%arg11 : memref<!tpu.dma_semaphore, #tpu.memory_space<semaphore_mem>>)
      %dma_start3A_34 = arith.constant 0 : i32
      %dma_start3A_35 = arith.constant 0 : i32
      %dma_start3A_36 = arith.constant 0 : i32
      %dma_start3A_37 = tpu.memref_slice %arg10[%dma_start3A_34, %dma_start3A_35, %dma_start3A_36] : memref<2x80x128xf32, #tpu.memory_space<vmem>> -> memref<1x80x128xf32, #tpu.memory_space<vmem>>
      %dma_start3A_38 = tpu.memref_squeeze %dma_start3A_37 : memref<1x80x128xf32, #tpu.memory_space<vmem>> -> memref<80x128xf32, #tpu.memory_space<vmem>>
      %dma_start3A_39 = arith.constant 0 : i32
      %dma_start3A_40 = tpu.memref_slice %arg3[%add3A_25, %dma_start3A_39] : memref<320000x128xf32, #tpu.memory_space<hbm>> -> memref<80x128xf32, #tpu.memory_space<hbm>>
      %dma_start3A_41 = arith.constant 0 : i32
      %dma_start3A_42 = arith.constant 0 : i32
      %dma_start3A_43 = tpu.memref_slice %arg10[%dma_start3A_34, %dma_start3A_41, %dma_start3A_42] : memref<2x80x128xf32, #tpu.memory_space<vmem>> -> memref<1x80x128xf32, #tpu.memory_space<vmem>>
      %dma_start3A_44 = tpu.memref_squeeze %dma_start3A_43 : memref<1x80x128xf32, #tpu.memory_space<vmem>> -> memref<80x128xf32, #tpu.memory_space<vmem>>
      %dma_start3A_45 = arith.constant 0 : i32
      %dma_start3A_46 = tpu.memref_slice %arg3[%add3A_25, %dma_start3A_45] : memref<320000x128xf32, #tpu.memory_space<hbm>> -> memref<80x128xf32, #tpu.memory_space<hbm>>
      tpu.enqueue_dma source(%dma_start3A_46 : memref<80x128xf32, #tpu.memory_space<hbm>>) target(%dma_start3A_44 : memref<80x128xf32, #tpu.memory_space<vmem>>) target_semaphore(%arg11 : memref<!tpu.dma_semaphore, #tpu.memory_space<semaphore_mem>>)
      %scan3A_47 = arith.constant 0 : i32
      %scan3A_48 = arith.constant 0 : i32
      %scan3A_49 = arith.constant 125 : i32
      %scan3A_50 = arith.addi %scan3A_48, %scan3A_49 : i32
      %scan3A_51 = arith.constant 1 : i32
      %scan3A_52 = scf.for %scan3A_65 = %scan3A_48 to %scan3A_50 step %scan3A_51 iter_args(%scan3A_66 = %scan3A_47) -> (i32)  : i32 {
        %mul3A_67 = arith.constant 2 : i32
        %mul3A_68 = arith.muli %mul3A_67, %scan3A_65 : i32
        %add3A_69 = arith.constant 0 : i32
        %add3A_70 = arith.addi %mul3A_68, %add3A_69 : i32
        %lt3A = arith.constant 250 : i32
        %lt3A_71 = arith.cmpi slt, %add3A_70, %lt3A : i32
        %convert_element_type3A_72 = arith.extui %lt3A_71 : i1 to i32
        %cond3A_73 = arith.constant 0 : i32
        %cond3A_74 = arith.cmpi ne, %convert_element_type3A_72, %cond3A_73 : i32
        scf.if %cond3A_74 {
          %dma_wait3A_85 = arith.constant 0 : i32
          %dma_wait3A_86 = arith.constant 0 : i32
          %dma_wait3A_87 = tpu.memref_slice %arg9[%dma_wait3A_85, %dma_wait3A_86] : memref<2x80xi32, #tpu.memory_space<vmem>> -> memref<1x80xi32, #tpu.memory_space<vmem>>
          %dma_wait3A_88 = tpu.memref_squeeze %dma_wait3A_87 : memref<1x80xi32, #tpu.memory_space<vmem>> -> memref<80xi32, #tpu.memory_space<vmem>>
          %dma_wait3A_89 = arith.constant 0 : i32
          %dma_wait3A_90 = tpu.memref_slice %arg4[%dma_wait3A_89] : memref<320000xi32, #tpu.memory_space<hbm>> -> memref<80xi32, #tpu.memory_space<hbm>>
          %dma_wait3A_91 = arith.constant 0 : i32
          %dma_wait3A_92 = tpu.memref_slice %arg9[%dma_wait3A_85, %dma_wait3A_91] : memref<2x80xi32, #tpu.memory_space<vmem>> -> memref<1x80xi32, #tpu.memory_space<vmem>>
          %dma_wait3A_93 = tpu.memref_squeeze %dma_wait3A_92 : memref<1x80xi32, #tpu.memory_space<vmem>> -> memref<80xi32, #tpu.memory_space<vmem>>
          %dma_wait3A_94 = arith.constant 0 : i32
          %dma_wait3A_95 = tpu.memref_slice %arg4[%dma_wait3A_94] : memref<320000xi32, #tpu.memory_space<hbm>> -> memref<80xi32, #tpu.memory_space<hbm>>
          tpu.wait_dma2 semaphore(%arg11 : memref<!tpu.dma_semaphore, #tpu.memory_space<semaphore_mem>>) src(%dma_wait3A_95 : memref<80xi32, #tpu.memory_space<hbm>>) dst(%dma_wait3A_93 : memref<80xi32, #tpu.memory_space<vmem>>)
          %dma_wait3A_96 = arith.constant 0 : i32
          %dma_wait3A_97 = arith.constant 0 : i32
          %dma_wait3A_98 = arith.constant 0 : i32
          %dma_wait3A_99 = tpu.memref_slice %arg10[%dma_wait3A_96, %dma_wait3A_97, %dma_wait3A_98] : memref<2x80x128xf32, #tpu.memory_space<vmem>> -> memref<1x80x128xf32, #tpu.memory_space<vmem>>
          %dma_wait3A_100 = tpu.memref_squeeze %dma_wait3A_99 : memref<1x80x128xf32, #tpu.memory_space<vmem>> -> memref<80x128xf32, #tpu.memory_space<vmem>>
          %dma_wait3A_101 = arith.constant 0 : i32
          %dma_wait3A_102 = arith.constant 0 : i32
          %dma_wait3A_103 = tpu.memref_slice %arg3[%dma_wait3A_101, %dma_wait3A_102] : memref<320000x128xf32, #tpu.memory_space<hbm>> -> memref<80x128xf32, #tpu.memory_space<hbm>>
          %dma_wait3A_104 = arith.constant 0 : i32
          %dma_wait3A_105 = arith.constant 0 : i32
          %dma_wait3A_106 = tpu.memref_slice %arg10[%dma_wait3A_96, %dma_wait3A_104, %dma_wait3A_105] : memref<2x80x128xf32, #tpu.memory_space<vmem>> -> memref<1x80x128xf32, #tpu.memory_space<vmem>>
          %dma_wait3A_107 = tpu.memref_squeeze %dma_wait3A_106 : memref<1x80x128xf32, #tpu.memory_space<vmem>> -> memref<80x128xf32, #tpu.memory_space<vmem>>
          %dma_wait3A_108 = arith.constant 0 : i32
          %dma_wait3A_109 = arith.constant 0 : i32
          %dma_wait3A_110 = tpu.memref_slice %arg3[%dma_wait3A_108, %dma_wait3A_109] : memref<320000x128xf32, #tpu.memory_space<hbm>> -> memref<80x128xf32, #tpu.memory_space<hbm>>
          tpu.wait_dma2 semaphore(%arg11 : memref<!tpu.dma_semaphore, #tpu.memory_space<semaphore_mem>>) src(%dma_wait3A_110 : memref<80x128xf32, #tpu.memory_space<hbm>>) dst(%dma_wait3A_107 : memref<80x128xf32, #tpu.memory_space<vmem>>)
          %dma_start3A_111 = arith.constant 0 : i32
          %dma_start3A_112 = arith.constant 0 : i32
          %dma_start3A_113 = arith.constant 0 : i32
          %dma_start3A_114 = arith.constant 0 : i32
          %dma_start3A_115 = tpu.memref_slice %arg10[%dma_start3A_111, %dma_start3A_113, %dma_start3A_114] : memref<2x80x128xf32, #tpu.memory_space<vmem>> -> memref<1x80x128xf32, #tpu.memory_space<vmem>>
          %dma_start3A_116 = tpu.memref_squeeze %dma_start3A_115 : memref<1x80x128xf32, #tpu.memory_space<vmem>> -> memref<80x128xf32, #tpu.memory_space<vmem>>
          %dma_start3A_117 = arith.constant 0 : i32
          %dma_start3A_118 = tpu.memref_slice %arg9[%dma_start3A_112, %dma_start3A_117] : memref<2x80xi32, #tpu.memory_space<vmem>> -> memref<1x80xi32, #tpu.memory_space<vmem>>
          %dma_start3A_119 = tpu.memref_squeeze %dma_start3A_118 : memref<1x80xi32, #tpu.memory_space<vmem>> -> memref<80xi32, #tpu.memory_space<vmem>>
          %dma_start3A_120 = arith.constant 0 : i32
          %dma_start3A_121 = arith.constant 0 : i32
          %dma_start3A_122 = tpu.memref_slice %arg8[%dma_start3A_120, %dma_start3A_121] : memref<10240x128xf32, #tpu.memory_space<vmem_shared>> -> memref<10240x128xf32, #tpu.memory_space<vmem_shared>>
          tpu.enqueue_indirect_dma source(%dma_start3A_116 : memref<80x128xf32, #tpu.memory_space<vmem>>) target(%dma_start3A_122 : memref<10240x128xf32, #tpu.memory_space<vmem_shared>>) offsets(%dma_start3A_119 : memref<80xi32, #tpu.memory_space<vmem>>) semaphore(%arg13 : memref<!tpu.dma_semaphore, #tpu.memory_space<semaphore_mem>>) {add = true}
          %ge3A = arith.constant 1 : i32
          %ge3A_123 = arith.cmpi sge, %add3A_70, %ge3A : i32
          %convert_element_type3A_124 = arith.extui %ge3A_123 : i1 to i32
          %cond3A_125 = arith.constant 0 : i32
          %cond3A_126 = arith.cmpi ne, %convert_element_type3A_124, %cond3A_125 : i32
          scf.if %cond3A_126 {
            %dma_wait3A_134 = arith.constant 1 : i32
            %dma_wait3A_135 = arith.constant 1 : i32
            %dma_wait3A_136 = arith.constant 0 : i32
            %dma_wait3A_137 = arith.constant 0 : i32
            %dma_wait3A_138 = tpu.memref_slice %arg10[%dma_wait3A_134, %dma_wait3A_136, %dma_wait3A_137] : memref<2x80x128xf32, #tpu.memory_space<vmem>> -> memref<1x80x128xf32, #tpu.memory_space<vmem>>
            %dma_wait3A_139 = tpu.memref_squeeze %dma_wait3A_138 : memref<1x80x128xf32, #tpu.memory_space<vmem>> -> memref<80x128xf32, #tpu.memory_space<vmem>>
            %dma_wait3A_140 = arith.constant 0 : i32
            %dma_wait3A_141 = tpu.memref_slice %arg9[%dma_wait3A_135, %dma_wait3A_140] : memref<2x80xi32, #tpu.memory_space<vmem>> -> memref<1x80xi32, #tpu.memory_space<vmem>>
            %dma_wait3A_142 = tpu.memref_squeeze %dma_wait3A_141 : memref<1x80xi32, #tpu.memory_space<vmem>> -> memref<80xi32, #tpu.memory_space<vmem>>
            %dma_wait3A_143 = arith.constant 0 : i32
            %dma_wait3A_144 = arith.constant 0 : i32
            %dma_wait3A_145 = tpu.memref_slice %arg8[%dma_wait3A_143, %dma_wait3A_144] : memref<10240x128xf32, #tpu.memory_space<vmem_shared>> -> memref<10240x128xf32, #tpu.memory_space<vmem_shared>>
            tpu.wait_indirect_dma semaphore(%arg14 : memref<!tpu.dma_semaphore, #tpu.memory_space<semaphore_mem>>) src(%dma_wait3A_139 : memref<80x128xf32, #tpu.memory_space<vmem>>) dst(%dma_wait3A_145 : memref<10240x128xf32, #tpu.memory_space<vmem_shared>>)
          } else {
          }
          %add3A_127 = arith.constant 1 : i32
          %add3A_128 = arith.addi %add3A_70, %add3A_127 : i32
          %lt3A_129 = arith.constant 250 : i32
          %lt3A_130 = arith.cmpi slt, %add3A_128, %lt3A_129 : i32
          %convert_element_type3A_131 = arith.extui %lt3A_130 : i1 to i32
          %cond3A_132 = arith.constant 0 : i32
          %cond3A_133 = arith.cmpi ne, %convert_element_type3A_131, %cond3A_132 : i32
          scf.if %cond3A_133 {
            %add3A_134 = arith.constant 1 : i32
            %add3A_135 = arith.addi %add3A_70, %add3A_134 : i32
            %mul3A_136 = arith.constant 80 : i32
            %mul3A_137 = arith.muli %add3A_135, %mul3A_136 : i32
            %add3A_138 = arith.addi %mul3A_6, %mul3A_137 : i32
            %dma_start3A_139 = arith.constant 1 : i32
            %dma_start3A_140 = arith.constant 0 : i32
            %dma_start3A_141 = tpu.memref_slice %arg9[%dma_start3A_139, %dma_start3A_140] : memref<2x80xi32, #tpu.memory_space<vmem>> -> memref<1x80xi32, #tpu.memory_space<vmem>>
            %dma_start3A_142 = tpu.memref_squeeze %dma_start3A_141 : memref<1x80xi32, #tpu.memory_space<vmem>> -> memref<80xi32, #tpu.memory_space<vmem>>
            %dma_start3A_143 = tpu.memref_slice %arg4[%add3A_138] : memref<320000xi32, #tpu.memory_space<hbm>> -> memref<80xi32, #tpu.memory_space<hbm>>
            %dma_start3A_144 = arith.constant 0 : i32
            %dma_start3A_145 = tpu.memref_slice %arg9[%dma_start3A_139, %dma_start3A_144] : memref<2x80xi32, #tpu.memory_space<vmem>> -> memref<1x80xi32, #tpu.memory_space<vmem>>
            %dma_start3A_146 = tpu.memref_squeeze %dma_start3A_145 : memref<1x80xi32, #tpu.memory_space<vmem>> -> memref<80xi32, #tpu.memory_space<vmem>>
            %dma_start3A_147 = tpu.memref_slice %arg4[%add3A_138] : memref<320000xi32, #tpu.memory_space<hbm>> -> memref<80xi32, #tpu.memory_space<hbm>>
            tpu.enqueue_dma source(%dma_start3A_147 : memref<80xi32, #tpu.memory_space<hbm>>) target(%dma_start3A_146 : memref<80xi32, #tpu.memory_space<vmem>>) target_semaphore(%arg12 : memref<!tpu.dma_semaphore, #tpu.memory_space<semaphore_mem>>)
            %dma_start3A_148 = arith.constant 1 : i32
            %dma_start3A_149 = arith.constant 0 : i32
            %dma_start3A_150 = arith.constant 0 : i32
            %dma_start3A_151 = tpu.memref_slice %arg10[%dma_start3A_148, %dma_start3A_149, %dma_start3A_150] : memref<2x80x128xf32, #tpu.memory_space<vmem>> -> memref<1x80x128xf32, #tpu.memory_space<vmem>>
            %dma_start3A_152 = tpu.memref_squeeze %dma_start3A_151 : memref<1x80x128xf32, #tpu.memory_space<vmem>> -> memref<80x128xf32, #tpu.memory_space<vmem>>
            %dma_start3A_153 = arith.constant 0 : i32
            %dma_start3A_154 = tpu.memref_slice %arg3[%add3A_138, %dma_start3A_153] : memref<320000x128xf32, #tpu.memory_space<hbm>> -> memref<80x128xf32, #tpu.memory_space<hbm>>
            %dma_start3A_155 = arith.constant 0 : i32
            %dma_start3A_156 = arith.constant 0 : i32
            %dma_start3A_157 = tpu.memref_slice %arg10[%dma_start3A_148, %dma_start3A_155, %dma_start3A_156] : memref<2x80x128xf32, #tpu.memory_space<vmem>> -> memref<1x80x128xf32, #tpu.memory_space<vmem>>
            %dma_start3A_158 = tpu.memref_squeeze %dma_start3A_157 : memref<1x80x128xf32, #tpu.memory_space<vmem>> -> memref<80x128xf32, #tpu.memory_space<vmem>>
            %dma_start3A_159 = arith.constant 0 : i32
            %dma_start3A_160 = tpu.memref_slice %arg3[%add3A_138, %dma_start3A_159] : memref<320000x128xf32, #tpu.memory_space<hbm>> -> memref<80x128xf32, #tpu.memory_space<hbm>>
            tpu.enqueue_dma source(%dma_start3A_160 : memref<80x128xf32, #tpu.memory_space<hbm>>) target(%dma_start3A_158 : memref<80x128xf32, #tpu.memory_space<vmem>>) target_semaphore(%arg12 : memref<!tpu.dma_semaphore, #tpu.memory_space<semaphore_mem>>)
          } else {
          }
        } else {
        }
        %mul3A_75 = arith.constant 2 : i32
        %mul3A_76 = arith.muli %mul3A_75, %scan3A_65 : i32
        %add3A_77 = arith.constant 1 : i32
        %add3A_78 = arith.addi %mul3A_76, %add3A_77 : i32
        %lt3A_79 = arith.constant 250 : i32
        %lt3A_80 = arith.cmpi slt, %add3A_78, %lt3A_79 : i32
        %convert_element_type3A_81 = arith.extui %lt3A_80 : i1 to i32
        %cond3A_82 = arith.constant 0 : i32
        %cond3A_83 = arith.cmpi ne, %convert_element_type3A_81, %cond3A_82 : i32
        scf.if %cond3A_83 {
          %dma_wait3A_85 = arith.constant 1 : i32
          %dma_wait3A_86 = arith.constant 0 : i32
          %dma_wait3A_87 = tpu.memref_slice %arg9[%dma_wait3A_85, %dma_wait3A_86] : memref<2x80xi32, #tpu.memory_space<vmem>> -> memref<1x80xi32, #tpu.memory_space<vmem>>
          %dma_wait3A_88 = tpu.memref_squeeze %dma_wait3A_87 : memref<1x80xi32, #tpu.memory_space<vmem>> -> memref<80xi32, #tpu.memory_space<vmem>>
          %dma_wait3A_89 = arith.constant 0 : i32
          %dma_wait3A_90 = tpu.memref_slice %arg4[%dma_wait3A_89] : memref<320000xi32, #tpu.memory_space<hbm>> -> memref<80xi32, #tpu.memory_space<hbm>>
          %dma_wait3A_91 = arith.constant 0 : i32
          %dma_wait3A_92 = tpu.memref_slice %arg9[%dma_wait3A_85, %dma_wait3A_91] : memref<2x80xi32, #tpu.memory_space<vmem>> -> memref<1x80xi32, #tpu.memory_space<vmem>>
          %dma_wait3A_93 = tpu.memref_squeeze %dma_wait3A_92 : memref<1x80xi32, #tpu.memory_space<vmem>> -> memref<80xi32, #tpu.memory_space<vmem>>
          %dma_wait3A_94 = arith.constant 0 : i32
          %dma_wait3A_95 = tpu.memref_slice %arg4[%dma_wait3A_94] : memref<320000xi32, #tpu.memory_space<hbm>> -> memref<80xi32, #tpu.memory_space<hbm>>
          tpu.wait_dma2 semaphore(%arg12 : memref<!tpu.dma_semaphore, #tpu.memory_space<semaphore_mem>>) src(%dma_wait3A_95 : memref<80xi32, #tpu.memory_space<hbm>>) dst(%dma_wait3A_93 : memref<80xi32, #tpu.memory_space<vmem>>)
          %dma_wait3A_96 = arith.constant 1 : i32
          %dma_wait3A_97 = arith.constant 0 : i32
          %dma_wait3A_98 = arith.constant 0 : i32
          %dma_wait3A_99 = tpu.memref_slice %arg10[%dma_wait3A_96, %dma_wait3A_97, %dma_wait3A_98] : memref<2x80x128xf32, #tpu.memory_space<vmem>> -> memref<1x80x128xf32, #tpu.memory_space<vmem>>
          %dma_wait3A_100 = tpu.memref_squeeze %dma_wait3A_99 : memref<1x80x128xf32, #tpu.memory_space<vmem>> -> memref<80x128xf32, #tpu.memory_space<vmem>>
          %dma_wait3A_101 = arith.constant 0 : i32
          %dma_wait3A_102 = arith.constant 0 : i32
          %dma_wait3A_103 = tpu.memref_slice %arg3[%dma_wait3A_101, %dma_wait3A_102] : memref<320000x128xf32, #tpu.memory_space<hbm>> -> memref<80x128xf32, #tpu.memory_space<hbm>>
          %dma_wait3A_104 = arith.constant 0 : i32
          %dma_wait3A_105 = arith.constant 0 : i32
          %dma_wait3A_106 = tpu.memref_slice %arg10[%dma_wait3A_96, %dma_wait3A_104, %dma_wait3A_105] : memref<2x80x128xf32, #tpu.memory_space<vmem>> -> memref<1x80x128xf32, #tpu.memory_space<vmem>>
          %dma_wait3A_107 = tpu.memref_squeeze %dma_wait3A_106 : memref<1x80x128xf32, #tpu.memory_space<vmem>> -> memref<80x128xf32, #tpu.memory_space<vmem>>
          %dma_wait3A_108 = arith.constant 0 : i32
          %dma_wait3A_109 = arith.constant 0 : i32
          %dma_wait3A_110 = tpu.memref_slice %arg3[%dma_wait3A_108, %dma_wait3A_109] : memref<320000x128xf32, #tpu.memory_space<hbm>> -> memref<80x128xf32, #tpu.memory_space<hbm>>
          tpu.wait_dma2 semaphore(%arg12 : memref<!tpu.dma_semaphore, #tpu.memory_space<semaphore_mem>>) src(%dma_wait3A_110 : memref<80x128xf32, #tpu.memory_space<hbm>>) dst(%dma_wait3A_107 : memref<80x128xf32, #tpu.memory_space<vmem>>)
          %dma_start3A_111 = arith.constant 1 : i32
          %dma_start3A_112 = arith.constant 1 : i32
          %dma_start3A_113 = arith.constant 0 : i32
          %dma_start3A_114 = arith.constant 0 : i32
          %dma_start3A_115 = tpu.memref_slice %arg10[%dma_start3A_111, %dma_start3A_113, %dma_start3A_114] : memref<2x80x128xf32, #tpu.memory_space<vmem>> -> memref<1x80x128xf32, #tpu.memory_space<vmem>>
          %dma_start3A_116 = tpu.memref_squeeze %dma_start3A_115 : memref<1x80x128xf32, #tpu.memory_space<vmem>> -> memref<80x128xf32, #tpu.memory_space<vmem>>
          %dma_start3A_117 = arith.constant 0 : i32
          %dma_start3A_118 = tpu.memref_slice %arg9[%dma_start3A_112, %dma_start3A_117] : memref<2x80xi32, #tpu.memory_space<vmem>> -> memref<1x80xi32, #tpu.memory_space<vmem>>
          %dma_start3A_119 = tpu.memref_squeeze %dma_start3A_118 : memref<1x80xi32, #tpu.memory_space<vmem>> -> memref<80xi32, #tpu.memory_space<vmem>>
          %dma_start3A_120 = arith.constant 0 : i32
          %dma_start3A_121 = arith.constant 0 : i32
          %dma_start3A_122 = tpu.memref_slice %arg8[%dma_start3A_120, %dma_start3A_121] : memref<10240x128xf32, #tpu.memory_space<vmem_shared>> -> memref<10240x128xf32, #tpu.memory_space<vmem_shared>>
          tpu.enqueue_indirect_dma source(%dma_start3A_116 : memref<80x128xf32, #tpu.memory_space<vmem>>) target(%dma_start3A_122 : memref<10240x128xf32, #tpu.memory_space<vmem_shared>>) offsets(%dma_start3A_119 : memref<80xi32, #tpu.memory_space<vmem>>) semaphore(%arg14 : memref<!tpu.dma_semaphore, #tpu.memory_space<semaphore_mem>>) {add = true}
          %ge3A = arith.constant 1 : i32
          %ge3A_123 = arith.cmpi sge, %add3A_78, %ge3A : i32
          %convert_element_type3A_124 = arith.extui %ge3A_123 : i1 to i32
          %cond3A_125 = arith.constant 0 : i32
          %cond3A_126 = arith.cmpi ne, %convert_element_type3A_124, %cond3A_125 : i32
          scf.if %cond3A_126 {
            %dma_wait3A_134 = arith.constant 0 : i32
            %dma_wait3A_135 = arith.constant 0 : i32
            %dma_wait3A_136 = arith.constant 0 : i32
            %dma_wait3A_137 = arith.constant 0 : i32
            %dma_wait3A_138 = tpu.memref_slice %arg10[%dma_wait3A_134, %dma_wait3A_136, %dma_wait3A_137] : memref<2x80x128xf32, #tpu.memory_space<vmem>> -> memref<1x80x128xf32, #tpu.memory_space<vmem>>
            %dma_wait3A_139 = tpu.memref_squeeze %dma_wait3A_138 : memref<1x80x128xf32, #tpu.memory_space<vmem>> -> memref<80x128xf32, #tpu.memory_space<vmem>>
            %dma_wait3A_140 = arith.constant 0 : i32
            %dma_wait3A_141 = tpu.memref_slice %arg9[%dma_wait3A_135, %dma_wait3A_140] : memref<2x80xi32, #tpu.memory_space<vmem>> -> memref<1x80xi32, #tpu.memory_space<vmem>>
            %dma_wait3A_142 = tpu.memref_squeeze %dma_wait3A_141 : memref<1x80xi32, #tpu.memory_space<vmem>> -> memref<80xi32, #tpu.memory_space<vmem>>
            %dma_wait3A_143 = arith.constant 0 : i32
            %dma_wait3A_144 = arith.constant 0 : i32
            %dma_wait3A_145 = tpu.memref_slice %arg8[%dma_wait3A_143, %dma_wait3A_144] : memref<10240x128xf32, #tpu.memory_space<vmem_shared>> -> memref<10240x128xf32, #tpu.memory_space<vmem_shared>>
            tpu.wait_indirect_dma semaphore(%arg13 : memref<!tpu.dma_semaphore, #tpu.memory_space<semaphore_mem>>) src(%dma_wait3A_139 : memref<80x128xf32, #tpu.memory_space<vmem>>) dst(%dma_wait3A_145 : memref<10240x128xf32, #tpu.memory_space<vmem_shared>>)
          } else {
          }
          %add3A_127 = arith.constant 1 : i32
          %add3A_128 = arith.addi %add3A_78, %add3A_127 : i32
          %lt3A_129 = arith.constant 250 : i32
          %lt3A_130 = arith.cmpi slt, %add3A_128, %lt3A_129 : i32
          %convert_element_type3A_131 = arith.extui %lt3A_130 : i1 to i32
          %cond3A_132 = arith.constant 0 : i32
          %cond3A_133 = arith.cmpi ne, %convert_element_type3A_131, %cond3A_132 : i32
          scf.if %cond3A_133 {
            %add3A_134 = arith.constant 1 : i32
            %add3A_135 = arith.addi %add3A_78, %add3A_134 : i32
            %mul3A_136 = arith.constant 80 : i32
            %mul3A_137 = arith.muli %add3A_135, %mul3A_136 : i32
            %add3A_138 = arith.addi %mul3A_6, %mul3A_137 : i32
            %dma_start3A_139 = arith.constant 0 : i32
            %dma_start3A_140 = arith.constant 0 : i32
            %dma_start3A_141 = tpu.memref_slice %arg9[%dma_start3A_139, %dma_start3A_140] : memref<2x80xi32, #tpu.memory_space<vmem>> -> memref<1x80xi32, #tpu.memory_space<vmem>>
            %dma_start3A_142 = tpu.memref_squeeze %dma_start3A_141 : memref<1x80xi32, #tpu.memory_space<vmem>> -> memref<80xi32, #tpu.memory_space<vmem>>
            %dma_start3A_143 = tpu.memref_slice %arg4[%add3A_138] : memref<320000xi32, #tpu.memory_space<hbm>> -> memref<80xi32, #tpu.memory_space<hbm>>
            %dma_start3A_144 = arith.constant 0 : i32
            %dma_start3A_145 = tpu.memref_slice %arg9[%dma_start3A_139, %dma_start3A_144] : memref<2x80xi32, #tpu.memory_space<vmem>> -> memref<1x80xi32, #tpu.memory_space<vmem>>
            %dma_start3A_146 = tpu.memref_squeeze %dma_start3A_145 : memref<1x80xi32, #tpu.memory_space<vmem>> -> memref<80xi32, #tpu.memory_space<vmem>>
            %dma_start3A_147 = tpu.memref_slice %arg4[%add3A_138] : memref<320000xi32, #tpu.memory_space<hbm>> -> memref<80xi32, #tpu.memory_space<hbm>>
            tpu.enqueue_dma source(%dma_start3A_147 : memref<80xi32, #tpu.memory_space<hbm>>) target(%dma_start3A_146 : memref<80xi32, #tpu.memory_space<vmem>>) target_semaphore(%arg11 : memref<!tpu.dma_semaphore, #tpu.memory_space<semaphore_mem>>)
            %dma_start3A_148 = arith.constant 0 : i32
            %dma_start3A_149 = arith.constant 0 : i32
            %dma_start3A_150 = arith.constant 0 : i32
            %dma_start3A_151 = tpu.memref_slice %arg10[%dma_start3A_148, %dma_start3A_149, %dma_start3A_150] : memref<2x80x128xf32, #tpu.memory_space<vmem>> -> memref<1x80x128xf32, #tpu.memory_space<vmem>>
            %dma_start3A_152 = tpu.memref_squeeze %dma_start3A_151 : memref<1x80x128xf32, #tpu.memory_space<vmem>> -> memref<80x128xf32, #tpu.memory_space<vmem>>
            %dma_start3A_153 = arith.constant 0 : i32
            %dma_start3A_154 = tpu.memref_slice %arg3[%add3A_138, %dma_start3A_153] : memref<320000x128xf32, #tpu.memory_space<hbm>> -> memref<80x128xf32, #tpu.memory_space<hbm>>
            %dma_start3A_155 = arith.constant 0 : i32
            %dma_start3A_156 = arith.constant 0 : i32
            %dma_start3A_157 = tpu.memref_slice %arg10[%dma_start3A_148, %dma_start3A_155, %dma_start3A_156] : memref<2x80x128xf32, #tpu.memory_space<vmem>> -> memref<1x80x128xf32, #tpu.memory_space<vmem>>
            %dma_start3A_158 = tpu.memref_squeeze %dma_start3A_157 : memref<1x80x128xf32, #tpu.memory_space<vmem>> -> memref<80x128xf32, #tpu.memory_space<vmem>>
            %dma_start3A_159 = arith.constant 0 : i32
            %dma_start3A_160 = tpu.memref_slice %arg3[%add3A_138, %dma_start3A_159] : memref<320000x128xf32, #tpu.memory_space<hbm>> -> memref<80x128xf32, #tpu.memory_space<hbm>>
            tpu.enqueue_dma source(%dma_start3A_160 : memref<80x128xf32, #tpu.memory_space<hbm>>) target(%dma_start3A_158 : memref<80x128xf32, #tpu.memory_space<vmem>>) target_semaphore(%arg11 : memref<!tpu.dma_semaphore, #tpu.memory_space<semaphore_mem>>)
          } else {
          }
        } else {
        }
        %scan3A_84 = arith.constant 0 : i32
        scf.yield %scan3A_84 : i32
      }
      %scan3A_53 = arith.constant 125 : i32
      %dma_wait3A = arith.constant 1 : i32
      %dma_wait3A_54 = arith.constant 1 : i32
      %dma_wait3A_55 = arith.constant 0 : i32
      %dma_wait3A_56 = arith.constant 0 : i32
      %dma_wait3A_57 = tpu.memref_slice %arg10[%dma_wait3A, %dma_wait3A_55, %dma_wait3A_56] : memref<2x80x128xf32, #tpu.memory_space<vmem>> -> memref<1x80x128xf32, #tpu.memory_space<vmem>>
      %dma_wait3A_58 = tpu.memref_squeeze %dma_wait3A_57 : memref<1x80x128xf32, #tpu.memory_space<vmem>> -> memref<80x128xf32, #tpu.memory_space<vmem>>
      %dma_wait3A_59 = arith.constant 0 : i32
      %dma_wait3A_60 = tpu.memref_slice %arg9[%dma_wait3A_54, %dma_wait3A_59] : memref<2x80xi32, #tpu.memory_space<vmem>> -> memref<1x80xi32, #tpu.memory_space<vmem>>
      %dma_wait3A_61 = tpu.memref_squeeze %dma_wait3A_60 : memref<1x80xi32, #tpu.memory_space<vmem>> -> memref<80xi32, #tpu.memory_space<vmem>>
      %dma_wait3A_62 = arith.constant 0 : i32
      %dma_wait3A_63 = arith.constant 0 : i32
      %dma_wait3A_64 = tpu.memref_slice %arg8[%dma_wait3A_62, %dma_wait3A_63] : memref<10240x128xf32, #tpu.memory_space<vmem_shared>> -> memref<10240x128xf32, #tpu.memory_space<vmem_shared>>
      tpu.wait_indirect_dma semaphore(%arg14 : memref<!tpu.dma_semaphore, #tpu.memory_space<semaphore_mem>>) src(%dma_wait3A_58 : memref<80x128xf32, #tpu.memory_space<vmem>>) dst(%dma_wait3A_64 : memref<10240x128xf32, #tpu.memory_space<vmem_shared>>)
    } else {
    }
    %barrier3A_14 = arith.constant 0 : index
    tpu.barrier barrier_id(%barrier3A_14)
    %eq3A_15 = arith.constant 0 : i32
    %eq3A_16 = arith.cmpi eq, %arg0, %eq3A_15 : i32
    %convert_element_type3A_17 = arith.extui %eq3A_16 : i1 to i32
    %cond3A_18 = arith.constant 0 : i32
    %cond3A_19 = arith.cmpi ne, %convert_element_type3A_17, %cond3A_18 : i32
    scf.if %cond3A_19 {
      %scan3A_25 = arith.constant 0 : i32
      %scan3A_26 = arith.constant 0 : i32
      %scan3A_27 = arith.constant 8 : i32
      %scan3A_28 = arith.addi %scan3A_26, %scan3A_27 : i32
      %scan3A_29 = arith.constant 1 : i32
      %scan3A_30 = scf.for %scan3A_32 = %scan3A_26 to %scan3A_28 step %scan3A_29 iter_args(%scan3A_33 = %scan3A_25) -> (i32)  : i32 {
        %mul3A_34 = arith.constant 640 : i32
        %mul3A_35 = arith.muli %arg1, %mul3A_34 : i32
        %mul3A_36 = arith.constant 80 : i32
        %mul3A_37 = arith.muli %scan3A_32, %mul3A_36 : i32
        %add3A = arith.addi %mul3A_35, %mul3A_37 : i32
        %run_scoped3A_38 = arith.constant 0 : i32
        "tpu.region"() ({
          %run_scoped3A_41 = tpu.sem_alloc : memref<!tpu.dma_semaphore, #tpu.memory_space<semaphore_mem>>
          %dma_start3A = arith.constant 0 : i32
          %dma_start3A_42 = arith.constant 0 : i32
          %dma_start3A_43 = tpu.memref_slice %arg10[%run_scoped3A_38, %dma_start3A, %dma_start3A_42] : memref<2x80x128xf32, #tpu.memory_space<vmem>> -> memref<1x80x128xf32, #tpu.memory_space<vmem>>
          %dma_start3A_44 = tpu.memref_squeeze %dma_start3A_43 : memref<1x80x128xf32, #tpu.memory_space<vmem>> -> memref<80x128xf32, #tpu.memory_space<vmem>>
          %dma_start3A_45 = arith.constant 0 : i32
          %dma_start3A_46 = tpu.memref_slice %arg8[%add3A, %dma_start3A_45] : memref<10240x128xf32, #tpu.memory_space<vmem_shared>> -> memref<80x128xf32, #tpu.memory_space<vmem_shared>>
          %dma_start3A_47 = arith.constant 0 : i32
          %dma_start3A_48 = arith.constant 0 : i32
          %dma_start3A_49 = tpu.memref_slice %arg10[%run_scoped3A_38, %dma_start3A_47, %dma_start3A_48] : memref<2x80x128xf32, #tpu.memory_space<vmem>> -> memref<1x80x128xf32, #tpu.memory_space<vmem>>
          %dma_start3A_50 = tpu.memref_squeeze %dma_start3A_49 : memref<1x80x128xf32, #tpu.memory_space<vmem>> -> memref<80x128xf32, #tpu.memory_space<vmem>>
          %dma_start3A_51 = arith.constant 0 : i32
          %dma_start3A_52 = tpu.memref_slice %arg8[%add3A, %dma_start3A_51] : memref<10240x128xf32, #tpu.memory_space<vmem_shared>> -> memref<80x128xf32, #tpu.memory_space<vmem_shared>>
          tpu.enqueue_dma source(%dma_start3A_52 : memref<80x128xf32, #tpu.memory_space<vmem_shared>>) target(%dma_start3A_50 : memref<80x128xf32, #tpu.memory_space<vmem>>) target_semaphore(%run_scoped3A_41 : memref<!tpu.dma_semaphore, #tpu.memory_space<semaphore_mem>>)
          %dma_wait3A = arith.constant 0 : i32
          %dma_wait3A_53 = arith.constant 0 : i32
          %dma_wait3A_54 = tpu.memref_slice %arg10[%run_scoped3A_38, %dma_wait3A, %dma_wait3A_53] : memref<2x80x128xf32, #tpu.memory_space<vmem>> -> memref<1x80x128xf32, #tpu.memory_space<vmem>>
          %dma_wait3A_55 = tpu.memref_squeeze %dma_wait3A_54 : memref<1x80x128xf32, #tpu.memory_space<vmem>> -> memref<80x128xf32, #tpu.memory_space<vmem>>
          %dma_wait3A_56 = arith.constant 0 : i32
          %dma_wait3A_57 = tpu.memref_slice %arg8[%add3A, %dma_wait3A_56] : memref<10240x128xf32, #tpu.memory_space<vmem_shared>> -> memref<80x128xf32, #tpu.memory_space<vmem_shared>>
          %dma_wait3A_58 = arith.constant 0 : i32
          %dma_wait3A_59 = arith.constant 0 : i32
          %dma_wait3A_60 = tpu.memref_slice %arg10[%run_scoped3A_38, %dma_wait3A_58, %dma_wait3A_59] : memref<2x80x128xf32, #tpu.memory_space<vmem>> -> memref<1x80x128xf32, #tpu.memory_space<vmem>>
          %dma_wait3A_61 = tpu.memref_squeeze %dma_wait3A_60 : memref<1x80x128xf32, #tpu.memory_space<vmem>> -> memref<80x128xf32, #tpu.memory_space<vmem>>
          %dma_wait3A_62 = arith.constant 0 : i32
          %dma_wait3A_63 = tpu.memref_slice %arg8[%add3A, %dma_wait3A_62] : memref<10240x128xf32, #tpu.memory_space<vmem_shared>> -> memref<80x128xf32, #tpu.memory_space<vmem_shared>>
          tpu.wait_dma2 semaphore(%run_scoped3A_41 : memref<!tpu.dma_semaphore, #tpu.memory_space<semaphore_mem>>) src(%dma_wait3A_63 : memref<80x128xf32, #tpu.memory_space<vmem_shared>>) dst(%dma_wait3A_61 : memref<80x128xf32, #tpu.memory_space<vmem>>)
          tpu.yield
        }) : () -> ()
        %run_scoped3A_39 = arith.constant 0 : i32
        "tpu.region"() ({
          %run_scoped3A_41 = tpu.sem_alloc : memref<!tpu.dma_semaphore, #tpu.memory_space<semaphore_mem>>
          %dma_start3A = arith.constant 0 : i32
          %dma_start3A_42 = arith.constant 0 : i32
          %dma_start3A_43 = tpu.memref_slice %arg10[%run_scoped3A_39, %dma_start3A, %dma_start3A_42] : memref<2x80x128xf32, #tpu.memory_space<vmem>> -> memref<1x80x128xf32, #tpu.memory_space<vmem>>
          %dma_start3A_44 = tpu.memref_squeeze %dma_start3A_43 : memref<1x80x128xf32, #tpu.memory_space<vmem>> -> memref<80x128xf32, #tpu.memory_space<vmem>>
          %dma_start3A_45 = arith.constant 0 : i32
          %dma_start3A_46 = tpu.memref_slice %arg6[%add3A, %dma_start3A_45] : memref<10240x128xf32, #tpu.memory_space<hbm>> -> memref<80x128xf32, #tpu.memory_space<hbm>>
          %dma_start3A_47 = arith.constant 0 : i32
          %dma_start3A_48 = tpu.memref_slice %arg6[%add3A, %dma_start3A_47] : memref<10240x128xf32, #tpu.memory_space<hbm>> -> memref<80x128xf32, #tpu.memory_space<hbm>>
          %dma_start3A_49 = arith.constant 0 : i32
          %dma_start3A_50 = arith.constant 0 : i32
          %dma_start3A_51 = tpu.memref_slice %arg10[%run_scoped3A_39, %dma_start3A_49, %dma_start3A_50] : memref<2x80x128xf32, #tpu.memory_space<vmem>> -> memref<1x80x128xf32, #tpu.memory_space<vmem>>
          %dma_start3A_52 = tpu.memref_squeeze %dma_start3A_51 : memref<1x80x128xf32, #tpu.memory_space<vmem>> -> memref<80x128xf32, #tpu.memory_space<vmem>>
          tpu.enqueue_dma source(%dma_start3A_52 : memref<80x128xf32, #tpu.memory_space<vmem>>) target(%dma_start3A_48 : memref<80x128xf32, #tpu.memory_space<hbm>>) target_semaphore(%run_scoped3A_41 : memref<!tpu.dma_semaphore, #tpu.memory_space<semaphore_mem>>)
          %dma_wait3A = arith.constant 0 : i32
          %dma_wait3A_53 = arith.constant 0 : i32
          %dma_wait3A_54 = tpu.memref_slice %arg10[%run_scoped3A_39, %dma_wait3A, %dma_wait3A_53] : memref<2x80x128xf32, #tpu.memory_space<vmem>> -> memref<1x80x128xf32, #tpu.memory_space<vmem>>
          %dma_wait3A_55 = tpu.memref_squeeze %dma_wait3A_54 : memref<1x80x128xf32, #tpu.memory_space<vmem>> -> memref<80x128xf32, #tpu.memory_space<vmem>>
          %dma_wait3A_56 = arith.constant 0 : i32
          %dma_wait3A_57 = tpu.memref_slice %arg6[%add3A, %dma_wait3A_56] : memref<10240x128xf32, #tpu.memory_space<hbm>> -> memref<80x128xf32, #tpu.memory_space<hbm>>
          %dma_wait3A_58 = arith.constant 0 : i32
          %dma_wait3A_59 = tpu.memref_slice %arg6[%add3A, %dma_wait3A_58] : memref<10240x128xf32, #tpu.memory_space<hbm>> -> memref<80x128xf32, #tpu.memory_space<hbm>>
          %dma_wait3A_60 = arith.constant 0 : i32
          %dma_wait3A_61 = arith.constant 0 : i32
          %dma_wait3A_62 = tpu.memref_slice %arg10[%run_scoped3A_39, %dma_wait3A_60, %dma_wait3A_61] : memref<2x80x128xf32, #tpu.memory_space<vmem>> -> memref<1x80x128xf32, #tpu.memory_space<vmem>>
          %dma_wait3A_63 = tpu.memref_squeeze %dma_wait3A_62 : memref<1x80x128xf32, #tpu.memory_space<vmem>> -> memref<80x128xf32, #tpu.memory_space<vmem>>
          tpu.wait_dma2 semaphore(%run_scoped3A_41 : memref<!tpu.dma_semaphore, #tpu.memory_space<semaphore_mem>>) src(%dma_wait3A_63 : memref<80x128xf32, #tpu.memory_space<vmem>>) dst(%dma_wait3A_59 : memref<80x128xf32, #tpu.memory_space<hbm>>)
          tpu.yield
        }) : () -> ()
        %scan3A_40 = arith.constant 0 : i32
        scf.yield %scan3A_40 : i32
      }
      %scan3A_31 = arith.constant 8 : i32
    } else {
    }
    %eq3A_20 = arith.constant 1 : i32
    %eq3A_21 = arith.cmpi eq, %arg0, %eq3A_20 : i32
    %convert_element_type3A_22 = arith.extui %eq3A_21 : i1 to i32
    %cond3A_23 = arith.constant 0 : i32
    %cond3A_24 = arith.cmpi ne, %convert_element_type3A_22, %cond3A_23 : i32
    scf.if %cond3A_24 {
      %scan3A_25 = arith.constant 0 : i32
      %scan3A_26 = arith.constant 0 : i32
      %scan3A_27 = arith.constant 8 : i32
      %scan3A_28 = arith.addi %scan3A_26, %scan3A_27 : i32
      %scan3A_29 = arith.constant 1 : i32
      %scan3A_30 = scf.for %scan3A_32 = %scan3A_26 to %scan3A_28 step %scan3A_29 iter_args(%scan3A_33 = %scan3A_25) -> (i32)  : i32 {
        %mul3A_34 = arith.constant 640 : i32
        %mul3A_35 = arith.muli %arg1, %mul3A_34 : i32
        %mul3A_36 = arith.constant 80 : i32
        %mul3A_37 = arith.muli %scan3A_32, %mul3A_36 : i32
        %add3A = arith.addi %mul3A_35, %mul3A_37 : i32
        %run_scoped3A_38 = arith.constant 0 : i32
        "tpu.region"() ({
          %run_scoped3A_41 = tpu.sem_alloc : memref<!tpu.dma_semaphore, #tpu.memory_space<semaphore_mem>>
          %dma_start3A = arith.constant 0 : i32
          %dma_start3A_42 = arith.constant 0 : i32
          %dma_start3A_43 = tpu.memref_slice %arg10[%run_scoped3A_38, %dma_start3A, %dma_start3A_42] : memref<2x80x128xf32, #tpu.memory_space<vmem>> -> memref<1x80x128xf32, #tpu.memory_space<vmem>>
          %dma_start3A_44 = tpu.memref_squeeze %dma_start3A_43 : memref<1x80x128xf32, #tpu.memory_space<vmem>> -> memref<80x128xf32, #tpu.memory_space<vmem>>
          %dma_start3A_45 = arith.constant 0 : i32
          %dma_start3A_46 = tpu.memref_slice %arg8[%add3A, %dma_start3A_45] : memref<10240x128xf32, #tpu.memory_space<vmem_shared>> -> memref<80x128xf32, #tpu.memory_space<vmem_shared>>
          %dma_start3A_47 = arith.constant 0 : i32
          %dma_start3A_48 = arith.constant 0 : i32
          %dma_start3A_49 = tpu.memref_slice %arg10[%run_scoped3A_38, %dma_start3A_47, %dma_start3A_48] : memref<2x80x128xf32, #tpu.memory_space<vmem>> -> memref<1x80x128xf32, #tpu.memory_space<vmem>>
          %dma_start3A_50 = tpu.memref_squeeze %dma_start3A_49 : memref<1x80x128xf32, #tpu.memory_space<vmem>> -> memref<80x128xf32, #tpu.memory_space<vmem>>
          %dma_start3A_51 = arith.constant 0 : i32
          %dma_start3A_52 = tpu.memref_slice %arg8[%add3A, %dma_start3A_51] : memref<10240x128xf32, #tpu.memory_space<vmem_shared>> -> memref<80x128xf32, #tpu.memory_space<vmem_shared>>
          tpu.enqueue_dma source(%dma_start3A_52 : memref<80x128xf32, #tpu.memory_space<vmem_shared>>) target(%dma_start3A_50 : memref<80x128xf32, #tpu.memory_space<vmem>>) target_semaphore(%run_scoped3A_41 : memref<!tpu.dma_semaphore, #tpu.memory_space<semaphore_mem>>)
          %dma_wait3A = arith.constant 0 : i32
          %dma_wait3A_53 = arith.constant 0 : i32
          %dma_wait3A_54 = tpu.memref_slice %arg10[%run_scoped3A_38, %dma_wait3A, %dma_wait3A_53] : memref<2x80x128xf32, #tpu.memory_space<vmem>> -> memref<1x80x128xf32, #tpu.memory_space<vmem>>
          %dma_wait3A_55 = tpu.memref_squeeze %dma_wait3A_54 : memref<1x80x128xf32, #tpu.memory_space<vmem>> -> memref<80x128xf32, #tpu.memory_space<vmem>>
          %dma_wait3A_56 = arith.constant 0 : i32
          %dma_wait3A_57 = tpu.memref_slice %arg8[%add3A, %dma_wait3A_56] : memref<10240x128xf32, #tpu.memory_space<vmem_shared>> -> memref<80x128xf32, #tpu.memory_space<vmem_shared>>
          %dma_wait3A_58 = arith.constant 0 : i32
          %dma_wait3A_59 = arith.constant 0 : i32
          %dma_wait3A_60 = tpu.memref_slice %arg10[%run_scoped3A_38, %dma_wait3A_58, %dma_wait3A_59] : memref<2x80x128xf32, #tpu.memory_space<vmem>> -> memref<1x80x128xf32, #tpu.memory_space<vmem>>
          %dma_wait3A_61 = tpu.memref_squeeze %dma_wait3A_60 : memref<1x80x128xf32, #tpu.memory_space<vmem>> -> memref<80x128xf32, #tpu.memory_space<vmem>>
          %dma_wait3A_62 = arith.constant 0 : i32
          %dma_wait3A_63 = tpu.memref_slice %arg8[%add3A, %dma_wait3A_62] : memref<10240x128xf32, #tpu.memory_space<vmem_shared>> -> memref<80x128xf32, #tpu.memory_space<vmem_shared>>
          tpu.wait_dma2 semaphore(%run_scoped3A_41 : memref<!tpu.dma_semaphore, #tpu.memory_space<semaphore_mem>>) src(%dma_wait3A_63 : memref<80x128xf32, #tpu.memory_space<vmem_shared>>) dst(%dma_wait3A_61 : memref<80x128xf32, #tpu.memory_space<vmem>>)
          tpu.yield
        }) : () -> ()
        %run_scoped3A_39 = arith.constant 0 : i32
        "tpu.region"() ({
          %run_scoped3A_41 = tpu.sem_alloc : memref<!tpu.dma_semaphore, #tpu.memory_space<semaphore_mem>>
          %dma_start3A = arith.constant 0 : i32
          %dma_start3A_42 = arith.constant 0 : i32
          %dma_start3A_43 = tpu.memref_slice %arg10[%run_scoped3A_39, %dma_start3A, %dma_start3A_42] : memref<2x80x128xf32, #tpu.memory_space<vmem>> -> memref<1x80x128xf32, #tpu.memory_space<vmem>>
          %dma_start3A_44 = tpu.memref_squeeze %dma_start3A_43 : memref<1x80x128xf32, #tpu.memory_space<vmem>> -> memref<80x128xf32, #tpu.memory_space<vmem>>
          %dma_start3A_45 = arith.constant 0 : i32
          %dma_start3A_46 = tpu.memref_slice %arg7[%add3A, %dma_start3A_45] : memref<10240x128xf32, #tpu.memory_space<hbm>> -> memref<80x128xf32, #tpu.memory_space<hbm>>
          %dma_start3A_47 = arith.constant 0 : i32
          %dma_start3A_48 = tpu.memref_slice %arg7[%add3A, %dma_start3A_47] : memref<10240x128xf32, #tpu.memory_space<hbm>> -> memref<80x128xf32, #tpu.memory_space<hbm>>
          %dma_start3A_49 = arith.constant 0 : i32
          %dma_start3A_50 = arith.constant 0 : i32
          %dma_start3A_51 = tpu.memref_slice %arg10[%run_scoped3A_39, %dma_start3A_49, %dma_start3A_50] : memref<2x80x128xf32, #tpu.memory_space<vmem>> -> memref<1x80x128xf32, #tpu.memory_space<vmem>>
          %dma_start3A_52 = tpu.memref_squeeze %dma_start3A_51 : memref<1x80x128xf32, #tpu.memory_space<vmem>> -> memref<80x128xf32, #tpu.memory_space<vmem>>
          tpu.enqueue_dma source(%dma_start3A_52 : memref<80x128xf32, #tpu.memory_space<vmem>>) target(%dma_start3A_48 : memref<80x128xf32, #tpu.memory_space<hbm>>) target_semaphore(%run_scoped3A_41 : memref<!tpu.dma_semaphore, #tpu.memory_space<semaphore_mem>>)
          %dma_wait3A = arith.constant 0 : i32
          %dma_wait3A_53 = arith.constant 0 : i32
          %dma_wait3A_54 = tpu.memref_slice %arg10[%run_scoped3A_39, %dma_wait3A, %dma_wait3A_53] : memref<2x80x128xf32, #tpu.memory_space<vmem>> -> memref<1x80x128xf32, #tpu.memory_space<vmem>>
          %dma_wait3A_55 = tpu.memref_squeeze %dma_wait3A_54 : memref<1x80x128xf32, #tpu.memory_space<vmem>> -> memref<80x128xf32, #tpu.memory_space<vmem>>
          %dma_wait3A_56 = arith.constant 0 : i32
          %dma_wait3A_57 = tpu.memref_slice %arg7[%add3A, %dma_wait3A_56] : memref<10240x128xf32, #tpu.memory_space<hbm>> -> memref<80x128xf32, #tpu.memory_space<hbm>>
          %dma_wait3A_58 = arith.constant 0 : i32
          %dma_wait3A_59 = tpu.memref_slice %arg7[%add3A, %dma_wait3A_58] : memref<10240x128xf32, #tpu.memory_space<hbm>> -> memref<80x128xf32, #tpu.memory_space<hbm>>
          %dma_wait3A_60 = arith.constant 0 : i32
          %dma_wait3A_61 = arith.constant 0 : i32
          %dma_wait3A_62 = tpu.memref_slice %arg10[%run_scoped3A_39, %dma_wait3A_60, %dma_wait3A_61] : memref<2x80x128xf32, #tpu.memory_space<vmem>> -> memref<1x80x128xf32, #tpu.memory_space<vmem>>
          %dma_wait3A_63 = tpu.memref_squeeze %dma_wait3A_62 : memref<1x80x128xf32, #tpu.memory_space<vmem>> -> memref<80x128xf32, #tpu.memory_space<vmem>>
          tpu.wait_dma2 semaphore(%run_scoped3A_41 : memref<!tpu.dma_semaphore, #tpu.memory_space<semaphore_mem>>) src(%dma_wait3A_63 : memref<80x128xf32, #tpu.memory_space<vmem>>) dst(%dma_wait3A_59 : memref<80x128xf32, #tpu.memory_space<hbm>>)
          tpu.yield
        }) : () -> ()
        %scan3A_40 = arith.constant 0 : i32
        scf.yield %scan3A_40 : i32
      }
      %scan3A_31 = arith.constant 8 : i32
    } else {
    }
    return
  }
}

module attributes {stable_mosaic.version = 14 : i64} {
  func.func @body(%arg0: i32, %arg1: memref<640x128xf32, #tpu.memory_space<vmem>>, %arg2: memref<640x128xf32, #tpu.memory_space<vmem>>, %arg3: memref<640x1xi32, #tpu.memory_space<vmem>>, %arg4: memref<79x128xf32, #tpu.memory_space<vmem>>, %arg5: memref<640x1xf32, #tpu.memory_space<vmem>>, %arg6: memref<640x1xi32, #tpu.memory_space<vmem>>, %arg7: memref<1x1xf32, #tpu.memory_space<vmem>>, %arg8: memref<64x128xf32, #tpu.memory_space<vmem>>, %arg9: memref<128x128xf32, #tpu.memory_space<vmem>>, %arg10: memref<128x128xf32, #tpu.memory_space<vmem>>, %arg11: memref<1x128xf32, #tpu.memory_space<vmem>>, %arg12: memref<1x128xf32, #tpu.memory_space<vmem>>, %arg13: memref<128x1xf32, #tpu.memory_space<vmem>>, %arg14: memref<1x1xf32, #tpu.memory_space<vmem>>, %arg15: memref<128x128xf32, #tpu.memory_space<vmem>>, %arg16: memref<1x128xf32, #tpu.memory_space<vmem>>, %arg17: memref<128x128xf32, #tpu.memory_space<vmem>>, %arg18: memref<1x128xf32, #tpu.memory_space<vmem>>, %arg19: memref<128x128xf32, #tpu.memory_space<vmem>>, %arg20: memref<1x128xf32, #tpu.memory_space<vmem>>, %arg21: memref<128x8xf32, #tpu.memory_space<vmem>>, %arg22: memref<8x128xf32, #tpu.memory_space<vmem>>, %arg23: memref<640x128xf32, #tpu.memory_space<vmem>>, %arg24: memref<640x128xf32, #tpu.memory_space<vmem>>) attributes {dimension_semantics = [#tpu.dimension_semantics<arbitrary>], iteration_bounds = array<i64: 500>, scalar_prefetch = 0 : i64, scratch_operands = 0 : i64, tpu.core_type = #tpu.core_type<tc>, window_params = [{transform_indices = @transform_0, window_bounds = array<i64: 640, 128>}, {transform_indices = @transform_1, window_bounds = array<i64: 640, 128>}, {transform_indices = @transform_2, window_bounds = array<i64: 640, 1>}, {pipeline_mode = #tpu.pipeline_mode<synchronous>, transform_indices = @transform_3, window_bounds = array<i64: 79, 128>}, {transform_indices = @transform_4, window_bounds = array<i64: 640, 1>}, {transform_indices = @transform_5, window_bounds = array<i64: 640, 1>}, {pipeline_mode = #tpu.pipeline_mode<synchronous>, transform_indices = @transform_6, window_bounds = array<i64: 1, 1>}, {pipeline_mode = #tpu.pipeline_mode<synchronous>, transform_indices = @transform_7, window_bounds = array<i64: 64, 128>}, {pipeline_mode = #tpu.pipeline_mode<synchronous>, transform_indices = @transform_8, window_bounds = array<i64: 128, 128>}, {pipeline_mode = #tpu.pipeline_mode<synchronous>, transform_indices = @transform_9, window_bounds = array<i64: 128, 128>}, {pipeline_mode = #tpu.pipeline_mode<synchronous>, transform_indices = @transform_10, window_bounds = array<i64: 1, 128>}, {pipeline_mode = #tpu.pipeline_mode<synchronous>, transform_indices = @transform_11, window_bounds = array<i64: 1, 128>}, {pipeline_mode = #tpu.pipeline_mode<synchronous>, transform_indices = @transform_12, window_bounds = array<i64: 128, 1>}, {pipeline_mode = #tpu.pipeline_mode<synchronous>, transform_indices = @transform_13, window_bounds = array<i64: 1, 1>}, {pipeline_mode = #tpu.pipeline_mode<synchronous>, transform_indices = @transform_14, window_bounds = array<i64: 128, 128>}, {pipeline_mode = #tpu.pipeline_mode<synchronous>, transform_indices = @transform_15, window_bounds = array<i64: 1, 128>}, {pipeline_mode = #tpu.pipeline_mode<synchronous>, transform_indices = @transform_16, window_bounds = array<i64: 128, 128>}, {pipeline_mode = #tpu.pipeline_mode<synchronous>, transform_indices = @transform_17, window_bounds = array<i64: 1, 128>}, {pipeline_mode = #tpu.pipeline_mode<synchronous>, transform_indices = @transform_18, window_bounds = array<i64: 128, 128>}, {pipeline_mode = #tpu.pipeline_mode<synchronous>, transform_indices = @transform_19, window_bounds = array<i64: 1, 128>}, {pipeline_mode = #tpu.pipeline_mode<synchronous>, transform_indices = @transform_20, window_bounds = array<i64: 128, 8>}, {pipeline_mode = #tpu.pipeline_mode<synchronous>, transform_indices = @transform_21, window_bounds = array<i64: 8, 128>}, {transform_indices = @transform_22, window_bounds = array<i64: 640, 128>}, {transform_indices = @transform_23, window_bounds = array<i64: 640, 128>}]} {
    %get3A = arith.constant 0 : index
    %get3A_0 = arith.constant 0 : index
    %get3A_1 = vector.load %arg3[%get3A, %get3A_0] : memref<640x1xi32, #tpu.memory_space<vmem>>, vector<640x1xi32>
    %jit3A = arith.constant 128 : i32
    %div3A = vector.broadcast %jit3A : i32 to vector<640x1xi32>
    %div3A_2 = arith.divsi %get3A_1, %div3A : vector<640x1xi32>
    %sign3A = arith.constant 0 : i32
    %sign3A_3 = vector.broadcast %sign3A : i32 to vector<640x1xi32>
    %sign3A_4 = arith.cmpi sgt, %get3A_1, %sign3A_3 : vector<640x1xi32>
    %sign3A_5 = arith.extui %sign3A_4 : vector<640x1xi1> to vector<640x1xi32>
    %sign3A_6 = arith.constant 0 : i32
    %sign3A_7 = vector.broadcast %sign3A_6 : i32 to vector<640x1xi32>
    %sign3A_8 = arith.cmpi slt, %get3A_1, %sign3A_7 : vector<640x1xi32>
    %sign3A_9 = arith.extui %sign3A_8 : vector<640x1xi1> to vector<640x1xi32>
    %sign3A_10 = arith.subi %sign3A_5, %sign3A_9 : vector<640x1xi32>
    %sign3A_11 = arith.constant 0 : i32
    %sign3A_12 = arith.cmpi sgt, %jit3A, %sign3A_11 : i32
    %sign3A_13 = arith.extui %sign3A_12 : i1 to i32
    %sign3A_14 = arith.constant 0 : i32
    %sign3A_15 = arith.cmpi slt, %jit3A, %sign3A_14 : i32
    %sign3A_16 = arith.extui %sign3A_15 : i1 to i32
    %sign3A_17 = arith.subi %sign3A_13, %sign3A_16 : i32
    %ne3A = vector.broadcast %sign3A_17 : i32 to vector<640x1xi32>
    %ne3A_18 = arith.cmpi ne, %sign3A_10, %ne3A : vector<640x1xi32>
    %rem3A = vector.broadcast %jit3A : i32 to vector<640x1xi32>
    %rem3A_19 = arith.remsi %get3A_1, %rem3A : vector<640x1xi32>
    %ne3A_20 = arith.constant 0 : i32
    %ne3A_21 = vector.broadcast %ne3A_20 : i32 to vector<640x1xi32>
    %ne3A_22 = arith.cmpi ne, %rem3A_19, %ne3A_21 : vector<640x1xi32>
    %and3A = arith.andi %ne3A_18, %ne3A_22 : vector<640x1xi1>
    %sub3A = arith.constant 1 : i32
    %sub3A_23 = vector.broadcast %sub3A : i32 to vector<640x1xi32>
    %sub3A_24 = arith.subi %div3A_2, %sub3A_23 : vector<640x1xi32>
    %select_n3A = arith.select %and3A, %sub3A_24, %div3A_2 : vector<640x1xi1>, vector<640x1xi32>
    %mul3A = arith.constant 128 : i32
    %mul3A_25 = vector.broadcast %mul3A : i32 to vector<640x1xi32>
    %mul3A_26 = arith.muli %select_n3A, %mul3A_25 : vector<640x1xi32>
    %sub3A_27 = arith.subi %get3A_1, %mul3A_26 : vector<640x1xi32>
    %iota3A = tpu.iota {dimensions = array<i32: 1>} : vector<640x79xi32>
    %eq3A = vector.broadcast %select_n3A : vector<640x1xi32> to vector<640x79xi32>
    %eq3A_28 = arith.cmpi eq, %eq3A, %iota3A : vector<640x79xi32>
    %convert_element_type3A = arith.extui %eq3A_28 : vector<640x79xi1> to vector<640x79xi32>
    %convert_element_type3A_29 = arith.sitofp %convert_element_type3A : vector<640x79xi32> to vector<640x79xf32>
    %get3A_30 = arith.constant 0 : index
    %get3A_31 = arith.constant 0 : index
    %get3A_32 = vector.load %arg4[%get3A_30, %get3A_31] : memref<79x128xf32, #tpu.memory_space<vmem>>, vector<79x128xf32>
    %dot_general3A = arith.constant dense<0.000000e+00> : vector<640x128xf32>
    %dot_general3A_33 = tpu.matmul %convert_element_type3A_29, %get3A_32, %dot_general3A {dimension_numbers = #tpu.dot_dimension_numbers<[1], [0], [0], [1], [0, 0, 1, 1], [], []>, transpose_lhs_hint = false} : vector<640x79xf32>, vector<79x128xf32>, vector<640x128xf32> -> vector<640x128xf32>
    %iota3A_34 = tpu.iota {dimensions = array<i32: 1>} : vector<640x128xi32>
    %eq3A_35 = vector.broadcast %sub3A_27 : vector<640x1xi32> to vector<640x128xi32>
    %eq3A_36 = arith.cmpi eq, %eq3A_35, %iota3A_34 : vector<640x128xi32>
    %convert_element_type3A_37 = arith.extui %eq3A_36 : vector<640x128xi1> to vector<640x128xi32>
    %convert_element_type3A_38 = arith.sitofp %convert_element_type3A_37 : vector<640x128xi32> to vector<640x128xf32>
    %mul3A_39 = arith.mulf %dot_general3A_33, %convert_element_type3A_38 : vector<640x128xf32>
    %reduce_sum3A = arith.constant dense<0.000000e+00> : vector<640xf32>
    %reduce_sum3A_40 = vector.multi_reduction <add>, %mul3A_39, %reduce_sum3A [1] : vector<640x128xf32> to vector<640xf32>
    %broadcast_in_dim3A = vector.shape_cast %reduce_sum3A_40 : vector<640xf32> to vector<640x1xf32>
    %get3A_41 = arith.constant 0 : index
    %get3A_42 = arith.constant 0 : index
    %get3A_43 = vector.load %arg5[%get3A_41, %get3A_42] : memref<640x1xf32, #tpu.memory_space<vmem>>, vector<640x1xf32>
    %sub3A_44 = arith.subf %broadcast_in_dim3A, %get3A_43 : vector<640x1xf32>
    %get3A_45 = arith.constant 0 : index
    %get3A_46 = arith.constant 0 : index
    %get3A_47 = vector.load %arg7[%get3A_45, %get3A_46] : memref<1x1xf32, #tpu.memory_space<vmem>>, vector<1x1xf32>
    %mul3A_48 = vector.broadcast %get3A_47 : vector<1x1xf32> to vector<640x1xf32>
    %mul3A_49 = arith.mulf %sub3A_44, %mul3A_48 : vector<640x1xf32>
    %neg3A = arith.constant 0.000000e+00 : f32
    %neg3A_50 = vector.broadcast %neg3A : f32 to vector<640x1xf32>
    %neg3A_51 = arith.subf %neg3A_50, %mul3A_49 : vector<640x1xf32>
    %exp3A = math.exp %neg3A_51 : vector<640x1xf32>
    %add3A = arith.constant 1.000000e+00 : f32
    %add3A_52 = vector.broadcast %add3A : f32 to vector<640x1xf32>
    %add3A_53 = arith.addf %add3A_52, %exp3A : vector<640x1xf32>
    %div3A_54 = arith.constant 1.000000e+00 : f32
    %div3A_55 = vector.broadcast %div3A_54 : f32 to vector<640x1xf32>
    %div3A_56 = arith.divf %div3A_55, %add3A_53 : vector<640x1xf32>
    %iota3A_57 = tpu.iota {dimensions = array<i32: 1>} : vector<640x64xi32>
    %get3A_58 = arith.constant 0 : index
    %get3A_59 = arith.constant 0 : index
    %get3A_60 = vector.load %arg6[%get3A_58, %get3A_59] : memref<640x1xi32, #tpu.memory_space<vmem>>, vector<640x1xi32>
    %eq3A_61 = vector.broadcast %get3A_60 : vector<640x1xi32> to vector<640x64xi32>
    %eq3A_62 = arith.cmpi eq, %eq3A_61, %iota3A_57 : vector<640x64xi32>
    %convert_element_type3A_63 = arith.extui %eq3A_62 : vector<640x64xi1> to vector<640x64xi32>
    %convert_element_type3A_64 = arith.sitofp %convert_element_type3A_63 : vector<640x64xi32> to vector<640x64xf32>
    %get3A_65 = arith.constant 0 : index
    %get3A_66 = arith.constant 0 : index
    %get3A_67 = vector.load %arg8[%get3A_65, %get3A_66] : memref<64x128xf32, #tpu.memory_space<vmem>>, vector<64x128xf32>
    %dot_general3A_68 = arith.constant dense<0.000000e+00> : vector<640x128xf32>
    %dot_general3A_69 = tpu.matmul %convert_element_type3A_64, %get3A_67, %dot_general3A_68 {dimension_numbers = #tpu.dot_dimension_numbers<[1], [0], [0], [1], [0, 0, 1, 1], [], []>, transpose_lhs_hint = false} : vector<640x64xf32>, vector<64x128xf32>, vector<640x128xf32> -> vector<640x128xf32>
    %mul3A_70 = vector.broadcast %div3A_56 : vector<640x1xf32> to vector<640x128xf32>
    %mul3A_71 = arith.mulf %dot_general3A_69, %mul3A_70 : vector<640x128xf32>
    %get3A_72 = arith.constant 0 : index
    %get3A_73 = arith.constant 0 : index
    %get3A_74 = vector.load %arg1[%get3A_72, %get3A_73] : memref<640x128xf32, #tpu.memory_space<vmem>>, vector<640x128xf32>
    %get3A_75 = arith.constant 0 : index
    %get3A_76 = arith.constant 0 : index
    %get3A_77 = vector.load %arg9[%get3A_75, %get3A_76] : memref<128x128xf32, #tpu.memory_space<vmem>>, vector<128x128xf32>
    %dot_general3A_78 = arith.constant dense<0.000000e+00> : vector<640x128xf32>
    %dot_general3A_79 = tpu.matmul %get3A_74, %get3A_77, %dot_general3A_78 {dimension_numbers = #tpu.dot_dimension_numbers<[1], [0], [0], [1], [0, 0, 1, 1], [], []>, transpose_lhs_hint = false} : vector<640x128xf32>, vector<128x128xf32>, vector<640x128xf32> -> vector<640x128xf32>
    %get3A_80 = arith.constant 0 : index
    %get3A_81 = arith.constant 0 : index
    %get3A_82 = vector.load %arg10[%get3A_80, %get3A_81] : memref<128x128xf32, #tpu.memory_space<vmem>>, vector<128x128xf32>
    %dot_general3A_83 = arith.constant dense<0.000000e+00> : vector<640x128xf32>
    %dot_general3A_84 = tpu.matmul %mul3A_71, %get3A_82, %dot_general3A_83 {dimension_numbers = #tpu.dot_dimension_numbers<[1], [0], [0], [1], [0, 0, 1, 1], [], []>, transpose_lhs_hint = false} : vector<640x128xf32>, vector<128x128xf32>, vector<640x128xf32> -> vector<640x128xf32>
    %add3A_85 = arith.addf %dot_general3A_79, %dot_general3A_84 : vector<640x128xf32>
    %get3A_86 = arith.constant 0 : index
    %get3A_87 = arith.constant 0 : index
    %get3A_88 = vector.load %arg11[%get3A_86, %get3A_87] : memref<1x128xf32, #tpu.memory_space<vmem>>, vector<1x128xf32>
    %mul3A_89 = vector.broadcast %div3A_56 : vector<640x1xf32> to vector<640x128xf32>
    %mul3A_90 = vector.broadcast %get3A_88 : vector<1x128xf32> to vector<640x128xf32>
    %mul3A_91 = arith.mulf %mul3A_89, %mul3A_90 : vector<640x128xf32>
    %add3A_92 = arith.addf %add3A_85, %mul3A_91 : vector<640x128xf32>
    %get3A_93 = arith.constant 0 : index
    %get3A_94 = arith.constant 0 : index
    %get3A_95 = vector.load %arg12[%get3A_93, %get3A_94] : memref<1x128xf32, #tpu.memory_space<vmem>>, vector<1x128xf32>
    %add3A_96 = vector.broadcast %get3A_95 : vector<1x128xf32> to vector<640x128xf32>
    %add3A_97 = arith.addf %add3A_92, %add3A_96 : vector<640x128xf32>
    %max3A = arith.constant 0.000000e+00 : f32
    %max3A_98 = vector.broadcast %max3A : f32 to vector<640x128xf32>
    %max3A_99 = arith.maximumf %add3A_97, %max3A_98 : vector<640x128xf32>
    %get3A_100 = arith.constant 0 : index
    %get3A_101 = arith.constant 0 : index
    %get3A_102 = vector.load %arg13[%get3A_100, %get3A_101] : memref<128x1xf32, #tpu.memory_space<vmem>>, vector<128x1xf32>
    %dot_general3A_103 = arith.constant dense<0.000000e+00> : vector<640x1xf32>
    %dot_general3A_104 = tpu.matmul %max3A_99, %get3A_102, %dot_general3A_103 {dimension_numbers = #tpu.dot_dimension_numbers<[1], [0], [0], [1], [0, 0, 1, 1], [], []>, transpose_lhs_hint = false} : vector<640x128xf32>, vector<128x1xf32>, vector<640x1xf32> -> vector<640x1xf32>
    %get3A_105 = arith.constant 0 : index
    %get3A_106 = arith.constant 0 : index
    %get3A_107 = vector.load %arg14[%get3A_105, %get3A_106] : memref<1x1xf32, #tpu.memory_space<vmem>>, vector<1x1xf32>
    %add3A_108 = vector.broadcast %get3A_107 : vector<1x1xf32> to vector<640x1xf32>
    %add3A_109 = arith.addf %dot_general3A_104, %add3A_108 : vector<640x1xf32>
    %neg3A_110 = arith.constant 0.000000e+00 : f32
    %neg3A_111 = vector.broadcast %neg3A_110 : f32 to vector<640x1xf32>
    %neg3A_112 = arith.subf %neg3A_111, %add3A_109 : vector<640x1xf32>
    %exp3A_113 = math.exp %neg3A_112 : vector<640x1xf32>
    %add3A_114 = arith.constant 1.000000e+00 : f32
    %add3A_115 = vector.broadcast %add3A_114 : f32 to vector<640x1xf32>
    %add3A_116 = arith.addf %add3A_115, %exp3A_113 : vector<640x1xf32>
    %div3A_117 = arith.constant 1.000000e+00 : f32
    %div3A_118 = vector.broadcast %div3A_117 : f32 to vector<640x1xf32>
    %div3A_119 = arith.divf %div3A_118, %add3A_116 : vector<640x1xf32>
    %mul3A_120 = arith.mulf %get3A_74, %mul3A_71 : vector<640x128xf32>
    %mul3A_121 = vector.broadcast %div3A_119 : vector<640x1xf32> to vector<640x128xf32>
    %mul3A_122 = arith.mulf %mul3A_120, %mul3A_121 : vector<640x128xf32>
    %get3A_123 = arith.constant 0 : index
    %get3A_124 = arith.constant 0 : index
    %get3A_125 = vector.load %arg2[%get3A_123, %get3A_124] : memref<640x128xf32, #tpu.memory_space<vmem>>, vector<640x128xf32>
    %get3A_126 = arith.constant 0 : index
    %get3A_127 = arith.constant 0 : index
    %get3A_128 = vector.load %arg15[%get3A_126, %get3A_127] : memref<128x128xf32, #tpu.memory_space<vmem>>, vector<128x128xf32>
    %dot_general3A_129 = arith.constant dense<0.000000e+00> : vector<640x128xf32>
    %dot_general3A_130 = tpu.matmul %get3A_125, %get3A_128, %dot_general3A_129 {dimension_numbers = #tpu.dot_dimension_numbers<[1], [0], [0], [1], [0, 0, 1, 1], [], []>, transpose_lhs_hint = false} : vector<640x128xf32>, vector<128x128xf32>, vector<640x128xf32> -> vector<640x128xf32>
    %get3A_131 = arith.constant 0 : index
    %get3A_132 = arith.constant 0 : index
    %get3A_133 = vector.load %arg16[%get3A_131, %get3A_132] : memref<1x128xf32, #tpu.memory_space<vmem>>, vector<1x128xf32>
    %add3A_134 = vector.broadcast %get3A_133 : vector<1x128xf32> to vector<640x128xf32>
    %add3A_135 = arith.addf %dot_general3A_130, %add3A_134 : vector<640x128xf32>
    %get3A_136 = arith.constant 0 : index
    %get3A_137 = arith.constant 0 : index
    %get3A_138 = vector.load %arg17[%get3A_136, %get3A_137] : memref<128x128xf32, #tpu.memory_space<vmem>>, vector<128x128xf32>
    %dot_general3A_139 = arith.constant dense<0.000000e+00> : vector<640x128xf32>
    %dot_general3A_140 = tpu.matmul %mul3A_122, %get3A_138, %dot_general3A_139 {dimension_numbers = #tpu.dot_dimension_numbers<[1], [0], [0], [1], [0, 0, 1, 1], [], []>, transpose_lhs_hint = false} : vector<640x128xf32>, vector<128x128xf32>, vector<640x128xf32> -> vector<640x128xf32>
    %get3A_141 = arith.constant 0 : index
    %get3A_142 = arith.constant 0 : index
    %get3A_143 = vector.load %arg18[%get3A_141, %get3A_142] : memref<1x128xf32, #tpu.memory_space<vmem>>, vector<1x128xf32>
    %add3A_144 = vector.broadcast %get3A_143 : vector<1x128xf32> to vector<640x128xf32>
    %add3A_145 = arith.addf %dot_general3A_140, %add3A_144 : vector<640x128xf32>
    %get3A_146 = arith.constant 0 : index
    %get3A_147 = arith.constant 0 : index
    %get3A_148 = vector.load %arg19[%get3A_146, %get3A_147] : memref<128x128xf32, #tpu.memory_space<vmem>>, vector<128x128xf32>
    %dot_general3A_149 = arith.constant dense<0.000000e+00> : vector<640x128xf32>
    %dot_general3A_150 = tpu.matmul %mul3A_122, %get3A_148, %dot_general3A_149 {dimension_numbers = #tpu.dot_dimension_numbers<[1], [0], [0], [1], [0, 0, 1, 1], [], []>, transpose_lhs_hint = false} : vector<640x128xf32>, vector<128x128xf32>, vector<640x128xf32> -> vector<640x128xf32>
    %get3A_151 = arith.constant 0 : index
    %get3A_152 = arith.constant 0 : index
    %get3A_153 = vector.load %arg20[%get3A_151, %get3A_152] : memref<1x128xf32, #tpu.memory_space<vmem>>, vector<1x128xf32>
    %add3A_154 = vector.broadcast %get3A_153 : vector<1x128xf32> to vector<640x128xf32>
    %add3A_155 = arith.addf %dot_general3A_150, %add3A_154 : vector<640x128xf32>
    %mul3A_156 = arith.mulf %add3A_135, %add3A_145 : vector<640x128xf32>
    %get3A_157 = arith.constant 0 : index
    %get3A_158 = arith.constant 0 : index
    %get3A_159 = vector.load %arg21[%get3A_157, %get3A_158] : memref<128x8xf32, #tpu.memory_space<vmem>>, vector<128x8xf32>
    %dot_general3A_160 = arith.constant dense<0.000000e+00> : vector<640x8xf32>
    %dot_general3A_161 = tpu.matmul %mul3A_156, %get3A_159, %dot_general3A_160 {dimension_numbers = #tpu.dot_dimension_numbers<[1], [0], [0], [1], [0, 0, 1, 1], [], []>, transpose_lhs_hint = false} : vector<640x128xf32>, vector<128x8xf32>, vector<640x8xf32> -> vector<640x8xf32>
    %mul3A_162 = arith.constant 2.500000e-01 : f32
    %mul3A_163 = vector.broadcast %mul3A_162 : f32 to vector<640x8xf32>
    %mul3A_164 = arith.mulf %dot_general3A_161, %mul3A_163 : vector<640x8xf32>
    %exp3A_165 = math.exp %mul3A_164 : vector<640x8xf32>
    %get3A_166 = arith.constant 0 : index
    %get3A_167 = arith.constant 0 : index
    %get3A_168 = vector.load %arg22[%get3A_166, %get3A_167] : memref<8x128xf32, #tpu.memory_space<vmem>>, vector<8x128xf32>
    %dot_general3A_169 = arith.constant dense<0.000000e+00> : vector<640x128xf32>
    %dot_general3A_170 = tpu.matmul %exp3A_165, %get3A_168, %dot_general3A_169 {dimension_numbers = #tpu.dot_dimension_numbers<[1], [0], [0], [1], [0, 0, 1, 1], [], []>, transpose_lhs_hint = false} : vector<640x8xf32>, vector<8x128xf32>, vector<640x128xf32> -> vector<640x128xf32>
    %mul3A_171 = arith.mulf %add3A_155, %dot_general3A_170 : vector<640x128xf32>
    %swap3A = arith.constant 0 : index
    %swap3A_172 = arith.constant 0 : index
    %swap3A_173 = vector.load %arg23[%swap3A, %swap3A_172] : memref<640x128xf32, #tpu.memory_space<vmem>>, vector<640x128xf32>
    tpu.vector_store %arg23[%swap3A, %swap3A_172], %mul3A_171 {strides = array<i32>} : memref<640x128xf32, #tpu.memory_space<vmem>>, vector<640x128xf32>,
    %swap3A_174 = arith.constant 0 : index
    %swap3A_175 = arith.constant 0 : index
    %swap3A_176 = vector.load %arg24[%swap3A_174, %swap3A_175] : memref<640x128xf32, #tpu.memory_space<vmem>>, vector<640x128xf32>
    tpu.vector_store %arg24[%swap3A_174, %swap3A_175], %dot_general3A_170 {strides = array<i32>} : memref<640x128xf32, #tpu.memory_space<vmem>>, vector<640x128xf32>,
    return
  }
  func.func @transform_0(%arg0: i32) -> (i32, i32) {
    %c0_i32 = arith.constant 0 : i32
    %c0_i32_0 = arith.constant 0 : i32
    return %arg0, %c0_i32 : i32, i32
  }
  func.func @transform_1(%arg0: i32) -> (i32, i32) {
    %c0_i32 = arith.constant 0 : i32
    %c0_i32_0 = arith.constant 0 : i32
    return %arg0, %c0_i32 : i32, i32
  }
  func.func @transform_2(%arg0: i32) -> (i32, i32) {
    %c0_i32 = arith.constant 0 : i32
    %c0_i32_0 = arith.constant 0 : i32
    return %arg0, %c0_i32 : i32, i32
  }
  func.func @transform_3(%arg0: i32) -> (i32, i32) {
    %c0_i32 = arith.constant 0 : i32
    %c0_i32_0 = arith.constant 0 : i32
    %c0_i32_1 = arith.constant 0 : i32
    return %c0_i32, %c0_i32_0 : i32, i32
  }
  func.func @transform_4(%arg0: i32) -> (i32, i32) {
    %c0_i32 = arith.constant 0 : i32
    %c0_i32_0 = arith.constant 0 : i32
    return %arg0, %c0_i32 : i32, i32
  }
  func.func @transform_5(%arg0: i32) -> (i32, i32) {
    %c0_i32 = arith.constant 0 : i32
    %c0_i32_0 = arith.constant 0 : i32
    return %arg0, %c0_i32 : i32, i32
  }
  func.func @transform_6(%arg0: i32) -> (i32, i32) {
    %c0_i32 = arith.constant 0 : i32
    %c0_i32_0 = arith.constant 0 : i32
    %c0_i32_1 = arith.constant 0 : i32
    return %c0_i32, %c0_i32_0 : i32, i32
  }
  func.func @transform_7(%arg0: i32) -> (i32, i32) {
    %c0_i32 = arith.constant 0 : i32
    %c0_i32_0 = arith.constant 0 : i32
    %c0_i32_1 = arith.constant 0 : i32
    return %c0_i32, %c0_i32_0 : i32, i32
  }
  func.func @transform_8(%arg0: i32) -> (i32, i32) {
    %c0_i32 = arith.constant 0 : i32
    %c0_i32_0 = arith.constant 0 : i32
    %c0_i32_1 = arith.constant 0 : i32
    return %c0_i32, %c0_i32_0 : i32, i32
  }
  func.func @transform_9(%arg0: i32) -> (i32, i32) {
    %c0_i32 = arith.constant 0 : i32
    %c0_i32_0 = arith.constant 0 : i32
    %c0_i32_1 = arith.constant 0 : i32
    return %c0_i32, %c0_i32_0 : i32, i32
  }
  func.func @transform_10(%arg0: i32) -> (i32, i32) {
    %c0_i32 = arith.constant 0 : i32
    %c0_i32_0 = arith.constant 0 : i32
    %c0_i32_1 = arith.constant 0 : i32
    return %c0_i32, %c0_i32_0 : i32, i32
  }
  func.func @transform_11(%arg0: i32) -> (i32, i32) {
    %c0_i32 = arith.constant 0 : i32
    %c0_i32_0 = arith.constant 0 : i32
    %c0_i32_1 = arith.constant 0 : i32
    return %c0_i32, %c0_i32_0 : i32, i32
  }
  func.func @transform_12(%arg0: i32) -> (i32, i32) {
    %c0_i32 = arith.constant 0 : i32
    %c0_i32_0 = arith.constant 0 : i32
    %c0_i32_1 = arith.constant 0 : i32
    return %c0_i32, %c0_i32_0 : i32, i32
  }
  func.func @transform_13(%arg0: i32) -> (i32, i32) {
    %c0_i32 = arith.constant 0 : i32
    %c0_i32_0 = arith.constant 0 : i32
    %c0_i32_1 = arith.constant 0 : i32
    return %c0_i32, %c0_i32_0 : i32, i32
  }
  func.func @transform_14(%arg0: i32) -> (i32, i32) {
    %c0_i32 = arith.constant 0 : i32
    %c0_i32_0 = arith.constant 0 : i32
    %c0_i32_1 = arith.constant 0 : i32
    return %c0_i32, %c0_i32_0 : i32, i32
  }
  func.func @transform_15(%arg0: i32) -> (i32, i32) {
    %c0_i32 = arith.constant 0 : i32
    %c0_i32_0 = arith.constant 0 : i32
    %c0_i32_1 = arith.constant 0 : i32
    return %c0_i32, %c0_i32_0 : i32, i32
  }
  func.func @transform_16(%arg0: i32) -> (i32, i32) {
    %c0_i32 = arith.constant 0 : i32
    %c0_i32_0 = arith.constant 0 : i32
    %c0_i32_1 = arith.constant 0 : i32
    return %c0_i32, %c0_i32_0 : i32, i32
  }
  func.func @transform_17(%arg0: i32) -> (i32, i32) {
    %c0_i32 = arith.constant 0 : i32
    %c0_i32_0 = arith.constant 0 : i32
    %c0_i32_1 = arith.constant 0 : i32
    return %c0_i32, %c0_i32_0 : i32, i32
  }
  func.func @transform_18(%arg0: i32) -> (i32, i32) {
    %c0_i32 = arith.constant 0 : i32
    %c0_i32_0 = arith.constant 0 : i32
    %c0_i32_1 = arith.constant 0 : i32
    return %c0_i32, %c0_i32_0 : i32, i32
  }
  func.func @transform_19(%arg0: i32) -> (i32, i32) {
    %c0_i32 = arith.constant 0 : i32
    %c0_i32_0 = arith.constant 0 : i32
    %c0_i32_1 = arith.constant 0 : i32
    return %c0_i32, %c0_i32_0 : i32, i32
  }
  func.func @transform_20(%arg0: i32) -> (i32, i32) {
    %c0_i32 = arith.constant 0 : i32
    %c0_i32_0 = arith.constant 0 : i32
    %c0_i32_1 = arith.constant 0 : i32
    return %c0_i32, %c0_i32_0 : i32, i32
  }
  func.func @transform_21(%arg0: i32) -> (i32, i32) {
    %c0_i32 = arith.constant 0 : i32
    %c0_i32_0 = arith.constant 0 : i32
    %c0_i32_1 = arith.constant 0 : i32
    return %c0_i32, %c0_i32_0 : i32, i32
  }
  func.func @transform_22(%arg0: i32) -> (i32, i32) {
    %c0_i32 = arith.constant 0 : i32
    %c0_i32_0 = arith.constant 0 : i32
    return %arg0, %c0_i32 : i32, i32
  }
  func.func @transform_23(%arg0: i32) -> (i32, i32) {
    %c0_i32 = arith.constant 0 : i32
    %c0_i32_0 = arith.constant 0 : i32
    return %arg0, %c0_i32 : i32, i32
  }
}

module attributes {stable_mosaic.version = 14 : i64} {
  func.func @body(%arg0: i32, %arg1: memref<1000x128xf32, #tpu.memory_space<vmem>>, %arg2: memref<1000x128xf32, #tpu.memory_space<vmem>>, %arg3: memref<1000x128xf32, #tpu.memory_space<vmem>>) attributes {dimension_semantics = [#tpu.dimension_semantics<arbitrary>], iteration_bounds = array<i64: 10>, scalar_prefetch = 0 : i64, scratch_operands = 0 : i64, tpu.core_type = #tpu.core_type<tc>, window_params = [{transform_indices = @transform_0, window_bounds = array<i64: 1000, 128>}, {transform_indices = @transform_1, window_bounds = array<i64: 1000, 128>}, {transform_indices = @transform_2, window_bounds = array<i64: 1000, 128>}]} {
    %get3A = arith.constant 0 : index
    %get3A_0 = arith.constant 0 : index
    %get3A_1 = vector.load %arg1[%get3A, %get3A_0] : memref<1000x128xf32, #tpu.memory_space<vmem>>, vector<1000x128xf32>
    %get3A_2 = arith.constant 0 : index
    %get3A_3 = arith.constant 0 : index
    %get3A_4 = vector.load %arg2[%get3A_2, %get3A_3] : memref<1000x128xf32, #tpu.memory_space<vmem>>, vector<1000x128xf32>
    %add3A = arith.constant 1.000000e-16 : f32
    %add3A_5 = vector.broadcast %add3A : f32 to vector<1000x128xf32>
    %add3A_6 = arith.addf %get3A_4, %add3A_5 : vector<1000x128xf32>
    %div3A = arith.divf %get3A_1, %add3A_6 : vector<1000x128xf32>
    %swap3A = arith.constant 0 : index
    %swap3A_7 = arith.constant 0 : index
    %swap3A_8 = vector.load %arg3[%swap3A, %swap3A_7] : memref<1000x128xf32, #tpu.memory_space<vmem>>, vector<1000x128xf32>
    tpu.vector_store %arg3[%swap3A, %swap3A_7], %div3A {strides = array<i32>} : memref<1000x128xf32, #tpu.memory_space<vmem>>, vector<1000x128xf32>,
    return
  }
  func.func @transform_0(%arg0: i32) -> (i32, i32) {
    %c0_i32 = arith.constant 0 : i32
    %c0_i32_0 = arith.constant 0 : i32
    return %arg0, %c0_i32 : i32, i32
  }
  func.func @transform_1(%arg0: i32) -> (i32, i32) {
    %c0_i32 = arith.constant 0 : i32
    %c0_i32_0 = arith.constant 0 : i32
    return %arg0, %c0_i32 : i32, i32
  }
  func.func @transform_2(%arg0: i32) -> (i32, i32) {
    %c0_i32 = arith.constant 0 : i32
    %c0_i32_0 = arith.constant 0 : i32
    return %arg0, %c0_i32 : i32, i32
  }
}

</mosaic_0001>

<sc_bundles>
// kernel: kernel.6.cloned.1.call-start
scs
__scs_entry_jumppad:
0x0: {  	(pc) =	sbr.rel $0x88, $3  }
0x1: {  	(tag) =	ssettag $0x0;
	lr =	simm.s32 $0x1  }
0x2: {  	[smem:$0x3F90] =	sst lr;
	_ =	strace $0xD0000000  }
0x3: {  	_ = 	snop  }
0x4: {  	_ = 	snop  }
0x5: {  	_ = 	snop  }
0x6: {  	_ = 	snop  }
0x7: {  	_ = 	snop  }
__scs_overlays_trampoline_lowered:
0x8: {  	[smem:$0x3F9F] =	sst s0  }
0x9: {  	[smem:$0x3FA0] =	sst s1  }
0xa: {  	[smem:$0x3FA1] =	sst s2  }
0xb: {  	[smem:$0x3FA2] =	sst s3  }
0xc: {  	[smem:$0x3FA3] =	sst s4  }
0xd: {  	[smem:$0x3FA4] =	sst s5  }
0xe: {  	[smem:$0x3FA5] =	sst s6  }
0xf: {  	[smem:$0x3FA6] =	sst s7  }
0x10: {  	[smem:$0x3FA7] =	sst s8  }
0x11: {  	[smem:$0x3FA8] =	sst s9;
	s0 =	simm.s32 @!p0 $0x0  }
0x12: {  	s1 =	sld [smem:$0x3F8E];
	s0 =	simm.s32 @p0 $0x1  }
0x13: {  	[smem:$0x3FA9] =	sst s0;
	s0 =	simm.s32 @!p1 $0x0  }
0x14: {  	s2 =	sld [smem:$0x3F8D];
	s0 =	simm.s32 @p1 $0x1  }
0x15: {  	[smem:$0x3FAA] =	sst s0;
	s0 =	simm.s32 @!p2 $0x0  }
0x16: {  	s3 =	sld [smem:$0x3FDB];
	s0 =	simm.s32 @p2 $0x1  }
0x17: {  	s4 =	simm.s32 $0x1BF5;
	[smem:$0x3FAC] =	sst s0  }
0x18: {  	s0 =	sld [smem:$0x3F8F];
	_ =	swait.ge [sflag:s4], $0x0  }
0x19: {  	s7 =	sld [smem:$0x3F90]  }
0x1a: {  	s8 =	sadd.s32 $0xFFFFE003, lr  }
0x1b: {  	s9 =	sadd.s32 $0xFFFFFEF7, lr;
	s5 =	simm.s32 $0xFFFFFFFF;
	p2 =	slt.u32 s8, $0xFFFFF086  }
0x1c: {  	p1 =	slt.u32 s9, $0xF7A;
	s5 =	simm.s32 @!p2 $0x0  }
0x1d: {  	s5 =	simm.s32 @p1 $0x1;
	p0 =	seq.s32 s7, s2  }
0x1e: {  	s7 =	smul.u32 @!p0 $0xF7A, s2;
	p2 =	seq.s32 @!p0 s5, $0x0  }
0x1f: {  	s9 =	smul.u32 $0xF7A, s1;
	s8 =	simm.s32 @!p0 $0x1BF5;
	p2 =	por !p2, p0  }
0x20: {  	[sflag:s8] =	ssyncset.s32 @!p0 $0xFFFFF086;
	s6 =	sadd.s32 @!p0 s3, s7;
	s7 =	simm.s32 @!p0 $0x108  }
0x21: {  	s3 =	sadd.s32 s3, s9;
	s6 =	sadd.s32 @!p0 $0x88, s6;
	s7 =	simm.s32 @p2 $0x1082  }
0x22: {  	[simem:s7], [sflag:s8] =	dma.local @!p0 [hbm:s6], $0xF7A  }
0x23: {  	s9 =	sor.u32 $0xD0000000, s2;
	s6 =	simm.s32 $0x108;
	_ =	swait.ge @!p0 [sflag:s8], $0x0  }
0x24: {  	s3 =	sadd.s32 $0x88, s3;
	s6 =	simm.s32 @!p1 $0x1082;
	[sflag:s4] =	ssyncset.s32 $0xFFFFF086  }
0x25: {  	[simem:s6], [sflag:s4] =	dma.local [hbm:s3], $0xF7A  }
0x26: {  	[smem:$0x3F90] =	sst s1;
	(tag) =	ssettag s2;
	_ =	strace s9  }
0x27: {  	s1 =	sld [smem:$0x3FA0]  }
0x28: {  	s2 =	sld [smem:$0x3FA1]  }
0x29: {  	s4 =	sld [smem:$0x3FA3]  }
0x2a: {  	p0 =	seq.s32 s5, $0x0;
	s5 =	sld [smem:$0x3FA4]  }
0x2b: {  	s6 =	sld [smem:$0x3FA5]  }
0x2c: {  	s7 =	sld [smem:$0x3FA6]  }
0x2d: {  	s3 =	simm.s32 $0x108;
	s8 =	sld [smem:$0x3FA7]  }
0x2e: {  	s3 =	simm.s32 @!p0 $0x1082;
	s9 =	sld [smem:$0x3FA8]  }
0x2f: {  	lr =	sadd.s32 s0, s3;
	s0 =	sld [smem:$0x3F9F]  }
0x30: {  	s3 =	sld [smem:$0x3FA2]  }
0x31: {  	[smem:$0x3FAB] =	sst s10  }
0x32: {  	s10 =	sld [smem:$0x3FA9];
	_ =	sdelay $0x3  }
0x33: {  	p0 =	seq.s32 s10, $0x1;
	s10 =	sld [smem:$0x3FAB];
	_ =	sdelay $0x3  }
0x34: {  	[smem:$0x3FAB] =	sst s10  }
0x35: {  	s10 =	sld [smem:$0x3FAA];
	_ =	sdelay $0x3  }
0x36: {  	p1 =	seq.s32 s10, $0x1;
	s10 =	sld [smem:$0x3FAB];
	_ =	sdelay $0x3  }
0x37: {  	[smem:$0x3FAB] =	sst s10  }
0x38: {  	s10 =	sld [smem:$0x3FAC]  }
0x39: {  	_ = 	snop;
	(pc) =	sbr.ind lr, $3  }
0x3a: {  	_ = 	snop  }
0x3b: {  	_ = 	snop  }
0x3c: {  	p2 =	seq.s32 s10, $0x1;
	s10 =	sld [smem:$0x3FAB]  }
0x3d: {  	_ =	shalt  }
0x3e: {  	_ =	shalt  }
0x3f: {  	_ =	shalt  }
0x40: {  	_ =	shalt  }
0x41: {  	_ =	shalt  }
0x42: {  	_ =	shalt  }
0x43: {  	_ =	shalt  }
0x44: {  	_ =	shalt  }
0x45: {  	_ =	shalt  }
0x46: {  	_ =	shalt  }
0x47: {  	_ =	shalt  }
0x48: {  	_ =	shalt  }
0x49: {  	_ =	shalt  }
0x4a: {  	_ =	shalt  }
0x4b: {  	_ =	shalt  }
0x4c: {  	_ =	shalt  }
0x4d: {  	_ =	shalt  }
0x4e: {  	_ =	shalt  }
0x4f: {  	_ =	shalt  }
0x50: {  	_ =	shalt  }
0x51: {  	_ =	shalt  }
0x52: {  	_ =	shalt  }
0x53: {  	_ =	shalt  }
0x54: {  	_ =	shalt  }
0x55: {  	_ =	shalt  }
0x56: {  	_ =	shalt  }
0x57: {  	_ =	shalt  }
0x58: {  	_ =	shalt  }
0x59: {  	_ =	shalt  }
0x5a: {  	_ =	shalt  }
0x5b: {  	_ =	shalt  }
0x5c: {  	_ =	shalt  }
0x5d: {  	_ =	shalt  }
0x5e: {  	_ =	shalt  }
0x5f: {  	_ =	shalt  }
0x60: {  	_ =	shalt  }
0x61: {  	_ =	shalt  }
0x62: {  	_ =	shalt  }
0x63: {  	_ =	shalt  }
0x64: {  	_ =	shalt  }
0x65: {  	_ =	shalt  }
0x66: {  	_ =	shalt  }
0x67: {  	_ =	shalt  }
0x68: {  	_ =	shalt  }
0x69: {  	_ =	shalt  }
0x6a: {  	_ =	shalt  }
0x6b: {  	_ =	shalt  }
0x6c: {  	_ =	shalt  }
0x6d: {  	_ =	shalt  }
0x6e: {  	_ =	shalt  }
0x6f: {  	_ =	shalt  }
0x70: {  	_ =	shalt  }
0x71: {  	_ =	shalt  }
0x72: {  	_ =	shalt  }
0x73: {  	_ =	shalt  }
0x74: {  	_ =	shalt  }
0x75: {  	_ =	shalt  }
0x76: {  	_ =	shalt  }
0x77: {  	_ =	shalt  }
0x78: {  	_ =	shalt  }
0x79: {  	_ =	shalt  }
0x7a: {  	_ =	shalt  }
0x7b: {  	_ =	shalt  }
0x7c: {  	_ =	shalt  }
0x7d: {  	_ =	shalt  }
0x7e: {  	_ =	shalt  }
0x7f: {  	_ =	shalt  }
0x80: {  	_ =	shalt  }
0x81: {  	_ =	shalt  }
0x82: {  	_ =	shalt  }
0x83: {  	_ =	shalt  }
0x84: {  	_ =	shalt  }
0x85: {  	_ =	shalt  }
0x86: {  	_ =	shalt  }
0x87: {  	_ =	shalt  }
.Lfunc_end0:
.L_simem_size_0:
called_computation_lowered:
.L_overlay_start_0:
0x88: {  	s2 =	sld [smem:$0x3FD9]  }
0x89: {  	s3 =	sld [smem:$0x3FFE];
	_ =	sdelay $0x1  }
0x8a: {  	s1 =	srdreg.scid  }
0x8b: {  	s0 =	sand.u32 $0x1, s1  }
0x8c: {  	s17 =	sshll.u32 s0, $0xA;
	s2 =	sadd.s32 s3, s2  }
0x8d: {  	s2 =	sadd.s32 s2, s17  }
0x8e: {  	[smem:$0x3FB7] =	sst s2  }
0x8f: {  	_ = 	snop  }
0x90: {  	s2 =	sld [smem:$0x3FC6]  }
0x91: {  	s18 =	sld [smem:$0x3FD0];
	(tm) =	ssettm $0x1  }
0x92: {  	s4 =	sld [smem:$0x3FFB];
	_ =	sdelay $0x3  }
0x93: {  	_ =	strace s4  }
0x94: {  	s4 =	sld [smem:$0x3FFC];
	_ =	sdelay $0x3  }
0x95: {  	_ =	strace s4  }
0x96: {  	s4 =	sld [smem:$0x3FFD];
	_ =	sdelay $0x3  }
0x97: {  	_ =	strace s4  }
0x98: {  	_ =	strace $0x8FFFFFFF  }
0x99: {  	s19 =	sld [smem:$0x3FDB];
	_ =	sdelay $0x1  }
0x9a: {  	s5 =	simm.s32 $_scs_section_size  }
0x9b: {  	s6 =	simm.s32 $_size__tile_overlayer_lowered;
	s7 =	simm.s32 $_tile_overlayer_lowered  }
0x9c: {  	s22 =	simm.s32 $0x1BFF;
	s21 =	sshll.u32 s7, $0x1;
	s4 =	sadd.s32 s5, s19  }
0x9d: {  	s8 =	simm.s32 $0x0;
	s20 =	sshll.u32 s6, $0x1;
	s6 =	sadd.s32 s21, s4  }
0x9e: {  	[timem:s8], [sflag:s22] =	dma.local [hbm:s6], s20  }
0x9f: {  	_ =	swait.ge [sflag:s22], s20  }
0xa0: {  	s5 =	ssub.s32 $0x0, s20;
	[sflag:s22] =	ssyncset.done $0x0  }
0xa1: {  	[sflag:s22] =	ssyncadd.s32 s5;
	_ =	sdelay $0x1  }
0xa2: {  	s23 =	simm.s32 $0x1B8B  }
0xa3: {  	_ =	swait.ge [sflag:s23], $0x1  }
0xa4: {  	[sflag:s23] =	ssyncset.done $0x0  }
0xa5: {  	s25 =	simm.s32 $0x1B8E;
	s24 =	sld [smem:$0x3FFE];
	[sflag:s23] =	ssyncadd.s32 $0xFFFFFFFF  }
0xa6: {  	s26 =	simm.s32 $execute0_lowered;
	[smem:$0x3FD2] =	sst s25  }
0xa7: {  	s6 =	sshll.u32 s26, $0x1;
	_ =	strace $0x80000046;
	[dreg:$0x1] =	wrdreg $0xFFFFFFFF  }
0xa8: {  	s28 =	simm.s32 $_size_execute0_lowered;
	s4 =	sadd.s32 s4, s6;
	[dreg:$0x0] =	wrdreg $0x0  }
0xa9: {  	s6 =	sshll.u32 s28, $0x1;
	[dreg:$0x2] =	wrdreg s4  }
0xaa: {  	[dreg:$0x3] =	wrdreg s6  }
0xab: {  	[dreg:$0x4] =	wrdreg $0xC0  }
0xac: {  	_ =	task [dreg:s8], $0x5FFFF  }
0xad: {  	[dreg:$0x1] =	wrdreg $0xFFFFFFFF  }
0xae: {  	[dreg:$0x0] =	wrdreg $0x60  }
0xaf: {  	[dreg:$0x2] =	wrdreg s2  }
0xb0: {  	[dreg:$0x3] =	wrdreg s24  }
0xb1: {  	[dreg:$0x4] =	wrdreg s18  }
0xb2: {  	[dreg:$0x5] =	wrdreg $0x9  }
0xb3: {  	_ =	task.clear_ibuf [dreg:s8], $0x6FFFF;
	_ =	strace $0x90000046  }
0xb4: {  	s29 =	simm.s32 $0x9;
	_ =	strace $0x80000048  }
0xb5: {  	_ =	swait.ge [sflag:s29], $0x1  }
0xb6: {  	[sflag:s29] =	ssyncadd.s32 $0xFFFFFFFF  }
0xb7: {  	_ =	strace $0x90000048  }
0xb8: {  	_ =	sfence  }
0xb9: {  	s30 =	sld [smem:$0x0];
	_ =	sdelay $0x2  }
0xba: {  	s31 =	sshll.u32 s1, $0xD;
	s1 =	sshrl.u32 s1, $0x2  }
0xbb: {  	s3 =	sand.u32 $0x4000, s31;
	s1 =	sadd.s32 s1, s30  }
0xbc: {  	s0 =	sor.u32 s3, s0;
	s1 =	sshll.u32 s1, $0x11  }
0xbd: {  	s0 =	sor.u32 s1, s0  }
0xbe: {  	s0 =	sadd.s32 $0x8F2B, s0  }
0xbf: {  	[sflag:s0] =	ssyncadd.remote.s32 $0x1  }
0xc0: {  	_ =	sfence.sel $0xFFFF  }
0xc1: {  	[dreg:$0x0] =	wrdreg $0xFFFFFFFF;
	(pc) =	sbr.abs _section_cstart, $3  }
0xc2: {  	[dreg:$0x1] =	wrdreg $0xFFFFFFFF  }
0xc3: {  	_ =	task.clear_ibuf [dreg:s8], $0x2FFFF;
	_ =	strace $0x9FFFFFFF  }
0xc4: {  	(tm) =	ssettm $0x7FFFFFFF  }
0xc5: {  	_ =	shalt  }
tec
execute0_lowered:
.L_overlay_start_1:
0x0: {  	(tag) =	ssettag $0x1  }
0x1: {  	s1 =	rddreg [dreg:$0x0]  }
0x2: {  	s0 =	rddreg [dreg:$0x1]  }
0x3: {  	s3 =	rddreg [dreg:$0x2];
	s4 =	simm.s32 $0x0  }
0x4: {  	s9 =	stileid.u32;
	s2 =	srdreg.scid;
	s16 =	simm.s32 $0x100  }
0x5: {  	s19 =	simm.s32 $0x50;
	s20 =	simm.s32 $0x200;
	s21 =	simm.s32 $0x5200  }
0x6: {  	s22 =	simm.s32 $0x3;
	s23 =	simm.s32 $0x5;
	s24 =	simm.s32 $0x7  }
0x7: {  	s25 =	simm.s32 $0x8;
	[smem:$0x7FF] =	sst s4;
	s6 =	smul.u32 $0x4E200, s9  }
0x8: {  	s2 =	sand.u32 $0x1, s2;
	s5 =	sshll.u32 s9, $0x1;
	s9 =	smul.u32 $0x4E20, s9  }
0x9: {  	_ =	strace $0x80000047;
	s7 =	sor.u32 s2, s5;
	s11 =	smul.u32 $0x2710, s2  }
0xa: {  	s5 =	sadd.s32 $0x2800, s0;
	s8 =	ssub.s32 $0x2, s2;
	s2 =	smul.u32 $0x27100, s2  }
0xb: {  	s7 =	smul.u32 $0x2710, s7;
	s0 =	sadd.s32 s6, s0;
	s26 =	sshrl.u32 s8, $0x1  }
0xc: {  	s10 =	ssub.s32 s8, s26;
	s15 =	sadd.s32 s11, s9;
	s0 =	sadd.s32 s2, s0  }
0xd: {  	s26 =	simm.s32 $0x0;
	s7 =	sshrl.u32 s7, $0x3;
	s31 =	sadd.s32 $0xF0, s15  }
0xe: {  	s10 =	smax.u32 s10, $0x1;
	s11 =	sadd.s32 $0xC600, s0;
	s28 =	sadd.s32 s5, s7  }
0xf: {  	s15 =	sadd.s32 $0xA0, s15;
	s29 =	sadd.s32 s3, s7;
	[dreg:$0x4] =	wrdreg s28  }
0x10: {  	s12 =	sadd.s32 $0xA, s7;
	s2 =	sshrl.u32 s31, $0x3;
	[dreg:$0x5] =	wrdreg s29  }
0x11: {  	s30 =	sadd.s32 s5, s12;
	s9 =	sadd.s32 s3, s12;
	s12 =	sadd.s32 $0x4EE600, s0  }
0x12: {  	s13 =	sadd.s32 s2, s3;
	s14 =	sadd.s32 s2, s5;
	[dreg:$0x6] =	wrdreg s30  }
.LBB2_1:
0x13: {  	s0 =	rddreg [dreg:$0x4]  }
0x14: {  	[tilespmem:s4], [sflag:$0x1] =	stream.linear.gather [hbm4b:s0+s4], $0x50, $0x38;
	[tilespmem:$0xA200] =	vst v63  }
0x15: {  	s8 =	rddreg [dreg:$0x5]  }
0x16: {  	[tilespmem:s16], [sflag:$0x1] =	stream.linear.gather [hbm4b:s8+s4], $0x50, $0x38;
	[tilespmem:$0xA200] =	vst v63  }
0x17: {  	s17 =	rddreg [dreg:$0x6];
	s2 =	simm.s32 $0x80  }
0x18: {  	[tilespmem:s2], [sflag:$0x2] =	stream.linear.gather [hbm4b:s17+s4], $0x50, $0x38;
	[tilespmem:$0xA200] =	vst v63  }
0x19: {  	s18 =	simm.s32 $0x180;
	s28 =	simm.s32 $0x1  }
0x1a: {  	[tilespmem:s18], [sflag:$0x2] =	stream.linear.gather [hbm4b:s9+s4], $0x50, $0x38;
	[tilespmem:$0xA200] =	vst v63  }
0x1b: {  	_ =	swait.ge [sflag:s28], $0x50  }
0x1c: {  	[sflag:s28] =	ssyncset.done $0x0  }
0x1d: {  	[sflag:s28] =	ssyncadd.s32 $0xFFFFFFB0  }
0x1e: {  	_ =	swait.ge [sflag:s28], $0x50  }
0x1f: {  	[sflag:s28] =	ssyncset.done $0x0  }
0x20: {  	s29 =	smov.u32 s15;
	s30 =	smov.u32 s14;
	[sflag:s28] =	ssyncadd.s32 $0xFFFFFFB0  }
0x21: {  	[tilespmem:s20], [sflag:$0x3] =	stream.indirect.gather [hbm4b:s1+s19], $0x80, s4, s19, $0xb8;
	[tilespmem:$0xA200] =	vst v63  }
0x22: {  	s31 =	smov.u32 s13;
	s0 =	simm.s32 $0x0;
	s2 =	simm.s32 $0x0  }
0x23: {  	[tilespmem:s21], [sflag:$0x5] =	stream.indirect.gather [hbm4b:s1+s19], $0x80, s16, s19, $0xb8;
	[tilespmem:$0xA200] =	vst v63  }
.LBB2_2:
0x24: {  	_ =	swait.ge [sflag:s22], $0x2800  }
0x25: {  	[sflag:s22] =	ssyncset.done $0x0  }
0x26: {  	[sflag:s22] =	ssyncadd.s32 $0xFFFFD800  }
0x27: {  	_ =	swait.ge [sflag:s23], $0x2800  }
0x28: {  	[sflag:s23] =	ssyncset.done $0x0  }
0x29: {  	s17 =	sadd.s32 s0, s11;
	p0 =	seq.s32 s0, $0x26C00;
	[sflag:s23] =	ssyncadd.s32 $0xFFFFD800  }
0x2a: {  	[hbm4b:s17+s4] =	stream.linear.scatter [tilespmem:s20], [sflag:$0x7], $0x2800, $0x38;
	[tilespmem:$0xA200] =	vst v63  }
0x2b: {  	s18 =	sadd.s32 s0, s12;
	s17 =	sshrl.u32 @!p0 s29, $0x3  }
0x2c: {  	[hbm4b:s18+s4] =	stream.linear.scatter [tilespmem:s21], [sflag:$0x7], $0x2800, $0x38;
	[tilespmem:$0xA200] =	vst v63  }
0x2d: {  	s6 =	simm.s32 @!p0 $0x0;
	p2 =	sgt.u32 @!p0 s28, $0x7C;
	s18 =	sadd.s32 @!p0 s5, s17  }
0x2e: {  	[tilespmem:s6], [sflag:$0x1] =	stream.linear.gather @!p0 [hbm4b:s18+s6], $0x50, $0x38;
	[tilespmem:$0xA200] =	vst v63  }
0x2f: {  	p1 =	por p2, p0;
	s17 =	sadd.s32 @!p0 s3, s17;
	s18 =	simm.s32 @!p0 $0x100  }
0x30: {  	[tilespmem:s18], [sflag:$0x1] =	stream.linear.gather @!p0 [hbm4b:s17+s6], $0x50, $0x38;
	[tilespmem:$0xA200] =	vst v63  }
0x31: {  	s6 =	simm.s32 @!p1 $0x2  }
0x32: {  	_ =	swait.ge @!p1 [sflag:s6], $0x50  }
0x33: {  	[sflag:s6] =	ssyncset.done @!p1 $0x0  }
0x34: {  	p3 =	seq.s32 @!p1 s0, $0x0;
	[sflag:s6] =	ssyncadd.s32 @!p1 $0xFFFFFFB0  }
0x35: {  	p3 =	por @!p0 p3, p2;
	_ =	swait.ge @!p1 [sflag:s6], $0x50  }
0x36: {  	p3 =	por p3, p0;
	[sflag:s6] =	ssyncset.done @!p1 $0x0  }
0x37: {  	[sflag:s6] =	ssyncadd.s32 @!p1 $0xFFFFFFB0;
	s6 =	simm.s32 @!p3 $0x8  }
0x38: {  	_ =	swait.ge @!p3 [sflag:s6], $0x2800  }
0x39: {  	[sflag:s6] =	ssyncset.done @!p3 $0x0  }
0x3a: {  	[sflag:s6] =	ssyncadd.s32 @!p3 $0xFFFFD800  }
0x3b: {  	_ =	swait.ge @!p3 [sflag:s6], $0x2800  }
0x3c: {  	s17 =	simm.s32 @!p1 $0x80;
	[sflag:s6] =	ssyncset.done @!p3 $0x0  }
0x3d: {  	s18 =	simm.s32 @!p1 $0x2A00;
	[sflag:s6] =	ssyncadd.s32 @!p3 $0xFFFFD800;
	s6 =	simm.s32 @!p1 $0x50  }
0x3e: {  	[tilespmem:s18], [sflag:$0x4] =	stream.indirect.gather @!p1 [hbm4b:s1+s6], $0x80, s17, s6, $0xb8;
	[tilespmem:$0xA200] =	vst v63  }
0x3f: {  	s7 =	simm.s32 @!p1 $0x7A00;
	s17 =	simm.s32 @!p1 $0x180  }
0x40: {  	[tilespmem:s7], [sflag:$0x6] =	stream.indirect.gather @!p1 [hbm4b:s1+s6], $0x80, s17, s6, $0xb8;
	[tilespmem:$0xA200] =	vst v63  }
0x41: {  	s17 =	simm.s32 @!p1 $0x4  }
0x42: {  	_ =	swait.ge @!p1 [sflag:s17], $0x2800  }
0x43: {  	[sflag:s17] =	ssyncset.done @!p1 $0x0  }
0x44: {  	[sflag:s17] =	ssyncadd.s32 @!p1 $0xFFFFD800;
	s17 =	simm.s32 @!p1 $0x6  }
0x45: {  	s8 =	sadd.s32 @!p1 s0, s11;
	_ =	swait.ge @!p1 [sflag:s17], $0x2800  }
0x46: {  	s8 =	sadd.s32 @!p1 $0x500, s8;
	[sflag:s17] =	ssyncset.done @!p1 $0x0  }
0x47: {  	p3 =	sgt.u32 @!p1 s2, $0x3C;
	[sflag:s17] =	ssyncadd.s32 @!p1 $0xFFFFD800;
	s17 =	simm.s32 @!p1 $0x0  }
0x48: {  	[hbm4b:s8+s17] =	stream.linear.scatter @!p1 [tilespmem:s18], [sflag:$0x8], $0x2800, $0x38;
	[tilespmem:$0xA200] =	vst v63  }
0x49: {  	p2 =	por @!p0 p3, p2;
	s8 =	sadd.s32 @!p1 s0, s12  }
0x4a: {  	p2 =	por p2, p0;
	s8 =	sadd.s32 @!p1 $0x500, s8  }
0x4b: {  	[hbm4b:s8+s17] =	stream.linear.scatter @!p1 [tilespmem:s7], [sflag:$0x8], $0x2800, $0x38;
	[tilespmem:$0xA200] =	vst v63  }
0x4c: {  	s7 =	simm.s32 @!p2 $0x0;
	s8 =	simm.s32 @!p2 $0x80  }
0x4d: {  	[tilespmem:s8], [sflag:$0x2] =	stream.linear.gather @!p2 [hbm4b:s30+s7], $0x50, $0x38;
	[tilespmem:$0xA200] =	vst v63  }
0x4e: {  	s8 =	simm.s32 @!p2 $0x180  }
0x4f: {  	[tilespmem:s8], [sflag:$0x2] =	stream.linear.gather @!p2 [hbm4b:s31+s7], $0x50, $0x38;
	[tilespmem:$0xA200] =	vst v63  }
0x50: {  	s7 =	simm.s32 @!p1 $0x1  }
0x51: {  	_ =	swait.ge @!p1 [sflag:s7], $0x50  }
0x52: {  	[sflag:s7] =	ssyncset.done @!p1 $0x0  }
0x53: {  	[sflag:s7] =	ssyncadd.s32 @!p1 $0xFFFFFFB0  }
0x54: {  	_ =	swait.ge @!p1 [sflag:s7], $0x50  }
0x55: {  	[sflag:s7] =	ssyncset.done @!p1 $0x0  }
0x56: {  	[sflag:s7] =	ssyncadd.s32 @!p1 $0xFFFFFFB0;
	s7 =	simm.s32 @!p1 $0x7  }
0x57: {  	_ =	swait.ge @!p1 [sflag:s7], $0x2800  }
0x58: {  	[sflag:s7] =	ssyncset.done @!p1 $0x0  }
0x59: {  	[sflag:s7] =	ssyncadd.s32 @!p1 $0xFFFFD800  }
0x5a: {  	_ =	swait.ge @!p1 [sflag:s7], $0x2800  }
0x5b: {  	[sflag:s7] =	ssyncset.done @!p1 $0x0  }
0x5c: {  	[sflag:s7] =	ssyncadd.s32 @!p1 $0xFFFFD800;
	s7 =	simm.s32 @!p1 $0x200  }
0x5d: {  	[tilespmem:s7], [sflag:$0x3] =	stream.indirect.gather @!p1 [hbm4b:s1+s6], $0x80, s17, s6, $0xb8;
	[tilespmem:$0xA200] =	vst v63  }
0x5e: {  	s0 =	sadd.s32 @!p0 $0xA00, s0;
	s8 =	simm.s32 @!p1 $0x5200;
	s7 =	simm.s32 @!p1 $0x100  }
0x5f: {  	[tilespmem:s8], [sflag:$0x5] =	stream.indirect.gather @!p1 [hbm4b:s1+s6], $0x80, s7, s6, $0xb8;
	[tilespmem:$0xA200] =	vst v63  }
0x60: {  	p1 =	sne.s32 @!p0 s0, $0x27600  }
0x61: {  	p1 =	por p0, !p1  }
.Ltmp0:
0x62: {  	_ = 	snop;
	(pc) =	sbr.rel @!p1 .LBB2_2-.Ltmp0, $3  }
0x63: {  	_ =	sdelay $0x1  }
0x64: {  	s28 =	sadd.s32 @!p0 $0x2, s28;
	s29 =	sadd.s32 @!p0 $0xA0, s29  }
0x65: {  	s2 =	sadd.s32 @!p0 $0x1, s2;
	s30 =	sadd.s32 @!p0 $0x14, s30;
	s31 =	sadd.s32 @!p0 $0x14, s31  }
0x66: {  	_ =	swait.ge [sflag:s24], $0x2800  }
0x67: {  	[sflag:s24] =	ssyncset.done $0x0  }
0x68: {  	[sflag:s24] =	ssyncadd.s32 $0xFFFFD800  }
0x69: {  	_ =	swait.ge [sflag:s24], $0x2800  }
0x6a: {  	[sflag:s24] =	ssyncset.done $0x0  }
0x6b: {  	s26 =	sadd.s32 $0x1, s26;
	[sflag:s24] =	ssyncadd.s32 $0xFFFFD800  }
0x6c: {  	p0 =	sne.s32 s26, s10;
	_ =	swait.ge [sflag:s25], $0x2800  }
.Ltmp1:
0x6d: {  	[sflag:s25] =	ssyncset.done $0x0;
	(pc) =	sbr.rel @p0 .LBB2_1-.Ltmp1, $4  }
0x6e: {  	[sflag:s25] =	ssyncadd.s32 $0xFFFFD800  }
0x6f: {  	_ =	swait.ge [sflag:s25], $0x2800  }
0x70: {  	[sflag:s25] =	ssyncset.done $0x0  }
0x71: {  	[sflag:s25] =	ssyncadd.s32 $0xFFFFD800  }
0x72: {  	_ =	sfence.sel $0x180000  }
0x73: {  	[bflag:$0x0] =	sbarrier.arrive $0xFFFF  }
0x74: {  	_ =	strace $0x90000047  }
0x75: {  	s0 =	stileid.u32;
	[bflag:$0x2] =	sbarrier.arrive $0xFFFF  }
0x76: {  	p0 =	sne.s32 s0, $0x0;
	s0 =	rddreg [dreg:$0x3]  }
0x77: {  	s0 =	sadd.s32 @!p0 $0x100000, s0  }
0x78: {  	[sflag:s0] =	ssyncadd.tile.s32 @!p0 $0x1;
	_ =	shalt  }
.Lfunc_end2:
_tile_overlayer_lowered:
.L_overlay_start_2:
0x79: {  	(tag) =	ssettag $0x2  }
0x7a: {  	s0 =	rddreg [dreg:$0x0];
	s2 =	stileid.u32  }
0x7b: {  	s1 =	rddreg [dreg:$0x1];
	p0 =	sne.s32 s2, $0x0  }
0x7c: {  	s3 =	rddreg [dreg:$0x2];
	[bflag:$0x3] =	sbarrier.arrive $0xFFFF;
	s2 =	simm.s32 @!p0 $0x1C09  }
0x7d: {  	[timem:s3], [sflag:s2] =	dma.local @!p0 [hbm:s0], s1  }
0x7e: {  	s0 =	simm.s32 @!p0 $0x9  }
0x7f: {  	_ =	swait.ge @!p0 [sflag:s0], s1  }
0x80: {  	s1 =	ssub.s32 @!p0 $0x0, s1;
	[sflag:s0] =	ssyncset.done @!p0 $0x0  }
0x81: {  	[sflag:s0] =	ssyncadd.s32 @!p0 s1  }
0x82: {  	[bflag:$0x3] =	sbarrier.arrive $0xFFFF  }
0x83: {  	_ =	shalt  }

// kernel: kernel.9.cloned.1.call-start
scs
__scs_entry_jumppad:
0x0: {  	(pc) =	sbr.rel $0x88, $3  }
0x1: {  	(tag) =	ssettag $0x0;
	lr =	simm.s32 $0x1  }
0x2: {  	[smem:$0x3F90] =	sst lr;
	_ =	strace $0xD0000000  }
0x3: {  	_ = 	snop  }
0x4: {  	_ = 	snop  }
0x5: {  	_ = 	snop  }
0x6: {  	_ = 	snop  }
0x7: {  	_ = 	snop  }
__scs_overlays_trampoline_lowered:
0x8: {  	[smem:$0x3F9F] =	sst s0  }
0x9: {  	[smem:$0x3FA0] =	sst s1  }
0xa: {  	[smem:$0x3FA1] =	sst s2  }
0xb: {  	[smem:$0x3FA2] =	sst s3  }
0xc: {  	[smem:$0x3FA3] =	sst s4  }
0xd: {  	[smem:$0x3FA4] =	sst s5  }
0xe: {  	[smem:$0x3FA5] =	sst s6  }
0xf: {  	[smem:$0x3FA6] =	sst s7  }
0x10: {  	[smem:$0x3FA7] =	sst s8  }
0x11: {  	[smem:$0x3FA8] =	sst s9;
	s0 =	simm.s32 @!p0 $0x0  }
0x12: {  	s1 =	sld [smem:$0x3F8E];
	s0 =	simm.s32 @p0 $0x1  }
0x13: {  	[smem:$0x3FA9] =	sst s0;
	s0 =	simm.s32 @!p1 $0x0  }
0x14: {  	s2 =	sld [smem:$0x3F8D];
	s0 =	simm.s32 @p1 $0x1  }
0x15: {  	[smem:$0x3FAA] =	sst s0;
	s0 =	simm.s32 @!p2 $0x0  }
0x16: {  	s3 =	sld [smem:$0x3FDB];
	s0 =	simm.s32 @p2 $0x1  }
0x17: {  	s4 =	simm.s32 $0x1BF5;
	[smem:$0x3FAC] =	sst s0  }
0x18: {  	s0 =	sld [smem:$0x3F8F];
	_ =	swait.ge [sflag:s4], $0x0  }
0x19: {  	s7 =	sld [smem:$0x3F90]  }
0x1a: {  	s8 =	sadd.s32 $0xFFFFE003, lr  }
0x1b: {  	s9 =	sadd.s32 $0xFFFFFEF7, lr;
	s5 =	simm.s32 $0xFFFFFFFF;
	p2 =	slt.u32 s8, $0xFFFFF086  }
0x1c: {  	p1 =	slt.u32 s9, $0xF7A;
	s5 =	simm.s32 @!p2 $0x0  }
0x1d: {  	s5 =	simm.s32 @p1 $0x1;
	p0 =	seq.s32 s7, s2  }
0x1e: {  	s7 =	smul.u32 @!p0 $0xF7A, s2;
	p2 =	seq.s32 @!p0 s5, $0x0  }
0x1f: {  	s9 =	smul.u32 $0xF7A, s1;
	s8 =	simm.s32 @!p0 $0x1BF5;
	p2 =	por !p2, p0  }
0x20: {  	[sflag:s8] =	ssyncset.s32 @!p0 $0xFFFFF086;
	s6 =	sadd.s32 @!p0 s3, s7;
	s7 =	simm.s32 @!p0 $0x108  }
0x21: {  	s3 =	sadd.s32 s3, s9;
	s6 =	sadd.s32 @!p0 $0x88, s6;
	s7 =	simm.s32 @p2 $0x1082  }
0x22: {  	[simem:s7], [sflag:s8] =	dma.local @!p0 [hbm:s6], $0xF7A  }
0x23: {  	s9 =	sor.u32 $0xD0000000, s2;
	s6 =	simm.s32 $0x108;
	_ =	swait.ge @!p0 [sflag:s8], $0x0  }
0x24: {  	s3 =	sadd.s32 $0x88, s3;
	s6 =	simm.s32 @!p1 $0x1082;
	[sflag:s4] =	ssyncset.s32 $0xFFFFF086  }
0x25: {  	[simem:s6], [sflag:s4] =	dma.local [hbm:s3], $0xF7A  }
0x26: {  	[smem:$0x3F90] =	sst s1;
	(tag) =	ssettag s2;
	_ =	strace s9  }
0x27: {  	s1 =	sld [smem:$0x3FA0]  }
0x28: {  	s2 =	sld [smem:$0x3FA1]  }
0x29: {  	s4 =	sld [smem:$0x3FA3]  }
0x2a: {  	p0 =	seq.s32 s5, $0x0;
	s5 =	sld [smem:$0x3FA4]  }
0x2b: {  	s6 =	sld [smem:$0x3FA5]  }
0x2c: {  	s7 =	sld [smem:$0x3FA6]  }
0x2d: {  	s3 =	simm.s32 $0x108;
	s8 =	sld [smem:$0x3FA7]  }
0x2e: {  	s3 =	simm.s32 @!p0 $0x1082;
	s9 =	sld [smem:$0x3FA8]  }
0x2f: {  	lr =	sadd.s32 s0, s3;
	s0 =	sld [smem:$0x3F9F]  }
0x30: {  	s3 =	sld [smem:$0x3FA2]  }
0x31: {  	[smem:$0x3FAB] =	sst s10  }
0x32: {  	s10 =	sld [smem:$0x3FA9];
	_ =	sdelay $0x3  }
0x33: {  	p0 =	seq.s32 s10, $0x1;
	s10 =	sld [smem:$0x3FAB];
	_ =	sdelay $0x3  }
0x34: {  	[smem:$0x3FAB] =	sst s10  }
0x35: {  	s10 =	sld [smem:$0x3FAA];
	_ =	sdelay $0x3  }
0x36: {  	p1 =	seq.s32 s10, $0x1;
	s10 =	sld [smem:$0x3FAB];
	_ =	sdelay $0x3  }
0x37: {  	[smem:$0x3FAB] =	sst s10  }
0x38: {  	s10 =	sld [smem:$0x3FAC]  }
0x39: {  	_ = 	snop;
	(pc) =	sbr.ind lr, $3  }
0x3a: {  	_ = 	snop  }
0x3b: {  	_ = 	snop  }
0x3c: {  	p2 =	seq.s32 s10, $0x1;
	s10 =	sld [smem:$0x3FAB]  }
0x3d: {  	_ =	shalt  }
0x3e: {  	_ =	shalt  }
0x3f: {  	_ =	shalt  }
0x40: {  	_ =	shalt  }
0x41: {  	_ =	shalt  }
0x42: {  	_ =	shalt  }
0x43: {  	_ =	shalt  }
0x44: {  	_ =	shalt  }
0x45: {  	_ =	shalt  }
0x46: {  	_ =	shalt  }
0x47: {  	_ =	shalt  }
0x48: {  	_ =	shalt  }
0x49: {  	_ =	shalt  }
0x4a: {  	_ =	shalt  }
0x4b: {  	_ =	shalt  }
0x4c: {  	_ =	shalt  }
0x4d: {  	_ =	shalt  }
0x4e: {  	_ =	shalt  }
0x4f: {  	_ =	shalt  }
0x50: {  	_ =	shalt  }
0x51: {  	_ =	shalt  }
0x52: {  	_ =	shalt  }
0x53: {  	_ =	shalt  }
0x54: {  	_ =	shalt  }
0x55: {  	_ =	shalt  }
0x56: {  	_ =	shalt  }
0x57: {  	_ =	shalt  }
0x58: {  	_ =	shalt  }
0x59: {  	_ =	shalt  }
0x5a: {  	_ =	shalt  }
0x5b: {  	_ =	shalt  }
0x5c: {  	_ =	shalt  }
0x5d: {  	_ =	shalt  }
0x5e: {  	_ =	shalt  }
0x5f: {  	_ =	shalt  }
0x60: {  	_ =	shalt  }
0x61: {  	_ =	shalt  }
0x62: {  	_ =	shalt  }
0x63: {  	_ =	shalt  }
0x64: {  	_ =	shalt  }
0x65: {  	_ =	shalt  }
0x66: {  	_ =	shalt  }
0x67: {  	_ =	shalt  }
0x68: {  	_ =	shalt  }
0x69: {  	_ =	shalt  }
0x6a: {  	_ =	shalt  }
0x6b: {  	_ =	shalt  }
0x6c: {  	_ =	shalt  }
0x6d: {  	_ =	shalt  }
0x6e: {  	_ =	shalt  }
0x6f: {  	_ =	shalt  }
0x70: {  	_ =	shalt  }
0x71: {  	_ =	shalt  }
0x72: {  	_ =	shalt  }
0x73: {  	_ =	shalt  }
0x74: {  	_ =	shalt  }
0x75: {  	_ =	shalt  }
0x76: {  	_ =	shalt  }
0x77: {  	_ =	shalt  }
0x78: {  	_ =	shalt  }
0x79: {  	_ =	shalt  }
0x7a: {  	_ =	shalt  }
0x7b: {  	_ =	shalt  }
0x7c: {  	_ =	shalt  }
0x7d: {  	_ =	shalt  }
0x7e: {  	_ =	shalt  }
0x7f: {  	_ =	shalt  }
0x80: {  	_ =	shalt  }
0x81: {  	_ =	shalt  }
0x82: {  	_ =	shalt  }
0x83: {  	_ =	shalt  }
0x84: {  	_ =	shalt  }
0x85: {  	_ =	shalt  }
0x86: {  	_ =	shalt  }
0x87: {  	_ =	shalt  }
.Lfunc_end0:
.L_simem_size_0:
called_computation.1_lowered:
.L_overlay_start_0:
0x88: {  	s2 =	sld [smem:$0x3FD9]  }
0x89: {  	s3 =	sld [smem:$0x3FFE];
	_ =	sdelay $0x1  }
0x8a: {  	s1 =	srdreg.scid  }
0x8b: {  	s0 =	sand.u32 $0x1, s1  }
0x8c: {  	s17 =	sshll.u32 s0, $0xA;
	s2 =	sadd.s32 s3, s2  }
0x8d: {  	s2 =	sadd.s32 s2, s17  }
0x8e: {  	[smem:$0x3FB7] =	sst s2  }
0x8f: {  	_ = 	snop  }
0x90: {  	s2 =	sld [smem:$0x3FD0];
	(tm) =	ssettm $0x1  }
0x91: {  	s18 =	sld [smem:$0x3FFB];
	_ =	sdelay $0x3  }
0x92: {  	_ =	strace s18  }
0x93: {  	s3 =	sld [smem:$0x3FFC];
	_ =	sdelay $0x3  }
0x94: {  	_ =	strace s3  }
0x95: {  	s3 =	sld [smem:$0x3FFD];
	_ =	sdelay $0x3  }
0x96: {  	_ =	strace s3  }
0x97: {  	_ =	strace $0x8FFFFFFF  }
0x98: {  	s19 =	sld [smem:$0x3FDB];
	_ =	sdelay $0x1  }
0x99: {  	s4 =	simm.s32 $_scs_section_size  }
0x9a: {  	s5 =	simm.s32 $_size__tile_overlayer_lowered;
	s6 =	simm.s32 $_tile_overlayer_lowered  }
0x9b: {  	s22 =	simm.s32 $0x1BFF;
	s21 =	sshll.u32 s6, $0x1;
	s3 =	sadd.s32 s4, s19  }
0x9c: {  	s7 =	simm.s32 $0x0;
	s20 =	sshll.u32 s5, $0x1;
	s5 =	sadd.s32 s21, s3  }
0x9d: {  	[timem:s7], [sflag:s22] =	dma.local [hbm:s5], s20  }
0x9e: {  	_ =	swait.ge [sflag:s22], s20  }
0x9f: {  	s4 =	ssub.s32 $0x0, s20;
	[sflag:s22] =	ssyncset.done $0x0  }
0xa0: {  	[sflag:s22] =	ssyncadd.s32 s4;
	_ =	sdelay $0x1  }
0xa1: {  	s23 =	simm.s32 $0x1B8B  }
0xa2: {  	_ =	swait.ge [sflag:s23], $0x1  }
0xa3: {  	[sflag:s23] =	ssyncset.done $0x0  }
0xa4: {  	s25 =	simm.s32 $0x1B8E;
	s24 =	sld [smem:$0x3FFE];
	[sflag:s23] =	ssyncadd.s32 $0xFFFFFFFF  }
0xa5: {  	s26 =	simm.s32 $execute0_lowered;
	[smem:$0x3FD2] =	sst s25  }
0xa6: {  	s5 =	sshll.u32 s26, $0x1;
	_ =	strace $0x80000049;
	[dreg:$0x1] =	wrdreg $0xFFFFFFFF  }
0xa7: {  	s28 =	simm.s32 $_size_execute0_lowered;
	s3 =	sadd.s32 s3, s5;
	[dreg:$0x0] =	wrdreg $0x0  }
0xa8: {  	s5 =	sshll.u32 s28, $0x1;
	[dreg:$0x2] =	wrdreg s3  }
0xa9: {  	[dreg:$0x3] =	wrdreg s5  }
0xaa: {  	[dreg:$0x4] =	wrdreg $0xC0  }
0xab: {  	_ =	task [dreg:s7], $0x5FFFF  }
0xac: {  	[dreg:$0x1] =	wrdreg $0xFFFFFFFF  }
0xad: {  	[dreg:$0x0] =	wrdreg $0x60  }
0xae: {  	[dreg:$0x2] =	wrdreg s24  }
0xaf: {  	[dreg:$0x3] =	wrdreg s2  }
0xb0: {  	[dreg:$0x4] =	wrdreg $0x0  }
0xb1: {  	[dreg:$0x5] =	wrdreg $0x9  }
0xb2: {  	_ =	task.clear_ibuf [dreg:s7], $0x6FFFF;
	_ =	strace $0x90000049  }
0xb3: {  	s29 =	simm.s32 $0x9;
	_ =	strace $0x8000004B  }
0xb4: {  	_ =	swait.ge [sflag:s29], $0x1  }
0xb5: {  	[sflag:s29] =	ssyncadd.s32 $0xFFFFFFFF  }
0xb6: {  	_ =	strace $0x9000004B  }
0xb7: {  	_ =	sfence  }
0xb8: {  	s30 =	sld [smem:$0x0];
	_ =	sdelay $0x2  }
0xb9: {  	s31 =	sshll.u32 s1, $0xD;
	s1 =	sshrl.u32 s1, $0x2  }
0xba: {  	s3 =	sand.u32 $0x4000, s31;
	s1 =	sadd.s32 s1, s30  }
0xbb: {  	s0 =	sor.u32 s3, s0;
	s1 =	sshll.u32 s1, $0x11  }
0xbc: {  	s0 =	sor.u32 s1, s0  }
0xbd: {  	s0 =	sadd.s32 $0x8F2B, s0  }
0xbe: {  	[sflag:s0] =	ssyncadd.remote.s32 $0x1  }
0xbf: {  	_ =	sfence.sel $0xFFFF  }
0xc0: {  	[dreg:$0x0] =	wrdreg $0xFFFFFFFF;
	(pc) =	sbr.abs _section_cstart, $3  }
0xc1: {  	[dreg:$0x1] =	wrdreg $0xFFFFFFFF  }
0xc2: {  	_ =	task.clear_ibuf [dreg:s7], $0x2FFFF;
	_ =	strace $0x9FFFFFFF  }
0xc3: {  	(tm) =	ssettm $0x7FFFFFFF  }
tec
execute0_lowered:
.L_overlay_start_1:
0x0: {  	(tag) =	ssettag $0x1  }
0x1: {  	s0 =	rddreg [dreg:$0x0]  }
0x2: {  	s3 =	rddreg [dreg:$0x1]  }
0x3: {  	s1 =	rddreg [dreg:$0x2];
	s2 =	simm.s32 $0x0;
	s6 =	srdreg.scid  }
0x4: {  	s17 =	stileid.u32;
	[smem:$0x7FF] =	sst s2;
	s4 =	sadd.s32 $0x1876A00, s0  }
0x5: {  	s5 =	sadd.s32 $0x1D58A00, s0;
	s7 =	sadd.s32 $0x2800, s0;
	s9 =	smul.u32 $0x4E20, s17  }
0x6: {  	s6 =	sand.u32 $0x1, s6;
	s16 =	sadd.s32 $0x2E00, s0;
	s10 =	smul.u32 $0x4E200, s17  }
0x7: {  	s11 =	smul.u32 $0x50000, s17;
	_ =	strace $0x8000004A;
	[dreg:$0x4] =	wrdreg s7  }
0x8: {  	s0 =	sadd.s32 $0x2AE00, s0;
	s23 =	smul.u32 $0x9C4, s17;
	[dreg:$0x5] =	wrdreg s16  }
0x9: {  	s18 =	ssub.s32 $0x2, s6;
	[dreg:$0x6] =	wrdreg s0;
	s7 =	smul.u32 $0x280, s17  }
0xa: {  	p0 =	sne.s32 s6, $0x0;
	s19 =	sshrl.u32 s18, $0x1;
	s8 =	sshrl.u32 s9, $0x3  }
0xb: {  	s13 =	sadd.s32 $0x50, s9;
	s14 =	sadd.s32 $0xA0, s9;
	s9 =	sadd.s32 s4, s10  }
0xc: {  	s20 =	sshrl.u32 s11, $0x2;
	s0 =	ssub.s32 s18, s19;
	s8 =	sadd.s32 s3, s8  }
0xd: {  	s15 =	sor.u32 $0x50, s7;
	s11 =	sadd.s32 s20, s1;
	s21 =	sshll.u32 s13, $0x4  }
0xe: {  	s16 =	sshll.u32 s14, $0x4;
	s13 =	sshrl.u32 s13, $0x3;
	s26 =	sshrl.u32 s14, $0x3  }
0xf: {  	s30 =	sadd.s32 $0x140, s7;
	[dreg:$0x7] =	wrdreg s8;
	s8 =	sadd.s32 s5, s10  }
0x10: {  	s12 =	sshll.u32 s15, $0x7;
	s0 =	smax.u32 s0, $0x1;
	s18 =	sadd.s32 s5, s21  }
0x11: {  	s5 =	sadd.s32 s5, s16;
	s22 =	sadd.s32 s4, s21;
	[dreg:$0x8] =	wrdreg s0  }
0x12: {  	s4 =	sadd.s32 s4, s16;
	s25 =	sadd.s32 s3, s13;
	[dreg:$0x9] =	wrdreg s18  }
0x13: {  	s10 =	sadd.s32 s3, s26;
	s3 =	sadd.s32 s23, s3;
	[dreg:$0xa] =	wrdreg s5  }
0x14: {  	s14 =	sshll.u32 s30, $0x7;
	s16 =	sadd.s32 $0x190, s7;
	[dreg:$0xb] =	wrdreg s22  }
0x15: {  	s30 =	sshll.u32 s30, $0x4;
	s13 =	simm.s32 $0x5;
	[dreg:$0xc] =	wrdreg s4  }
0x16: {  	s12 =	sadd.s32 s12, s1;
	s0 =	sadd.s32 $0xA0, s7;
	[dreg:$0xd] =	wrdreg s25  }
0x17: {  	[dreg:$0xe] =	wrdreg s10;
	s4 =	sadd.s32 $0xF0, s7;
	s21 =	sadd.s32 s14, s1  }
0x18: {  	s18 =	sadd.s32 $0x1E0, s7;
	s7 =	sadd.s32 $0x230, s7;
	s25 =	sshll.u32 s16, $0x7  }
0x19: {  	s5 =	sshll.u32 s16, $0x4;
	[dreg:$0x12] =	wrdreg s30;
	s28 =	sadd.s32 $0x28, s3  }
0x1a: {  	s14 =	simm.s32 $0x14000;
	s16 =	simm.s32 $0x50;
	s10 =	simm.s32 $0x2  }
0x1b: {  	s24 =	sshll.u32 s0, $0x7;
	s29 =	sshll.u32 s4, $0x7;
	s26 =	sshll.u32 s18, $0x7  }
0x1c: {  	s22 =	sadd.s32 s25, s1;
	s6 =	sshll.u32 s18, $0x4;
	[dreg:$0x11] =	wrdreg s5  }
0x1d: {  	s4 =	sshll.u32 s4, $0x4;
	s31 =	sshll.u32 s0, $0x4;
	s0 =	sshll.u32 s15, $0x4  }
0x1e: {  	s5 =	smul.u32 $0x2800, s17;
	s15 =	simm.s32 $0x1;
	s17 =	simm.s32 $0x3  }
.Ltmp0:
0x1f: {  	s18 =	simm.s32 $0x4;
	s25 =	simm.s32 $0x0;
	(pc) =	sbr.rel .LBB2_1-.Ltmp0, $4  }
0x20: {  	s19 =	sadd.s32 s24, s1;
	s20 =	sadd.s32 s29, s1;
	s23 =	sadd.s32 s26, s1  }
0x21: {  	s29 =	sshll.u32 s7, $0x7;
	s7 =	sshll.u32 s7, $0x4;
	[dreg:$0x10] =	wrdreg s6  }
0x22: {  	[dreg:$0x13] =	wrdreg s4;
	s6 =	simm.s32 $0x14100;
	s4 =	simm.s32 $0x14080  }
0x23: {  	s24 =	sadd.s32 s29, s1;
	[dreg:$0xf] =	wrdreg s7;
	s7 =	simm.s32 $0x16900  }
.LBB2_8:
0x24: {  	s26 =	rddreg [dreg:$0x6]  }
.LBB2_9:
0x25: {  	_ =	swait.ge [sflag:s18], $0x2800  }
0x26: {  	[sflag:s18] =	ssyncset.done $0x0  }
0x27: {  	[sflag:s18] =	ssyncadd.s32 $0xFFFFD800  }
0x28: {  	[bflag:$0x0] =	sbarrier.arrive $0xFFFF  }
0x29: {  	[tilespmem:s6], [sflag:$0x5] =	stream.linear.gather [spmem:s11], $0x2800, $0x38;
	[tilespmem:$0x19100] =	vst v63  }
0x2a: {  	_ =	swait.ge [sflag:s13], $0x2800  }
0x2b: {  	[sflag:s13] =	ssyncset.done $0x0  }
0x2c: {  	s3 =	sadd.s32 s26, s5;
	[sflag:s13] =	ssyncadd.s32 $0xFFFFD800  }
0x2d: {  	[hbm4b:s3+s2] =	stream.linear.scatter [tilespmem:s6], [sflag:$0x5], $0x2800, $0x38;
	[tilespmem:$0x19100] =	vst v63  }
0x2e: {  	_ =	swait.ge [sflag:s13], $0x2800  }
0x2f: {  	[sflag:s13] =	ssyncset.done $0x0  }
0x30: {  	[sflag:s13] =	ssyncadd.s32 $0xFFFFD800  }
0x31: {  	[tilespmem:s6], [sflag:$0x5] =	stream.linear.gather [spmem:s12], $0x2800, $0x38;
	[tilespmem:$0x19100] =	vst v63  }
0x32: {  	_ =	swait.ge [sflag:s13], $0x2800  }
0x33: {  	[sflag:s13] =	ssyncset.done $0x0  }
0x34: {  	s29 =	sadd.s32 s26, s0;
	[sflag:s13] =	ssyncadd.s32 $0xFFFFD800  }
0x35: {  	[hbm4b:s29+s2] =	stream.linear.scatter [tilespmem:s6], [sflag:$0x5], $0x2800, $0x38;
	[tilespmem:$0x19100] =	vst v63  }
0x36: {  	_ =	swait.ge [sflag:s13], $0x2800  }
0x37: {  	[sflag:s13] =	ssyncset.done $0x0  }
0x38: {  	[sflag:s13] =	ssyncadd.s32 $0xFFFFD800  }
0x39: {  	[tilespmem:s6], [sflag:$0x5] =	stream.linear.gather [spmem:s19], $0x2800, $0x38;
	[tilespmem:$0x19100] =	vst v63  }
0x3a: {  	_ =	swait.ge [sflag:s13], $0x2800  }
0x3b: {  	[sflag:s13] =	ssyncset.done $0x0  }
0x3c: {  	s30 =	sadd.s32 s26, s31;
	[sflag:s13] =	ssyncadd.s32 $0xFFFFD800  }
0x3d: {  	[hbm4b:s30+s2] =	stream.linear.scatter [tilespmem:s6], [sflag:$0x5], $0x2800, $0x38;
	[tilespmem:$0x19100] =	vst v63  }
0x3e: {  	_ =	swait.ge [sflag:s13], $0x2800  }
0x3f: {  	[sflag:s13] =	ssyncset.done $0x0  }
0x40: {  	[sflag:s13] =	ssyncadd.s32 $0xFFFFD800  }
0x41: {  	[tilespmem:s6], [sflag:$0x5] =	stream.linear.gather [spmem:s20], $0x2800, $0x38;
	[tilespmem:$0x19100] =	vst v63  }
0x42: {  	_ =	swait.ge [sflag:s13], $0x2800  }
0x43: {  	[sflag:s13] =	ssyncset.done $0x0;
	s29 =	rddreg [dreg:$0x13]  }
0x44: {  	s3 =	sadd.s32 s26, s29;
	[sflag:s13] =	ssyncadd.s32 $0xFFFFD800  }
0x45: {  	[hbm4b:s3+s2] =	stream.linear.scatter [tilespmem:s6], [sflag:$0x5], $0x2800, $0x38;
	[tilespmem:$0x19100] =	vst v63  }
0x46: {  	_ =	swait.ge [sflag:s13], $0x2800  }
0x47: {  	[sflag:s13] =	ssyncset.done $0x0  }
0x48: {  	[sflag:s13] =	ssyncadd.s32 $0xFFFFD800  }
0x49: {  	[tilespmem:s6], [sflag:$0x5] =	stream.linear.gather [spmem:s21], $0x2800, $0x38;
	[tilespmem:$0x19100] =	vst v63  }
0x4a: {  	_ =	swait.ge [sflag:s13], $0x2800  }
0x4b: {  	[sflag:s13] =	ssyncset.done $0x0;
	s30 =	rddreg [dreg:$0x12]  }
0x4c: {  	s3 =	sadd.s32 s26, s30;
	[sflag:s13] =	ssyncadd.s32 $0xFFFFD800  }
0x4d: {  	[hbm4b:s3+s2] =	stream.linear.scatter [tilespmem:s6], [sflag:$0x5], $0x2800, $0x38;
	[tilespmem:$0x19100] =	vst v63  }
0x4e: {  	_ =	swait.ge [sflag:s13], $0x2800  }
0x4f: {  	[sflag:s13] =	ssyncset.done $0x0  }
0x50: {  	[sflag:s13] =	ssyncadd.s32 $0xFFFFD800  }
0x51: {  	[tilespmem:s6], [sflag:$0x5] =	stream.linear.gather [spmem:s22], $0x2800, $0x38;
	[tilespmem:$0x19100] =	vst v63  }
0x52: {  	_ =	swait.ge [sflag:s13], $0x2800  }
0x53: {  	[sflag:s13] =	ssyncset.done $0x0;
	s29 =	rddreg [dreg:$0x11]  }
0x54: {  	s3 =	sadd.s32 s26, s29;
	[sflag:s13] =	ssyncadd.s32 $0xFFFFD800  }
0x55: {  	[hbm4b:s3+s2] =	stream.linear.scatter [tilespmem:s6], [sflag:$0x5], $0x2800, $0x38;
	[tilespmem:$0x19100] =	vst v63  }
0x56: {  	_ =	swait.ge [sflag:s13], $0x2800  }
0x57: {  	[sflag:s13] =	ssyncset.done $0x0  }
0x58: {  	[sflag:s13] =	ssyncadd.s32 $0xFFFFD800  }
0x59: {  	[tilespmem:s6], [sflag:$0x5] =	stream.linear.gather [spmem:s23], $0x2800, $0x38;
	[tilespmem:$0x19100] =	vst v63  }
0x5a: {  	_ =	swait.ge [sflag:s13], $0x2800  }
0x5b: {  	[sflag:s13] =	ssyncset.done $0x0;
	s30 =	rddreg [dreg:$0x10]  }
0x5c: {  	s3 =	sadd.s32 s26, s30;
	[sflag:s13] =	ssyncadd.s32 $0xFFFFD800  }
0x5d: {  	[hbm4b:s3+s2] =	stream.linear.scatter [tilespmem:s6], [sflag:$0x5], $0x2800, $0x38;
	[tilespmem:$0x19100] =	vst v63  }
0x5e: {  	_ =	swait.ge [sflag:s13], $0x2800  }
0x5f: {  	[sflag:s13] =	ssyncset.done $0x0  }
0x60: {  	[sflag:s13] =	ssyncadd.s32 $0xFFFFD800  }
0x61: {  	[tilespmem:s6], [sflag:$0x5] =	stream.linear.gather [spmem:s24], $0x2800, $0x38;
	[tilespmem:$0x19100] =	vst v63  }
0x62: {  	_ =	swait.ge [sflag:s13], $0x2800  }
0x63: {  	[sflag:s13] =	ssyncset.done $0x0;
	s29 =	rddreg [dreg:$0xf]  }
0x64: {  	s3 =	sadd.s32 s26, s29;
	[sflag:s13] =	ssyncadd.s32 $0xFFFFD800  }
0x65: {  	[hbm4b:s3+s2] =	stream.linear.scatter [tilespmem:s6], [sflag:$0x5], $0x2800, $0x38;
	[tilespmem:$0x19100] =	vst v63  }
0x66: {  	_ =	swait.ge [sflag:s13], $0x2800  }
0x67: {  	s25 =	sadd.s32 $0x1, s25;
	s30 =	rddreg [dreg:$0x8]  }
0x68: {  	p1 =	sne.s32 s25, s30  }
.Ltmp1:
0x69: {  	_ = 	snop;
	(pc) =	sbr.rel @!p1 .LBB2_10-.Ltmp1, $3  }
0x6a: {  	_ =	sdelay $0x1  }
0x6b: {  	[sflag:s13] =	ssyncset.done $0x0  }
0x6c: {  	[sflag:s13] =	ssyncadd.s32 $0xFFFFD800  }
.LBB2_1:
0x6d: {  	s3 =	rddreg [dreg:$0x4]  }
0x6e: {  	[tilespmem:s6], [sflag:$0x5] =	stream.linear.gather [hbm4b:s3+s2], $0x2800, $0x38;
	[tilespmem:$0x19100] =	vst v63  }
0x6f: {  	_ =	swait.ge [sflag:s13], $0x2800  }
0x70: {  	[sflag:s13] =	ssyncset.done $0x0  }
0x71: {  	[sflag:s13] =	ssyncadd.s32 $0xFFFFD800  }
0x72: {  	[spmem:s11] =	stream.linear.scatter [tilespmem:s6], [sflag:$0x5], $0x2800, $0x38;
	[tilespmem:$0x19100] =	vst v63  }
0x73: {  	_ =	swait.ge [sflag:s13], $0x2800  }
0x74: {  	[sflag:s13] =	ssyncset.done $0x0  }
0x75: {  	[sflag:s13] =	ssyncadd.s32 $0xFFFFD800  }
0x76: {  	[spmem:s12] =	stream.linear.scatter [tilespmem:s6], [sflag:$0x5], $0x2800, $0x38;
	[tilespmem:$0x19100] =	vst v63  }
0x77: {  	_ =	swait.ge [sflag:s13], $0x2800  }
0x78: {  	[sflag:s13] =	ssyncset.done $0x0  }
0x79: {  	[sflag:s13] =	ssyncadd.s32 $0xFFFFD800  }
0x7a: {  	[spmem:s19] =	stream.linear.scatter [tilespmem:s6], [sflag:$0x5], $0x2800, $0x38;
	[tilespmem:$0x19100] =	vst v63  }
0x7b: {  	_ =	swait.ge [sflag:s13], $0x2800  }
0x7c: {  	[sflag:s13] =	ssyncset.done $0x0  }
0x7d: {  	[sflag:s13] =	ssyncadd.s32 $0xFFFFD800  }
0x7e: {  	[spmem:s20] =	stream.linear.scatter [tilespmem:s6], [sflag:$0x5], $0x2800, $0x38;
	[tilespmem:$0x19100] =	vst v63  }
0x7f: {  	_ =	swait.ge [sflag:s13], $0x2800  }
0x80: {  	[sflag:s13] =	ssyncset.done $0x0  }
0x81: {  	[sflag:s13] =	ssyncadd.s32 $0xFFFFD800  }
0x82: {  	[spmem:s21] =	stream.linear.scatter [tilespmem:s6], [sflag:$0x5], $0x2800, $0x38;
	[tilespmem:$0x19100] =	vst v63  }
0x83: {  	_ =	swait.ge [sflag:s13], $0x2800  }
0x84: {  	[sflag:s13] =	ssyncset.done $0x0  }
0x85: {  	[sflag:s13] =	ssyncadd.s32 $0xFFFFD800  }
0x86: {  	[spmem:s22] =	stream.linear.scatter [tilespmem:s6], [sflag:$0x5], $0x2800, $0x38;
	[tilespmem:$0x19100] =	vst v63  }
0x87: {  	_ =	swait.ge [sflag:s13], $0x2800  }
0x88: {  	[sflag:s13] =	ssyncset.done $0x0  }
0x89: {  	[sflag:s13] =	ssyncadd.s32 $0xFFFFD800  }
0x8a: {  	[spmem:s23] =	stream.linear.scatter [tilespmem:s6], [sflag:$0x5], $0x2800, $0x38;
	[tilespmem:$0x19100] =	vst v63  }
0x8b: {  	_ =	swait.ge [sflag:s13], $0x2800  }
0x8c: {  	[sflag:s13] =	ssyncset.done $0x0  }
0x8d: {  	[sflag:s13] =	ssyncadd.s32 $0xFFFFD800  }
0x8e: {  	[spmem:s24] =	stream.linear.scatter [tilespmem:s6], [sflag:$0x5], $0x2800, $0x38;
	[tilespmem:$0x19100] =	vst v63  }
0x8f: {  	_ =	swait.ge [sflag:s13], $0x2800  }
.Ltmp2:
0x90: {  	[sflag:s13] =	ssyncset.done $0x0;
	(pc) =	sbr.rel @p0 .LBB2_6-.Ltmp2, $4  }
0x91: {  	[sflag:s13] =	ssyncadd.s32 $0xFFFFD800  }
0x92: {  	[bflag:$0x0] =	sbarrier.arrive $0xFFFF  }
0x93: {  	s26 =	simm.s32 $0x0;
	s30 =	rddreg [dreg:$0x7]  }
0x94: {  	[tilespmem:s14], [sflag:$0x1] =	stream.linear.gather [hbm4b:s30+s2], $0x50, $0x38;
	[tilespmem:$0x19100] =	vst v63  }
0x95: {  	[tilespmem:s6], [sflag:$0x1] =	stream.linear.gather [hbm4b:s9+s26], $0x2800, $0x38;
	[tilespmem:$0x19100] =	vst v63  }
0x96: {  	_ =	swait.ge [sflag:s15], $0x50  }
0x97: {  	[sflag:s15] =	ssyncset.done $0x0  }
0x98: {  	[sflag:s15] =	ssyncadd.s32 $0xFFFFFFB0  }
0x99: {  	_ =	swait.ge [sflag:s15], $0x2800  }
0x9a: {  	[sflag:s15] =	ssyncset.done $0x0  }
0x9b: {  	[sflag:s15] =	ssyncadd.s32 $0xFFFFD800  }
0x9c: {  	[spmem:s1] =	stream.indirect.scatter.add.f32 [tilespmem:s6], [sflag:$0x3], $0x80, s14, s16, $0xb8;
	[tilespmem:$0x19100] =	vst v63  }
0x9d: {  	s3 =	rddreg [dreg:$0xd]  }
0x9e: {  	[tilespmem:s4], [sflag:$0x2] =	stream.linear.gather [hbm4b:s3+s26], $0x50, $0x38;
	[tilespmem:$0x19100] =	vst v63  }
0x9f: {  	s30 =	rddreg [dreg:$0xb]  }
0xa0: {  	[tilespmem:s7], [sflag:$0x2] =	stream.linear.gather [hbm4b:s30+s26], $0x2800, $0x38;
	[tilespmem:$0x19100] =	vst v63  }
0xa1: {  	_ =	swait.ge [sflag:s10], $0x50  }
0xa2: {  	[sflag:s10] =	ssyncset.done $0x0  }
0xa3: {  	[sflag:s10] =	ssyncadd.s32 $0xFFFFFFB0  }
0xa4: {  	_ =	swait.ge [sflag:s10], $0x2800  }
0xa5: {  	[sflag:s10] =	ssyncset.done $0x0  }
0xa6: {  	[sflag:s10] =	ssyncadd.s32 $0xFFFFD800  }
0xa7: {  	[spmem:s1] =	stream.indirect.scatter.add.f32 [tilespmem:s7], [sflag:$0x4], $0x80, s4, s16, $0xb8;
	[tilespmem:$0x19100] =	vst v63  }
0xa8: {  	_ =	swait.ge [sflag:s17], $0x2800  }
0xa9: {  	[sflag:s17] =	ssyncset.done $0x0  }
0xaa: {  	s29 =	rddreg [dreg:$0xe];
	[sflag:s17] =	ssyncadd.s32 $0xFFFFD800  }
0xab: {  	[tilespmem:s14], [sflag:$0x1] =	stream.linear.gather [hbm4b:s29+s26], $0x50, $0x38;
	[tilespmem:$0x19100] =	vst v63  }
0xac: {  	s3 =	smov.u32 s28;
	s30 =	rddreg [dreg:$0xc]  }
0xad: {  	[tilespmem:s6], [sflag:$0x1] =	stream.linear.gather [hbm4b:s30+s26], $0x2800, $0x38;
	[tilespmem:$0x19100] =	vst v63  }
.LBB2_3:
0xae: {  	_ =	swait.ge [sflag:s15], $0x50  }
0xaf: {  	[sflag:s15] =	ssyncset.done $0x0  }
0xb0: {  	[sflag:s15] =	ssyncadd.s32 $0xFFFFFFB0  }
0xb1: {  	_ =	swait.ge [sflag:s15], $0x2800  }
0xb2: {  	[sflag:s15] =	ssyncset.done $0x0  }
0xb3: {  	[sflag:s15] =	ssyncadd.s32 $0xFFFFD800  }
0xb4: {  	[spmem:s1] =	stream.indirect.scatter.add.f32 [tilespmem:s6], [sflag:$0x3], $0x80, s14, s16, $0xb8;
	[tilespmem:$0x19100] =	vst v63  }
0xb5: {  	_ =	swait.ge [sflag:s18], $0x2800  }
0xb6: {  	[sflag:s18] =	ssyncset.done $0x0  }
0xb7: {  	s29 =	sadd.s32 $0xFFFFFFF6, s3;
	[sflag:s18] =	ssyncadd.s32 $0xFFFFD800  }
0xb8: {  	[tilespmem:s4], [sflag:$0x2] =	stream.linear.gather [hbm4b:s29+s2], $0x50, $0x38;
	[tilespmem:$0x19100] =	vst v63  }
0xb9: {  	s29 =	sadd.s32 s26, s9  }
0xba: {  	s30 =	sadd.s32 $0xF00, s29  }
0xbb: {  	[tilespmem:s7], [sflag:$0x2] =	stream.linear.gather [hbm4b:s30+s2], $0x2800, $0x38;
	[tilespmem:$0x19100] =	vst v63  }
0xbc: {  	_ =	swait.ge [sflag:s10], $0x50  }
0xbd: {  	[sflag:s10] =	ssyncset.done $0x0  }
0xbe: {  	[sflag:s10] =	ssyncadd.s32 $0xFFFFFFB0  }
0xbf: {  	_ =	swait.ge [sflag:s10], $0x2800  }
0xc0: {  	p1 =	seq.s32 s26, $0x4CE00;
	[sflag:s10] =	ssyncset.done $0x0  }
.Ltmp3:
0xc1: {  	[sflag:s10] =	ssyncadd.s32 $0xFFFFD800;
	(pc) =	sbr.rel @p1 .LBB2_4-.Ltmp3, $4  }
0xc2: {  	[spmem:s1] =	stream.indirect.scatter.add.f32 [tilespmem:s7], [sflag:$0x4], $0x80, s4, s16, $0xb8;
	[tilespmem:$0x19100] =	vst v63  }
0xc3: {  	_ =	swait.ge [sflag:s17], $0x2800  }
0xc4: {  	[sflag:s17] =	ssyncset.done $0x0  }
0xc5: {  	[sflag:s17] =	ssyncadd.s32 $0xFFFFD800  }
.Ltmp4:
0xc6: {  	(pc) =	sbr.rel .LBB2_3-.Ltmp4, $4  }
0xc7: {  	_ = 	snop  }
0xc8: {  	[tilespmem:s14], [sflag:$0x1] =	stream.linear.gather [hbm4b:s3+s2], $0x50, $0x38;
	[tilespmem:$0x19100] =	vst v63  }
0xc9: {  	s29 =	sadd.s32 $0x1400, s29;
	s26 =	sadd.s32 $0xA00, s26;
	s3 =	sadd.s32 $0x14, s3  }
0xca: {  	[tilespmem:s6], [sflag:$0x1] =	stream.linear.gather [hbm4b:s29+s2], $0x2800, $0x38;
	[tilespmem:$0x19100] =	vst v63  }
.LBB2_6:
0xcb: {  	[tilespmem:s6], [sflag:$0x1] =	stream.linear.gather [hbm4b:s8+s26], $0x2800, $0x38;
	[tilespmem:$0x19100] =	vst v63  }
0xcc: {  	_ =	swait.ge [sflag:s15], $0x50  }
0xcd: {  	[sflag:s15] =	ssyncset.done $0x0  }
0xce: {  	[sflag:s15] =	ssyncadd.s32 $0xFFFFFFB0  }
0xcf: {  	_ =	swait.ge [sflag:s15], $0x2800  }
0xd0: {  	[sflag:s15] =	ssyncset.done $0x0  }
0xd1: {  	[sflag:s15] =	ssyncadd.s32 $0xFFFFD800  }
0xd2: {  	[spmem:s1] =	stream.indirect.scatter.add.f32 [tilespmem:s6], [sflag:$0x3], $0x80, s14, s16, $0xb8;
	[tilespmem:$0x19100] =	vst v63  }
0xd3: {  	s3 =	rddreg [dreg:$0xd]  }
0xd4: {  	[tilespmem:s4], [sflag:$0x2] =	stream.linear.gather [hbm4b:s3+s26], $0x50, $0x38;
	[tilespmem:$0x19100] =	vst v63  }
0xd5: {  	s30 =	rddreg [dreg:$0x9]  }
0xd6: {  	[tilespmem:s7], [sflag:$0x2] =	stream.linear.gather [hbm4b:s30+s26], $0x2800, $0x38;
	[tilespmem:$0x19100] =	vst v63  }
0xd7: {  	_ =	swait.ge [sflag:s10], $0x50  }
0xd8: {  	[sflag:s10] =	ssyncset.done $0x0  }
0xd9: {  	[sflag:s10] =	ssyncadd.s32 $0xFFFFFFB0  }
0xda: {  	_ =	swait.ge [sflag:s10], $0x2800  }
0xdb: {  	[sflag:s10] =	ssyncset.done $0x0  }
0xdc: {  	[sflag:s10] =	ssyncadd.s32 $0xFFFFD800  }
0xdd: {  	[spmem:s1] =	stream.indirect.scatter.add.f32 [tilespmem:s7], [sflag:$0x4], $0x80, s4, s16, $0xb8;
	[tilespmem:$0x19100] =	vst v63  }
0xde: {  	_ =	swait.ge [sflag:s17], $0x2800  }
0xdf: {  	[sflag:s17] =	ssyncset.done $0x0  }
0xe0: {  	s29 =	rddreg [dreg:$0xe];
	[sflag:s17] =	ssyncadd.s32 $0xFFFFD800  }
0xe1: {  	[tilespmem:s14], [sflag:$0x1] =	stream.linear.gather [hbm4b:s29+s26], $0x50, $0x38;
	[tilespmem:$0x19100] =	vst v63  }
0xe2: {  	s3 =	smov.u32 s28;
	s30 =	rddreg [dreg:$0xa]  }
0xe3: {  	[tilespmem:s6], [sflag:$0x1] =	stream.linear.gather [hbm4b:s30+s26], $0x2800, $0x38;
	[tilespmem:$0x19100] =	vst v63  }
.LBB2_7:
0xe4: {  	_ =	swait.ge [sflag:s15], $0x50  }
0xe5: {  	[sflag:s15] =	ssyncset.done $0x0  }
0xe6: {  	[sflag:s15] =	ssyncadd.s32 $0xFFFFFFB0  }
0xe7: {  	_ =	swait.ge [sflag:s15], $0x2800  }
0xe8: {  	[sflag:s15] =	ssyncset.done $0x0  }
0xe9: {  	[sflag:s15] =	ssyncadd.s32 $0xFFFFD800  }
0xea: {  	[spmem:s1] =	stream.indirect.scatter.add.f32 [tilespmem:s6], [sflag:$0x3], $0x80, s14, s16, $0xb8;
	[tilespmem:$0x19100] =	vst v63  }
0xeb: {  	_ =	swait.ge [sflag:s18], $0x2800  }
0xec: {  	[sflag:s18] =	ssyncset.done $0x0  }
0xed: {  	s29 =	sadd.s32 $0xFFFFFFF6, s3;
	[sflag:s18] =	ssyncadd.s32 $0xFFFFD800  }
0xee: {  	[tilespmem:s4], [sflag:$0x2] =	stream.linear.gather [hbm4b:s29+s2], $0x50, $0x38;
	[tilespmem:$0x19100] =	vst v63  }
0xef: {  	s29 =	sadd.s32 s26, s8  }
0xf0: {  	s30 =	sadd.s32 $0xF00, s29  }
0xf1: {  	[tilespmem:s7], [sflag:$0x2] =	stream.linear.gather [hbm4b:s30+s2], $0x2800, $0x38;
	[tilespmem:$0x19100] =	vst v63  }
0xf2: {  	_ =	swait.ge [sflag:s10], $0x50  }
0xf3: {  	[sflag:s10] =	ssyncset.done $0x0  }
0xf4: {  	[sflag:s10] =	ssyncadd.s32 $0xFFFFFFB0  }
0xf5: {  	_ =	swait.ge [sflag:s10], $0x2800  }
0xf6: {  	p1 =	seq.s32 s26, $0x4CE00;
	[sflag:s10] =	ssyncset.done $0x0  }
.Ltmp5:
0xf7: {  	[sflag:s10] =	ssyncadd.s32 $0xFFFFD800;
	(pc) =	sbr.rel @p1 .LBB2_8-.Ltmp5, $4  }
0xf8: {  	[spmem:s1] =	stream.indirect.scatter.add.f32 [tilespmem:s7], [sflag:$0x4], $0x80, s4, s16, $0xb8;
	[tilespmem:$0x19100] =	vst v63  }
0xf9: {  	_ =	swait.ge [sflag:s17], $0x2800  }
0xfa: {  	[sflag:s17] =	ssyncset.done $0x0  }
0xfb: {  	[sflag:s17] =	ssyncadd.s32 $0xFFFFD800  }
.Ltmp6:
0xfc: {  	(pc) =	sbr.rel .LBB2_7-.Ltmp6, $4  }
0xfd: {  	_ = 	snop  }
0xfe: {  	[tilespmem:s14], [sflag:$0x1] =	stream.linear.gather [hbm4b:s3+s2], $0x50, $0x38;
	[tilespmem:$0x19100] =	vst v63  }
0xff: {  	s29 =	sadd.s32 $0x1400, s29;
	s26 =	sadd.s32 $0xA00, s26;
	s3 =	sadd.s32 $0x14, s3  }
0x100: {  	[tilespmem:s6], [sflag:$0x1] =	stream.linear.gather [hbm4b:s29+s2], $0x2800, $0x38;
	[tilespmem:$0x19100] =	vst v63  }
.LBB2_4:
.Ltmp7:
0x101: {  	(pc) =	sbr.rel .LBB2_9-.Ltmp7, $2  }
0x102: {  	_ =	sdelay $0x2  }
0x103: {  	s26 =	rddreg [dreg:$0x5]  }
.LBB2_10:
0x104: {  	_ =	sfence.sel $0x180000  }
0x105: {  	[bflag:$0x0] =	sbarrier.arrive $0xFFFF  }
0x106: {  	_ =	strace $0x9000004A  }
0x107: {  	s0 =	stileid.u32;
	[bflag:$0x2] =	sbarrier.arrive $0xFFFF  }
0x108: {  	p0 =	sne.s32 s0, $0x0;
	s0 =	rddreg [dreg:$0x3]  }
0x109: {  	s0 =	sadd.s32 @!p0 $0x100000, s0  }
0x10a: {  	[sflag:s0] =	ssyncadd.tile.s32 @!p0 $0x1;
	_ =	shalt  }
.Lfunc_end2:
_tile_overlayer_lowered:
.L_overlay_start_2:
0x10b: {  	(tag) =	ssettag $0x2  }
0x10c: {  	s0 =	rddreg [dreg:$0x0];
	s2 =	stileid.u32  }
0x10d: {  	s1 =	rddreg [dreg:$0x1];
	p0 =	sne.s32 s2, $0x0  }
0x10e: {  	s3 =	rddreg [dreg:$0x2];
	[bflag:$0x3] =	sbarrier.arrive $0xFFFF;
	s2 =	simm.s32 @!p0 $0x1C05  }
0x10f: {  	[timem:s3], [sflag:s2] =	dma.local @!p0 [hbm:s0], s1  }
0x110: {  	s0 =	simm.s32 @!p0 $0x5  }
0x111: {  	_ =	swait.ge @!p0 [sflag:s0], s1  }
0x112: {  	s1 =	ssub.s32 @!p0 $0x0, s1;
	[sflag:s0] =	ssyncset.done @!p0 $0x0  }
0x113: {  	[sflag:s0] =	ssyncadd.s32 @!p0 s1  }
0x114: {  	[bflag:$0x3] =	sbarrier.arrive $0xFFFF  }
0x115: {  	_ =	shalt  }

</sc_bundles>
